<compile_context>
chip_gen: v7x
topology: tpu7x:2x2x1
jax: 0.10.2.dev20260603
libtpu: 0.0.44.dev20260713+nightly
codegen_flags: <defaults>
</compile_context>

<pallas_src>
import functools

import jax
import jax.numpy as jnp
from jax import lax
from jax.experimental import pallas as pl
from jax.experimental.pallas import tpu as pltpu
from jax.experimental.pallas import tpu_sc as plsc

_B, _S = 8, 4
_T = _B * _S
_H = 1024
_E = 64
_EP = 128
_FF_TEXT = 1024
_FF_VIS = 512
_SH = 2048
_NORM_MIN = 1e-12
_NEG = -1e30
_L = 16


def _dotT(a, b):
    return jax.lax.dot_general(a, b, (((1,), (1,)), ((), ())),
                               preferred_element_type=jnp.float32)


def _logits_body(x_ref, tw_ref, vw_ref, ttc_ref, ttr_ref, tb_ref, vb_ref,
                 rl_ref, lcat_ref, meta_ref):
    x = x_ref[...]
    lt = _dotT(x, tw_ref[...])
    lv = _dotT(x, vw_ref[...])
    rl_ref[...] = jnp.where(ttc_ref[...] != 0, lv, lt)
    lcat_ref[...] = jnp.zeros((_T, 2 * _EP), jnp.float32)
    lcat_ref[:, :_E] = lt
    lcat_ref[:, _EP:_EP + _E] = lv
    meta_ref[...] = jnp.zeros((2, _EP), jnp.float32)
    meta_ref[0:1, :_T] = ttr_ref[...].astype(jnp.float32)
    meta_ref[0:1, _T:_T + _E] = tb_ref[...]
    meta_ref[1:2, :_E] = vb_ref[...]


def _sc_routing_body(lcat_hbm, meta_hbm, comb_hbm, sched_t_hbm, sched_v_hbm,
                     row0, row1, c0, c1, pr, meta, sh, big, schedv):
    c = lax.axis_index("c")
    s = lax.axis_index("s")
    lanes = lax.broadcasted_iota(jnp.int32, (_L,), 0)
    zero = jnp.zeros((_L,), jnp.float32)

    @pl.when(c == 0)
    def _():
        pltpu.sync_copy(meta_hbm, meta)
        pltpu.sync_copy(lcat_hbm.at[s], row0)
        pltpu.sync_copy(lcat_hbm.at[s + _L], row1)

        for crow in (c0, c1):
            for k in list(range(4, 8)) + list(range(12, 16)):
                crow[pl.ds(_L * k, _L)] = zero

        for r, row, crow in ((0, row0, c0), (1, row1, c1)):
            ttf = meta[0, pl.ds(_L * r, _L)]
            tt_t = jnp.sum(jnp.where(lanes == s, ttf, 0.0))
            mtf = jnp.where(tt_t == 0.0, 1.0, 0.0)
            mvf = 1.0 - mtf

            a = []
            b = []
            for k in range(4):
                a.append(row[pl.ds(_L * k, _L)] * mtf
                         + row[pl.ds(_EP + _L * k, _L)] * mvf)
                b.append(meta[0, pl.ds(_T + _L * k, _L)] * mtf
                         + meta[1, pl.ds(_L * k, _L)] * mvf)

            m = jnp.max(a[0])
            for k in range(1, 4):
                m = jnp.maximum(m, jnp.max(a[k]))
            e = [jnp.exp(a[k] - m) for k in range(4)]
            tot = e[0].sum() + e[1].sum() + e[2].sum() + e[3].sum()
            totv = zero + tot
            p = [e[k] / totv for k in range(4)]
            corr = [p[k] + b[k] for k in range(4)]

            def top1(vecs):
                m1 = jnp.max(vecs[0])
                for k in range(1, 4):
                    m1 = jnp.maximum(m1, jnp.max(vecs[k]))
                i1 = jnp.int32(1 << 20)
                p1 = jnp.float32(0.0)
                for k in range(4):
                    idx = lanes + _L * k
                    i1 = jnp.minimum(
                        i1, jnp.min(jnp.where(vecs[k] == m1, idx, 1 << 20)))
                for k in range(4):
                    idx = lanes + _L * k
                    p1 = p1 + jnp.sum(jnp.where(idx == i1, p[k], 0.0))
                return i1, p1

            i1, p1 = top1(corr)
            corr2 = [jnp.where(lanes + _L * k == i1, _NEG, corr[k])
                     for k in range(4)]
            i2, p2 = top1(corr2)

            denomv = jnp.maximum(zero + (p1 + p2), _NORM_MIN)
            w1 = (zero + p1) / denomv
            w2 = (zero + p2) / denomv

            for k in range(4):
                idx = lanes + _L * k
                cb = (jnp.where(idx == i1, w1, 0.0)
                      + jnp.where(idx == i2, w2, 0.0))
                crow[pl.ds(_L * k, _L)] = cb * mtf
                crow[pl.ds(_EP + _L * k, _L)] = cb * mvf

        for k in list(range(4)) + list(range(8, 12)):
            sl = pl.ds(_L * k, _L)
            pr[sl] = c0[sl] + c1[sl]
        for k in list(range(4, 8)) + list(range(12, 16)):
            pr[pl.ds(_L * k, _L)] = zero

        pltpu.sync_copy(c0, comb_hbm.at[s])
        pltpu.sync_copy(c1, comb_hbm.at[s + _L])
        pltpu.sync_copy(pr, sh.at[s])

    plsc.subcore_barrier()

    def build_schedule(base, sched_hbm):
        pltpu.sync_copy(sh, big)
        carry = jnp.float32(0.0)
        last_e = jnp.int32(0)
        pos = []
        sel = []
        for k in range(4):
            sl = pl.ds(base + _L * k, _L)
            acc = big[0, sl]
            for t in range(1, _L):
                acc = acc + big[t, sl]
            sel_k = acc > 0.0
            idx = lanes + _L * k
            cs = plsc.cumsum(jnp.where(sel_k, 1.0, 0.0)) + carry
            carry = jnp.max(cs)
            pos.append((cs - 1.0).astype(jnp.int32))
            sel.append(sel_k)
            last_e = jnp.maximum(
                last_e, jnp.max(jnp.where(sel_k, idx, -1)))
        last_e = jnp.maximum(last_e, 0)
        for k in range(4):
            schedv[pl.ds(_L * k, _L)] = jnp.zeros((_L,), jnp.int32) + last_e
        for k in range(4):
            idx = lanes + _L * k
            plsc.store_scatter(schedv, [pos[k]], idx, mask=sel[k])
        pltpu.sync_copy(schedv, sched_hbm)

    @pl.when(jnp.logical_and(c == 0, s == 0))
    def _():
        build_schedule(0, sched_t_hbm)

    @pl.when(jnp.logical_and(c == 0, s == 1))
    def _():
        build_schedule(_EP, sched_v_hbm)


def _sc_routing(lcat, meta):
    fn = pl.kernel(
        _sc_routing_body,
        out_type=[
            jax.ShapeDtypeStruct((_T, 2 * _EP), jnp.float32),
            jax.ShapeDtypeStruct((_E,), jnp.int32),
            jax.ShapeDtypeStruct((_E,), jnp.int32),
        ],
        mesh=plsc.VectorSubcoreMesh(core_axis_name="c", subcore_axis_name="s"),
        compiler_params=pltpu.CompilerParams(needs_layout_passes=False),
        scratch_types=[
            pltpu.VMEM((2 * _EP,), jnp.float32),
            pltpu.VMEM((2 * _EP,), jnp.float32),
            pltpu.VMEM((2 * _EP,), jnp.float32),
            pltpu.VMEM((2 * _EP,), jnp.float32),
            pltpu.VMEM((2 * _EP,), jnp.float32),
            pltpu.VMEM((2, _EP), jnp.float32),
            pltpu.VMEM_SHARED((_L, 2 * _EP), jnp.float32),
            pltpu.VMEM((_L, 2 * _EP), jnp.float32),
            pltpu.VMEM((_E,), jnp.int32),
        ],
    )
    return fn(lcat, meta)


def _shared_body(x_ref, gw_ref, uw_ref, dw_ref, out_ref):
    i = pl.program_id(0)

    @pl.when(i == 0)
    def _():
        out_ref[...] = jnp.zeros_like(out_ref)

    x = x_ref[...]
    g = _dotT(x, gw_ref[...])
    u = _dotT(x, uw_ref[...])
    h = g * jax.nn.sigmoid(g) * u
    out_ref[...] += _dotT(h, dw_ref[...])


def _expert_body(sched_ref, x_ref, g_ref, u_ref, dn_ref, comb_ref, base_ref,
                 out_ref, *, lane_off):
    i = pl.program_id(0)
    e = sched_ref[i]
    ep = sched_ref[jnp.maximum(i - 1, 0)]
    fresh = jnp.logical_or(i == 0, e != ep)

    @pl.when(i == 0)
    def _():
        out_ref[...] = base_ref[...]

    @pl.when(fresh)
    def _():
        x = x_ref[...]
        g = jnp.dot(x, g_ref[0], preferred_element_type=jnp.float32)
        u = jnp.dot(x, u_ref[0], preferred_element_type=jnp.float32)
        h = g * jax.nn.sigmoid(g) * u
        y = jnp.dot(h, dn_ref[0], preferred_element_type=jnp.float32)
        lane = jax.lax.broadcasted_iota(jnp.int32, (_T, 2 * _EP), 1)
        crow = jnp.sum(jnp.where(lane == e + lane_off, comb_ref[...], 0.0),
                       axis=1, keepdims=True)
        out_ref[...] += y * crow


def _expert_call(sched, x, gate_up, down, comb, base, ff, lane_off):
    grid_spec = pltpu.PrefetchScalarGridSpec(
        num_scalar_prefetch=1,
        grid=(_E,),
        in_specs=[
            pl.BlockSpec((_T, _H), lambda i, s: (0, 0)),
            pl.BlockSpec((1, _H, ff), lambda i, s: (s[i], 0, 0)),
            pl.BlockSpec((1, _H, ff), lambda i, s: (s[i], 0, 1)),
            pl.BlockSpec((1, ff, _H), lambda i, s: (s[i], 0, 0)),
            pl.BlockSpec((_T, 2 * _EP), lambda i, s: (0, 0)),
            pl.BlockSpec((_T, _H), lambda i, s: (0, 0)),
        ],
        out_specs=pl.BlockSpec((_T, _H), lambda i, s: (0, 0)),
    )
    return pl.pallas_call(
        functools.partial(_expert_body, lane_off=lane_off),
        grid_spec=grid_spec,
        out_shape=jax.ShapeDtypeStruct((_T, _H), jnp.float32),
    )(sched, x, gate_up, gate_up, down, comb, base)


def kernel(hidden_states, moe_mm_token_type_ids, text_router_w, text_bias,
           text_gate_up, text_down, vis_router_w, vis_bias, vis_gate_up,
           vis_down, shared_gate_w, shared_up_w, shared_down_w):
    Bv, Sv, D = hidden_states.shape
    x = hidden_states.reshape(-1, D)
    tt1d = moe_mm_token_type_ids.reshape(-1).astype(jnp.int32)

    rl, lcat, meta = pl.pallas_call(
        _logits_body,
        out_shape=[
            jax.ShapeDtypeStruct((_T, _E), jnp.float32),
            jax.ShapeDtypeStruct((_T, 2 * _EP), jnp.float32),
            jax.ShapeDtypeStruct((2, _EP), jnp.float32),
        ],
    )(x, text_router_w, vis_router_w, tt1d.reshape(_T, 1),
      tt1d.reshape(1, _T), text_bias.reshape(1, _E), vis_bias.reshape(1, _E))

    comb, sched_t, sched_v = _sc_routing(lcat, meta)

    n_chunks = 4
    chunk = _SH // n_chunks
    shared = pl.pallas_call(
        _shared_body,
        grid=(n_chunks,),
        in_specs=[
            pl.BlockSpec((_T, _H), lambda i: (0, 0)),
            pl.BlockSpec((chunk, _H), lambda i: (i, 0)),
            pl.BlockSpec((chunk, _H), lambda i: (i, 0)),
            pl.BlockSpec((_H, chunk), lambda i: (0, i)),
        ],
        out_specs=pl.BlockSpec((_T, _H), lambda i: (0, 0)),
        out_shape=jax.ShapeDtypeStruct((_T, _H), jnp.float32),
    )(x, shared_gate_w, shared_up_w, shared_down_w)

    acc = _expert_call(sched_t, x, text_gate_up, text_down, comb, shared,
                       _FF_TEXT, 0)
    final = _expert_call(sched_v, x, vis_gate_up, vis_down, comb, acc,
                         _FF_VIS, _EP)

    return final.reshape(Bv, Sv, D), rl

# --- scband reference (transcript-rebuilt; emitter-appended) ---
"""Pipeline reference for scband-ernie4-5-vl-moe-moe-block-10831907520597 (READ-ONLY COPY).

The authoritative reference and input builder live on the scoring server;
editing this copy changes nothing except your own understanding.
"""

import jax, jax.numpy as jnp
import numpy as np

B, S = 8, 4
HIDDEN = 1024
E = 64
TOP_K = 2
FF_TEXT = 1024
FF_VIS = 512
N_SHARED = 2
NORM_MIN = 1e-12


def setup_inputs(seed: int = 0):
    key = jax.random.key(seed)
    ks = jax.random.split(key, 12)
    s = 0.02
    sh = FF_TEXT * N_SHARED
    return {
        "hidden_states": jax.random.normal(ks[0], (B, S, HIDDEN), dtype=jnp.float32),
        "moe_mm_token_type_ids": jax.random.randint(ks[1], (B, S), 0, 2).astype(jnp.int32),
        "text_router_w": jax.random.normal(ks[2], (E, HIDDEN), dtype=jnp.float32) * s,
        "text_bias": jnp.zeros((E,), dtype=jnp.float32),
        "text_gate_up": jax.random.normal(ks[3], (E, HIDDEN, 2 * FF_TEXT), dtype=jnp.float32) * s,
        "text_down": jax.random.normal(ks[4], (E, FF_TEXT, HIDDEN), dtype=jnp.float32) * s,
        "vis_router_w": jax.random.normal(ks[5], (E, HIDDEN), dtype=jnp.float32) * s,
        "vis_bias": jnp.zeros((E,), dtype=jnp.float32),
        "vis_gate_up": jax.random.normal(ks[6], (E, HIDDEN, 2 * FF_VIS), dtype=jnp.float32) * s,
        "vis_down": jax.random.normal(ks[7], (E, FF_VIS, HIDDEN), dtype=jnp.float32) * s,
        "shared_gate_w": jax.random.normal(ks[8], (sh, HIDDEN), dtype=jnp.float32) * s,
        "shared_up_w": jax.random.normal(ks[9], (sh, HIDDEN), dtype=jnp.float32) * s,
        "shared_down_w": jax.random.normal(ks[10], (HIDDEN, sh), dtype=jnp.float32) * s,
    }


def _sparse_moe(x, router_w, bias, gate_up, down):
    # Router: logits -> softmax -> bias-corrected top-k (bias only affects selection)
    logits = x @ router_w.T
    probs = jax.nn.softmax(logits, axis=1)
    corrected = probs + bias
    _, idx = jax.lax.top_k(corrected, TOP_K)
    w = jnp.take_along_axis(probs, idx, axis=-1)
    w = w / jnp.maximum(jnp.sum(w, axis=-1, keepdims=True), NORM_MIN)
    # Combine weights scattered over experts (one-hot dispatch == sparse index_add)
    onehot = jax.nn.one_hot(idx, E, dtype=x.dtype)
    comb = jnp.einsum('tke,tk->te', onehot, w)
    gu = jnp.einsum('td,edf->tef', x, gate_up)
    g, u = jnp.split(gu, 2, axis=-1)
    h = jax.nn.silu(g) * u
    y = jnp.einsum('tef,efd->ted', h, down)
    out = jnp.einsum('ted,te->td', y, comb)
    return out, logits


def reference(hidden_states, moe_mm_token_type_ids, text_router_w, text_bias,
              text_gate_up, text_down, vis_router_w, vis_bias, vis_gate_up,
              vis_down, shared_gate_w, shared_up_w, shared_down_w):
    Bv, Sv, D = hidden_states.shape
    x = hidden_states.reshape(-1, D)
    # shared experts MLP over all tokens
    shared = (jax.nn.silu(x @ shared_gate_w.T) * (x @ shared_up_w.T)) @ shared_down_w.T
    tt = moe_mm_token_type_ids.reshape(-1).astype(bool)
    t_out, t_log = _sparse_moe(x, text_router_w, text_bias, text_gate_up, text_down)
    v_out, v_log = _sparse_moe(x, vis_router_w, vis_bias, vis_gate_up, vis_down)
    m = tt[:, None]
    final = jnp.where(m, v_out, t_out)
    router_logits = jnp.where(m, v_log, t_log).astype(jnp.float32)
    final = final + shared
    return final.reshape(Bv, Sv, D), router_logits

if __name__ == "__main__":
    import jax
    _d = setup_inputs()
    print(jax.jit(kernel)(*tuple(_d.values())))

</pallas_src>

<mosaic_0001>
#map = affine_map<(d0, d1) -> (0, 0)>
#map1 = affine_map<(d0, d1) -> (0)>
module attributes {stable_mosaic.version = 14 : i64} {
  func.func @_sc_routing_body(%arg0: i32, %arg1: i32, %arg2: memref<32x256xf32, #tpu.memory_space<hbm>>, %arg3: memref<2x128xf32, #tpu.memory_space<hbm>>, %arg4: memref<32x256xf32, #tpu.memory_space<hbm>>, %arg5: memref<64xi32, #tpu.memory_space<hbm>>, %arg6: memref<64xi32, #tpu.memory_space<hbm>>, %arg7: memref<256xf32, #tpu.memory_space<vmem>>, %arg8: memref<256xf32, #tpu.memory_space<vmem>>, %arg9: memref<256xf32, #tpu.memory_space<vmem>>, %arg10: memref<256xf32, #tpu.memory_space<vmem>>, %arg11: memref<256xf32, #tpu.memory_space<vmem>>, %arg12: memref<2x128xf32, #tpu.memory_space<vmem>>, %arg13: memref<16x256xf32, #tpu.memory_space<vmem_shared>>, %arg14: memref<16x256xf32, #tpu.memory_space<vmem>>, %arg15: memref<64xi32, #tpu.memory_space<vmem>>) attributes {dimension_semantics = [#tpu.dimension_semantics<core_parallel>, #tpu.dimension_semantics<subcore_parallel>], iteration_bounds = array<i64: 2, 16>, scalar_prefetch = 0 : i64, scratch_operands = 9 : i64, tpu.core_type = #tpu.core_type<sc_vector_subcore>, window_params = [{transform_indices = #map}, {transform_indices = #map}, {transform_indices = #map}, {transform_indices = #map1}, {transform_indices = #map1}]} {
    %iota3A = tpu.iota {dimensions = array<i32: 0>} : vector<16xi32>
    %broadcast_in_dim3A = arith.constant 0.000000e+00 : f32
    %broadcast_in_dim3A_0 = vector.broadcast %broadcast_in_dim3A : f32 to vector<16xf32>
    %eq3A = arith.constant 0 : i32
    %eq3A_1 = arith.cmpi eq, %arg0, %eq3A : i32
    %convert_element_type3A = arith.extui %eq3A_1 : i1 to i32
    %cond3A = arith.constant 0 : i32
    %cond3A_2 = arith.cmpi ne, %convert_element_type3A, %cond3A : i32
    scf.if %cond3A_2 {
      "tpu.region"() ({
        %run_scoped3A = tpu.sem_alloc : memref<!tpu.dma_semaphore, #tpu.memory_space<semaphore_mem>>
        tpu.enqueue_dma source(%arg3 : memref<2x128xf32, #tpu.memory_space<hbm>>) target(%arg12 : memref<2x128xf32, #tpu.memory_space<vmem>>) target_semaphore(%run_scoped3A : memref<!tpu.dma_semaphore, #tpu.memory_space<semaphore_mem>>)
        tpu.wait_dma2 semaphore(%run_scoped3A : memref<!tpu.dma_semaphore, #tpu.memory_space<semaphore_mem>>) src(%arg3 : memref<2x128xf32, #tpu.memory_space<hbm>>) dst(%arg12 : memref<2x128xf32, #tpu.memory_space<vmem>>)
        tpu.yield
      }) : () -> ()
      "tpu.region"() ({
        %run_scoped3A = tpu.sem_alloc : memref<!tpu.dma_semaphore, #tpu.memory_space<semaphore_mem>>
        %dma_start3A = arith.constant 0 : i32
        %dma_start3A_1276 = tpu.memref_slice %arg2[%arg1, %dma_start3A] : memref<32x256xf32, #tpu.memory_space<hbm>> -> memref<1x256xf32, #tpu.memory_space<hbm>>
        %dma_start3A_1277 = tpu.memref_squeeze %dma_start3A_1276 : memref<1x256xf32, #tpu.memory_space<hbm>> -> memref<256xf32, #tpu.memory_space<hbm>>
        %dma_start3A_1278 = arith.constant 0 : i32
        %dma_start3A_1279 = tpu.memref_slice %arg2[%arg1, %dma_start3A_1278] : memref<32x256xf32, #tpu.memory_space<hbm>> -> memref<1x256xf32, #tpu.memory_space<hbm>>
        %dma_start3A_1280 = tpu.memref_squeeze %dma_start3A_1279 : memref<1x256xf32, #tpu.memory_space<hbm>> -> memref<256xf32, #tpu.memory_space<hbm>>
        tpu.enqueue_dma source(%dma_start3A_1280 : memref<256xf32, #tpu.memory_space<hbm>>) target(%arg7 : memref<256xf32, #tpu.memory_space<vmem>>) target_semaphore(%run_scoped3A : memref<!tpu.dma_semaphore, #tpu.memory_space<semaphore_mem>>)
        %dma_wait3A = arith.constant 0 : i32
        %dma_wait3A_1281 = tpu.memref_slice %arg2[%arg1, %dma_wait3A] : memref<32x256xf32, #tpu.memory_space<hbm>> -> memref<1x256xf32, #tpu.memory_space<hbm>>
        %dma_wait3A_1282 = tpu.memref_squeeze %dma_wait3A_1281 : memref<1x256xf32, #tpu.memory_space<hbm>> -> memref<256xf32, #tpu.memory_space<hbm>>
        %dma_wait3A_1283 = arith.constant 0 : i32
        %dma_wait3A_1284 = tpu.memref_slice %arg2[%arg1, %dma_wait3A_1283] : memref<32x256xf32, #tpu.memory_space<hbm>> -> memref<1x256xf32, #tpu.memory_space<hbm>>
        %dma_wait3A_1285 = tpu.memref_squeeze %dma_wait3A_1284 : memref<1x256xf32, #tpu.memory_space<hbm>> -> memref<256xf32, #tpu.memory_space<hbm>>
        tpu.wait_dma2 semaphore(%run_scoped3A : memref<!tpu.dma_semaphore, #tpu.memory_space<semaphore_mem>>) src(%dma_wait3A_1285 : memref<256xf32, #tpu.memory_space<hbm>>) dst(%arg7 : memref<256xf32, #tpu.memory_space<vmem>>)
        tpu.yield
      }) : () -> ()
      %add3A = arith.constant 16 : i32
      %add3A_18 = arith.addi %arg1, %add3A : i32
      "tpu.region"() ({
        %run_scoped3A = tpu.sem_alloc : memref<!tpu.dma_semaphore, #tpu.memory_space<semaphore_mem>>
        %dma_start3A = arith.constant 0 : i32
        %dma_start3A_1276 = tpu.memref_slice %arg2[%add3A_18, %dma_start3A] : memref<32x256xf32, #tpu.memory_space<hbm>> -> memref<1x256xf32, #tpu.memory_space<hbm>>
        %dma_start3A_1277 = tpu.memref_squeeze %dma_start3A_1276 : memref<1x256xf32, #tpu.memory_space<hbm>> -> memref<256xf32, #tpu.memory_space<hbm>>
        %dma_start3A_1278 = arith.constant 0 : i32
        %dma_start3A_1279 = tpu.memref_slice %arg2[%add3A_18, %dma_start3A_1278] : memref<32x256xf32, #tpu.memory_space<hbm>> -> memref<1x256xf32, #tpu.memory_space<hbm>>
        %dma_start3A_1280 = tpu.memref_squeeze %dma_start3A_1279 : memref<1x256xf32, #tpu.memory_space<hbm>> -> memref<256xf32, #tpu.memory_space<hbm>>
        tpu.enqueue_dma source(%dma_start3A_1280 : memref<256xf32, #tpu.memory_space<hbm>>) target(%arg8 : memref<256xf32, #tpu.memory_space<vmem>>) target_semaphore(%run_scoped3A : memref<!tpu.dma_semaphore, #tpu.memory_space<semaphore_mem>>)
        %dma_wait3A = arith.constant 0 : i32
        %dma_wait3A_1281 = tpu.memref_slice %arg2[%add3A_18, %dma_wait3A] : memref<32x256xf32, #tpu.memory_space<hbm>> -> memref<1x256xf32, #tpu.memory_space<hbm>>
        %dma_wait3A_1282 = tpu.memref_squeeze %dma_wait3A_1281 : memref<1x256xf32, #tpu.memory_space<hbm>> -> memref<256xf32, #tpu.memory_space<hbm>>
        %dma_wait3A_1283 = arith.constant 0 : i32
        %dma_wait3A_1284 = tpu.memref_slice %arg2[%add3A_18, %dma_wait3A_1283] : memref<32x256xf32, #tpu.memory_space<hbm>> -> memref<1x256xf32, #tpu.memory_space<hbm>>
        %dma_wait3A_1285 = tpu.memref_squeeze %dma_wait3A_1284 : memref<1x256xf32, #tpu.memory_space<hbm>> -> memref<256xf32, #tpu.memory_space<hbm>>
        tpu.wait_dma2 semaphore(%run_scoped3A : memref<!tpu.dma_semaphore, #tpu.memory_space<semaphore_mem>>) src(%dma_wait3A_1285 : memref<256xf32, #tpu.memory_space<hbm>>) dst(%arg8 : memref<256xf32, #tpu.memory_space<vmem>>)
        tpu.yield
      }) : () -> ()
      %swap3A = arith.constant 64 : index
      %swap3A_19 = tpu.vector_load %arg9[%swap3A] {strides = array<i32>} : memref<256xf32, #tpu.memory_space<vmem>>, vector<16xf32>,
      tpu.vector_store %arg9[%swap3A], %broadcast_in_dim3A_0 {strides = array<i32>} : memref<256xf32, #tpu.memory_space<vmem>>, vector<16xf32>,
      %swap3A_20 = arith.constant 80 : index
      %swap3A_21 = tpu.vector_load %arg9[%swap3A_20] {strides = array<i32>} : memref<256xf32, #tpu.memory_space<vmem>>, vector<16xf32>,
      tpu.vector_store %arg9[%swap3A_20], %broadcast_in_dim3A_0 {strides = array<i32>} : memref<256xf32, #tpu.memory_space<vmem>>, vector<16xf32>,
      %swap3A_22 = arith.constant 96 : index
      %swap3A_23 = tpu.vector_load %arg9[%swap3A_22] {strides = array<i32>} : memref<256xf32, #tpu.memory_space<vmem>>, vector<16xf32>,
      tpu.vector_store %arg9[%swap3A_22], %broadcast_in_dim3A_0 {strides = array<i32>} : memref<256xf32, #tpu.memory_space<vmem>>, vector<16xf32>,
      %swap3A_24 = arith.constant 112 : index
      %swap3A_25 = tpu.vector_load %arg9[%swap3A_24] {strides = array<i32>} : memref<256xf32, #tpu.memory_space<vmem>>, vector<16xf32>,
      tpu.vector_store %arg9[%swap3A_24], %broadcast_in_dim3A_0 {strides = array<i32>} : memref<256xf32, #tpu.memory_space<vmem>>, vector<16xf32>,
      %swap3A_26 = arith.constant 192 : index
      %swap3A_27 = tpu.vector_load %arg9[%swap3A_26] {strides = array<i32>} : memref<256xf32, #tpu.memory_space<vmem>>, vector<16xf32>,
      tpu.vector_store %arg9[%swap3A_26], %broadcast_in_dim3A_0 {strides = array<i32>} : memref<256xf32, #tpu.memory_space<vmem>>, vector<16xf32>,
      %swap3A_28 = arith.constant 208 : index
      %swap3A_29 = tpu.vector_load %arg9[%swap3A_28] {strides = array<i32>} : memref<256xf32, #tpu.memory_space<vmem>>, vector<16xf32>,
      tpu.vector_store %arg9[%swap3A_28], %broadcast_in_dim3A_0 {strides = array<i32>} : memref<256xf32, #tpu.memory_space<vmem>>, vector<16xf32>,
      %swap3A_30 = arith.constant 224 : index
      %swap3A_31 = tpu.vector_load %arg9[%swap3A_30] {strides = array<i32>} : memref<256xf32, #tpu.memory_space<vmem>>, vector<16xf32>,
      tpu.vector_store %arg9[%swap3A_30], %broadcast_in_dim3A_0 {strides = array<i32>} : memref<256xf32, #tpu.memory_space<vmem>>, vector<16xf32>,
      %swap3A_32 = arith.constant 240 : index
      %swap3A_33 = tpu.vector_load %arg9[%swap3A_32] {strides = array<i32>} : memref<256xf32, #tpu.memory_space<vmem>>, vector<16xf32>,
      tpu.vector_store %arg9[%swap3A_32], %broadcast_in_dim3A_0 {strides = array<i32>} : memref<256xf32, #tpu.memory_space<vmem>>, vector<16xf32>,
      %swap3A_34 = arith.constant 64 : index
      %swap3A_35 = tpu.vector_load %arg10[%swap3A_34] {strides = array<i32>} : memref<256xf32, #tpu.memory_space<vmem>>, vector<16xf32>,
      tpu.vector_store %arg10[%swap3A_34], %broadcast_in_dim3A_0 {strides = array<i32>} : memref<256xf32, #tpu.memory_space<vmem>>, vector<16xf32>,
      %swap3A_36 = arith.constant 80 : index
      %swap3A_37 = tpu.vector_load %arg10[%swap3A_36] {strides = array<i32>} : memref<256xf32, #tpu.memory_space<vmem>>, vector<16xf32>,
      tpu.vector_store %arg10[%swap3A_36], %broadcast_in_dim3A_0 {strides = array<i32>} : memref<256xf32, #tpu.memory_space<vmem>>, vector<16xf32>,
      %swap3A_38 = arith.constant 96 : index
      %swap3A_39 = tpu.vector_load %arg10[%swap3A_38] {strides = array<i32>} : memref<256xf32, #tpu.memory_space<vmem>>, vector<16xf32>,
      tpu.vector_store %arg10[%swap3A_38], %broadcast_in_dim3A_0 {strides = array<i32>} : memref<256xf32, #tpu.memory_space<vmem>>, vector<16xf32>,
      %swap3A_40 = arith.constant 112 : index
      %swap3A_41 = tpu.vector_load %arg10[%swap3A_40] {strides = array<i32>} : memref<256xf32, #tpu.memory_space<vmem>>, vector<16xf32>,
      tpu.vector_store %arg10[%swap3A_40], %broadcast_in_dim3A_0 {strides = array<i32>} : memref<256xf32, #tpu.memory_space<vmem>>, vector<16xf32>,
      %swap3A_42 = arith.constant 192 : index
      %swap3A_43 = tpu.vector_load %arg10[%swap3A_42] {strides = array<i32>} : memref<256xf32, #tpu.memory_space<vmem>>, vector<16xf32>,
      tpu.vector_store %arg10[%swap3A_42], %broadcast_in_dim3A_0 {strides = array<i32>} : memref<256xf32, #tpu.memory_space<vmem>>, vector<16xf32>,
      %swap3A_44 = arith.constant 208 : index
      %swap3A_45 = tpu.vector_load %arg10[%swap3A_44] {strides = array<i32>} : memref<256xf32, #tpu.memory_space<vmem>>, vector<16xf32>,
      tpu.vector_store %arg10[%swap3A_44], %broadcast_in_dim3A_0 {strides = array<i32>} : memref<256xf32, #tpu.memory_space<vmem>>, vector<16xf32>,
      %swap3A_46 = arith.constant 224 : index
      %swap3A_47 = tpu.vector_load %arg10[%swap3A_46] {strides = array<i32>} : memref<256xf32, #tpu.memory_space<vmem>>, vector<16xf32>,
      tpu.vector_store %arg10[%swap3A_46], %broadcast_in_dim3A_0 {strides = array<i32>} : memref<256xf32, #tpu.memory_space<vmem>>, vector<16xf32>,
      %swap3A_48 = arith.constant 240 : index
      %swap3A_49 = tpu.vector_load %arg10[%swap3A_48] {strides = array<i32>} : memref<256xf32, #tpu.memory_space<vmem>>, vector<16xf32>,
      tpu.vector_store %arg10[%swap3A_48], %broadcast_in_dim3A_0 {strides = array<i32>} : memref<256xf32, #tpu.memory_space<vmem>>, vector<16xf32>,
      %get3A = arith.constant 0 : i32
      %get3A_50 = arith.index_cast %get3A : i32 to index
      %get3A_51 = arith.constant 0 : index
      %get3A_52 = tpu.vector_load %arg12[%get3A_50, %get3A_51] {strides = array<i32>} : memref<2x128xf32, #tpu.memory_space<vmem>>, vector<16xf32>,
      %eq3A_53 = vector.broadcast %arg1 : i32 to vector<16xi32>
      %eq3A_54 = arith.cmpi eq, %iota3A, %eq3A_53 : vector<16xi32>
      %jit3A = arith.constant 0.000000e+00 : f32
      %broadcast_in_dim3A_55 = vector.broadcast %jit3A : f32 to vector<16xf32>
      %select_n3A = arith.select %eq3A_54, %get3A_52, %broadcast_in_dim3A_55 : vector<16xi1>, vector<16xf32>
      %reduce_sum3A = arith.constant true
      %reduce_sum3A_56 = vector.broadcast %reduce_sum3A : i1 to vector<16xi1>
      %reduce_sum3A_57 = tpu.scan <sum>, %select_n3A masked %reduce_sum3A_56 : vector<16xf32>, vector<16xi1> -> vector<16xf32>
      %reduce_sum3A_58 = vector.extract %reduce_sum3A_57[15] : f32 from vector<16xf32>
      %eq3A_59 = arith.constant 0.000000e+00 : f32
      %eq3A_60 = arith.cmpf oeq, %reduce_sum3A_58, %eq3A_59 : f32
      %jit3A_61 = arith.constant 1.000000e+00 : f32
      %jit3A_62 = arith.constant 0.000000e+00 : f32
      %select_n3A_63 = arith.select %eq3A_60, %jit3A_61, %jit3A_62 : f32
      %sub3A = arith.constant 1.000000e+00 : f32
      %sub3A_64 = arith.subf %sub3A, %select_n3A_63 : f32
      %get3A_65 = arith.constant 0 : index
      %get3A_66 = tpu.vector_load %arg7[%get3A_65] {strides = array<i32>} : memref<256xf32, #tpu.memory_space<vmem>>, vector<16xf32>,
      %mul3A = vector.broadcast %select_n3A_63 : f32 to vector<16xf32>
      %mul3A_67 = arith.mulf %get3A_66, %mul3A : vector<16xf32>
      %get3A_68 = arith.constant 128 : index
      %get3A_69 = tpu.vector_load %arg7[%get3A_68] {strides = array<i32>} : memref<256xf32, #tpu.memory_space<vmem>>, vector<16xf32>,
      %mul3A_70 = vector.broadcast %sub3A_64 : f32 to vector<16xf32>
      %mul3A_71 = arith.mulf %get3A_69, %mul3A_70 : vector<16xf32>
      %add3A_72 = arith.addf %mul3A_67, %mul3A_71 : vector<16xf32>
      %get3A_73 = arith.constant 0 : i32
      %get3A_74 = arith.index_cast %get3A_73 : i32 to index
      %get3A_75 = arith.constant 32 : index
      %get3A_76 = tpu.vector_load %arg12[%get3A_74, %get3A_75] {strides = array<i32>} : memref<2x128xf32, #tpu.memory_space<vmem>>, vector<16xf32>,
      %mul3A_77 = vector.broadcast %select_n3A_63 : f32 to vector<16xf32>
      %mul3A_78 = arith.mulf %get3A_76, %mul3A_77 : vector<16xf32>
      %get3A_79 = arith.constant 1 : i32
      %get3A_80 = arith.index_cast %get3A_79 : i32 to index
      %get3A_81 = arith.constant 0 : index
      %get3A_82 = tpu.vector_load %arg12[%get3A_80, %get3A_81] {strides = array<i32>} : memref<2x128xf32, #tpu.memory_space<vmem>>, vector<16xf32>,
      %mul3A_83 = vector.broadcast %sub3A_64 : f32 to vector<16xf32>
      %mul3A_84 = arith.mulf %get3A_82, %mul3A_83 : vector<16xf32>
      %add3A_85 = arith.addf %mul3A_78, %mul3A_84 : vector<16xf32>
      %get3A_86 = arith.constant 16 : index
      %get3A_87 = tpu.vector_load %arg7[%get3A_86] {strides = array<i32>} : memref<256xf32, #tpu.memory_space<vmem>>, vector<16xf32>,
      %mul3A_88 = vector.broadcast %select_n3A_63 : f32 to vector<16xf32>
      %mul3A_89 = arith.mulf %get3A_87, %mul3A_88 : vector<16xf32>
      %get3A_90 = arith.constant 144 : index
      %get3A_91 = tpu.vector_load %arg7[%get3A_90] {strides = array<i32>} : memref<256xf32, #tpu.memory_space<vmem>>, vector<16xf32>,
      %mul3A_92 = vector.broadcast %sub3A_64 : f32 to vector<16xf32>
      %mul3A_93 = arith.mulf %get3A_91, %mul3A_92 : vector<16xf32>
      %add3A_94 = arith.addf %mul3A_89, %mul3A_93 : vector<16xf32>
      %get3A_95 = arith.constant 0 : i32
      %get3A_96 = arith.index_cast %get3A_95 : i32 to index
      %get3A_97 = arith.constant 48 : index
      %get3A_98 = tpu.vector_load %arg12[%get3A_96, %get3A_97] {strides = array<i32>} : memref<2x128xf32, #tpu.memory_space<vmem>>, vector<16xf32>,
      %mul3A_99 = vector.broadcast %select_n3A_63 : f32 to vector<16xf32>
      %mul3A_100 = arith.mulf %get3A_98, %mul3A_99 : vector<16xf32>
      %get3A_101 = arith.constant 1 : i32
      %get3A_102 = arith.index_cast %get3A_101 : i32 to index
      %get3A_103 = arith.constant 16 : index
      %get3A_104 = tpu.vector_load %arg12[%get3A_102, %get3A_103] {strides = array<i32>} : memref<2x128xf32, #tpu.memory_space<vmem>>, vector<16xf32>,
      %mul3A_105 = vector.broadcast %sub3A_64 : f32 to vector<16xf32>
      %mul3A_106 = arith.mulf %get3A_104, %mul3A_105 : vector<16xf32>
      %add3A_107 = arith.addf %mul3A_100, %mul3A_106 : vector<16xf32>
      %get3A_108 = arith.constant 32 : index
      %get3A_109 = tpu.vector_load %arg7[%get3A_108] {strides = array<i32>} : memref<256xf32, #tpu.memory_space<vmem>>, vector<16xf32>,
      %mul3A_110 = vector.broadcast %select_n3A_63 : f32 to vector<16xf32>
      %mul3A_111 = arith.mulf %get3A_109, %mul3A_110 : vector<16xf32>
      %get3A_112 = arith.constant 160 : index
      %get3A_113 = tpu.vector_load %arg7[%get3A_112] {strides = array<i32>} : memref<256xf32, #tpu.memory_space<vmem>>, vector<16xf32>,
      %mul3A_114 = vector.broadcast %sub3A_64 : f32 to vector<16xf32>
      %mul3A_115 = arith.mulf %get3A_113, %mul3A_114 : vector<16xf32>
      %add3A_116 = arith.addf %mul3A_111, %mul3A_115 : vector<16xf32>
      %get3A_117 = arith.constant 0 : i32
      %get3A_118 = arith.index_cast %get3A_117 : i32 to index
      %get3A_119 = arith.constant 64 : index
      %get3A_120 = tpu.vector_load %arg12[%get3A_118, %get3A_119] {strides = array<i32>} : memref<2x128xf32, #tpu.memory_space<vmem>>, vector<16xf32>,
      %mul3A_121 = vector.broadcast %select_n3A_63 : f32 to vector<16xf32>
      %mul3A_122 = arith.mulf %get3A_120, %mul3A_121 : vector<16xf32>
      %get3A_123 = arith.constant 1 : i32
      %get3A_124 = arith.index_cast %get3A_123 : i32 to index
      %get3A_125 = arith.constant 32 : index
      %get3A_126 = tpu.vector_load %arg12[%get3A_124, %get3A_125] {strides = array<i32>} : memref<2x128xf32, #tpu.memory_space<vmem>>, vector<16xf32>,
      %mul3A_127 = vector.broadcast %sub3A_64 : f32 to vector<16xf32>
      %mul3A_128 = arith.mulf %get3A_126, %mul3A_127 : vector<16xf32>
      %add3A_129 = arith.addf %mul3A_122, %mul3A_128 : vector<16xf32>
      %get3A_130 = arith.constant 48 : index
      %get3A_131 = tpu.vector_load %arg7[%get3A_130] {strides = array<i32>} : memref<256xf32, #tpu.memory_space<vmem>>, vector<16xf32>,
      %mul3A_132 = vector.broadcast %select_n3A_63 : f32 to vector<16xf32>
      %mul3A_133 = arith.mulf %get3A_131, %mul3A_132 : vector<16xf32>
      %get3A_134 = arith.constant 176 : index
      %get3A_135 = tpu.vector_load %arg7[%get3A_134] {strides = array<i32>} : memref<256xf32, #tpu.memory_space<vmem>>, vector<16xf32>,
      %mul3A_136 = vector.broadcast %sub3A_64 : f32 to vector<16xf32>
      %mul3A_137 = arith.mulf %get3A_135, %mul3A_136 : vector<16xf32>
      %add3A_138 = arith.addf %mul3A_133, %mul3A_137 : vector<16xf32>
      %get3A_139 = arith.constant 0 : i32
      %get3A_140 = arith.index_cast %get3A_139 : i32 to index
      %get3A_141 = arith.constant 80 : index
      %get3A_142 = tpu.vector_load %arg12[%get3A_140, %get3A_141] {strides = array<i32>} : memref<2x128xf32, #tpu.memory_space<vmem>>, vector<16xf32>,
      %mul3A_143 = vector.broadcast %select_n3A_63 : f32 to vector<16xf32>
      %mul3A_144 = arith.mulf %get3A_142, %mul3A_143 : vector<16xf32>
      %get3A_145 = arith.constant 1 : i32
      %get3A_146 = arith.index_cast %get3A_145 : i32 to index
      %get3A_147 = arith.constant 48 : index
      %get3A_148 = tpu.vector_load %arg12[%get3A_146, %get3A_147] {strides = array<i32>} : memref<2x128xf32, #tpu.memory_space<vmem>>, vector<16xf32>,
      %mul3A_149 = vector.broadcast %sub3A_64 : f32 to vector<16xf32>
      %mul3A_150 = arith.mulf %get3A_148, %mul3A_149 : vector<16xf32>
      %add3A_151 = arith.addf %mul3A_144, %mul3A_150 : vector<16xf32>
      %reduce_max3A = arith.constant true
      %reduce_max3A_152 = vector.broadcast %reduce_max3A : i1 to vector<16xi1>
      %reduce_max3A_153 = tpu.scan <max>, %add3A_72 masked %reduce_max3A_152 : vector<16xf32>, vector<16xi1> -> vector<16xf32>
      %reduce_max3A_154 = vector.extract %reduce_max3A_153[15] : f32 from vector<16xf32>
      %reduce_max3A_155 = arith.constant true
      %reduce_max3A_156 = vector.broadcast %reduce_max3A_155 : i1 to vector<16xi1>
      %reduce_max3A_157 = tpu.scan <max>, %add3A_94 masked %reduce_max3A_156 : vector<16xf32>, vector<16xi1> -> vector<16xf32>
      %reduce_max3A_158 = vector.extract %reduce_max3A_157[15] : f32 from vector<16xf32>
      %max3A = arith.maximumf %reduce_max3A_154, %reduce_max3A_158 : f32
      %reduce_max3A_159 = arith.constant true
      %reduce_max3A_160 = vector.broadcast %reduce_max3A_159 : i1 to vector<16xi1>
      %reduce_max3A_161 = tpu.scan <max>, %add3A_116 masked %reduce_max3A_160 : vector<16xf32>, vector<16xi1> -> vector<16xf32>
      %reduce_max3A_162 = vector.extract %reduce_max3A_161[15] : f32 from vector<16xf32>
      %max3A_163 = arith.maximumf %max3A, %reduce_max3A_162 : f32
      %reduce_max3A_164 = arith.constant true
      %reduce_max3A_165 = vector.broadcast %reduce_max3A_164 : i1 to vector<16xi1>
      %reduce_max3A_166 = tpu.scan <max>, %add3A_138 masked %reduce_max3A_165 : vector<16xf32>, vector<16xi1> -> vector<16xf32>
      %reduce_max3A_167 = vector.extract %reduce_max3A_166[15] : f32 from vector<16xf32>
      %max3A_168 = arith.maximumf %max3A_163, %reduce_max3A_167 : f32
      %sub3A_169 = vector.broadcast %max3A_168 : f32 to vector<16xf32>
      %sub3A_170 = arith.subf %add3A_72, %sub3A_169 : vector<16xf32>
      %exp3A = math.exp %sub3A_170 : vector<16xf32>
      %sub3A_171 = vector.broadcast %max3A_168 : f32 to vector<16xf32>
      %sub3A_172 = arith.subf %add3A_94, %sub3A_171 : vector<16xf32>
      %exp3A_173 = math.exp %sub3A_172 : vector<16xf32>
      %sub3A_174 = vector.broadcast %max3A_168 : f32 to vector<16xf32>
      %sub3A_175 = arith.subf %add3A_116, %sub3A_174 : vector<16xf32>
      %exp3A_176 = math.exp %sub3A_175 : vector<16xf32>
      %sub3A_177 = vector.broadcast %max3A_168 : f32 to vector<16xf32>
      %sub3A_178 = arith.subf %add3A_138, %sub3A_177 : vector<16xf32>
      %exp3A_179 = math.exp %sub3A_178 : vector<16xf32>
      %reduce_sum3A_180 = arith.constant true
      %reduce_sum3A_181 = vector.broadcast %reduce_sum3A_180 : i1 to vector<16xi1>
      %reduce_sum3A_182 = tpu.scan <sum>, %exp3A masked %reduce_sum3A_181 : vector<16xf32>, vector<16xi1> -> vector<16xf32>
      %reduce_sum3A_183 = vector.extract %reduce_sum3A_182[15] : f32 from vector<16xf32>
      %reduce_sum3A_184 = arith.constant true
      %reduce_sum3A_185 = vector.broadcast %reduce_sum3A_184 : i1 to vector<16xi1>
      %reduce_sum3A_186 = tpu.scan <sum>, %exp3A_173 masked %reduce_sum3A_185 : vector<16xf32>, vector<16xi1> -> vector<16xf32>
      %reduce_sum3A_187 = vector.extract %reduce_sum3A_186[15] : f32 from vector<16xf32>
      %add3A_188 = arith.addf %reduce_sum3A_183, %reduce_sum3A_187 : f32
      %reduce_sum3A_189 = arith.constant true
      %reduce_sum3A_190 = vector.broadcast %reduce_sum3A_189 : i1 to vector<16xi1>
      %reduce_sum3A_191 = tpu.scan <sum>, %exp3A_176 masked %reduce_sum3A_190 : vector<16xf32>, vector<16xi1> -> vector<16xf32>
      %reduce_sum3A_192 = vector.extract %reduce_sum3A_191[15] : f32 from vector<16xf32>
      %add3A_193 = arith.addf %add3A_188, %reduce_sum3A_192 : f32
      %reduce_sum3A_194 = arith.constant true
      %reduce_sum3A_195 = vector.broadcast %reduce_sum3A_194 : i1 to vector<16xi1>
      %reduce_sum3A_196 = tpu.scan <sum>, %exp3A_179 masked %reduce_sum3A_195 : vector<16xf32>, vector<16xi1> -> vector<16xf32>
      %reduce_sum3A_197 = vector.extract %reduce_sum3A_196[15] : f32 from vector<16xf32>
      %add3A_198 = arith.addf %add3A_193, %reduce_sum3A_197 : f32
      %add3A_199 = vector.broadcast %add3A_198 : f32 to vector<16xf32>
      %add3A_200 = arith.addf %broadcast_in_dim3A_0, %add3A_199 : vector<16xf32>
      %div3A = arith.divf %exp3A, %add3A_200 : vector<16xf32>
      %div3A_201 = arith.divf %exp3A_173, %add3A_200 : vector<16xf32>
      %div3A_202 = arith.divf %exp3A_176, %add3A_200 : vector<16xf32>
      %div3A_203 = arith.divf %exp3A_179, %add3A_200 : vector<16xf32>
      %add3A_204 = arith.addf %div3A, %add3A_85 : vector<16xf32>
      %add3A_205 = arith.addf %div3A_201, %add3A_107 : vector<16xf32>
      %add3A_206 = arith.addf %div3A_202, %add3A_129 : vector<16xf32>
      %add3A_207 = arith.addf %div3A_203, %add3A_151 : vector<16xf32>
      %reduce_max3A_208 = arith.constant true
      %reduce_max3A_209 = vector.broadcast %reduce_max3A_208 : i1 to vector<16xi1>
      %reduce_max3A_210 = tpu.scan <max>, %add3A_204 masked %reduce_max3A_209 : vector<16xf32>, vector<16xi1> -> vector<16xf32>
      %reduce_max3A_211 = vector.extract %reduce_max3A_210[15] : f32 from vector<16xf32>
      %reduce_max3A_212 = arith.constant true
      %reduce_max3A_213 = vector.broadcast %reduce_max3A_212 : i1 to vector<16xi1>
      %reduce_max3A_214 = tpu.scan <max>, %add3A_205 masked %reduce_max3A_213 : vector<16xf32>, vector<16xi1> -> vector<16xf32>
      %reduce_max3A_215 = vector.extract %reduce_max3A_214[15] : f32 from vector<16xf32>
      %max3A_216 = arith.maximumf %reduce_max3A_211, %reduce_max3A_215 : f32
      %reduce_max3A_217 = arith.constant true
      %reduce_max3A_218 = vector.broadcast %reduce_max3A_217 : i1 to vector<16xi1>
      %reduce_max3A_219 = tpu.scan <max>, %add3A_206 masked %reduce_max3A_218 : vector<16xf32>, vector<16xi1> -> vector<16xf32>
      %reduce_max3A_220 = vector.extract %reduce_max3A_219[15] : f32 from vector<16xf32>
      %max3A_221 = arith.maximumf %max3A_216, %reduce_max3A_220 : f32
      %reduce_max3A_222 = arith.constant true
      %reduce_max3A_223 = vector.broadcast %reduce_max3A_222 : i1 to vector<16xi1>
      %reduce_max3A_224 = tpu.scan <max>, %add3A_207 masked %reduce_max3A_223 : vector<16xf32>, vector<16xi1> -> vector<16xf32>
      %reduce_max3A_225 = vector.extract %reduce_max3A_224[15] : f32 from vector<16xf32>
      %max3A_226 = arith.maximumf %max3A_221, %reduce_max3A_225 : f32
      %add3A_227 = arith.constant 0 : i32
      %add3A_228 = vector.broadcast %add3A_227 : i32 to vector<16xi32>
      %add3A_229 = arith.addi %iota3A, %add3A_228 : vector<16xi32>
      %eq3A_230 = vector.broadcast %max3A_226 : f32 to vector<16xf32>
      %eq3A_231 = arith.cmpf oeq, %add3A_204, %eq3A_230 : vector<16xf32>
      %jit3A_232 = arith.constant 1048576 : i32
      %broadcast_in_dim3A_233 = vector.broadcast %jit3A_232 : i32 to vector<16xi32>
      %select_n3A_234 = arith.select %eq3A_231, %add3A_229, %broadcast_in_dim3A_233 : vector<16xi1>, vector<16xi32>
      %reduce_min3A = arith.constant true
      %reduce_min3A_235 = vector.broadcast %reduce_min3A : i1 to vector<16xi1>
      %reduce_min3A_236 = arith.constant -2147483648 : i32
      %reduce_min3A_237 = vector.broadcast %reduce_min3A_236 : i32 to vector<16xi32>
      %reduce_min3A_238 = arith.xori %select_n3A_234, %reduce_min3A_237 : vector<16xi32>
      %reduce_min3A_239 = tpu.scan <min>, %reduce_min3A_238 masked %reduce_min3A_235 : vector<16xi32>, vector<16xi1> -> vector<16xi32>
      %reduce_min3A_240 = arith.xori %reduce_min3A_239, %reduce_min3A_237 : vector<16xi32>
      %reduce_min3A_241 = vector.extract %reduce_min3A_240[15] : i32 from vector<16xi32>
      %min3A = arith.constant 1048576 : i32
      %min3A_242 = arith.minsi %min3A, %reduce_min3A_241 : i32
      %add3A_243 = arith.constant 16 : i32
      %add3A_244 = vector.broadcast %add3A_243 : i32 to vector<16xi32>
      %add3A_245 = arith.addi %iota3A, %add3A_244 : vector<16xi32>
      %eq3A_246 = vector.broadcast %max3A_226 : f32 to vector<16xf32>
      %eq3A_247 = arith.cmpf oeq, %add3A_205, %eq3A_246 : vector<16xf32>
      %jit3A_248 = arith.constant 1048576 : i32
      %broadcast_in_dim3A_249 = vector.broadcast %jit3A_248 : i32 to vector<16xi32>
      %select_n3A_250 = arith.select %eq3A_247, %add3A_245, %broadcast_in_dim3A_249 : vector<16xi1>, vector<16xi32>
      %reduce_min3A_251 = arith.constant true
      %reduce_min3A_252 = vector.broadcast %reduce_min3A_251 : i1 to vector<16xi1>
      %reduce_min3A_253 = arith.constant -2147483648 : i32
      %reduce_min3A_254 = vector.broadcast %reduce_min3A_253 : i32 to vector<16xi32>
      %reduce_min3A_255 = arith.xori %select_n3A_250, %reduce_min3A_254 : vector<16xi32>
      %reduce_min3A_256 = tpu.scan <min>, %reduce_min3A_255 masked %reduce_min3A_252 : vector<16xi32>, vector<16xi1> -> vector<16xi32>
      %reduce_min3A_257 = arith.xori %reduce_min3A_256, %reduce_min3A_254 : vector<16xi32>
      %reduce_min3A_258 = vector.extract %reduce_min3A_257[15] : i32 from vector<16xi32>
      %min3A_259 = arith.minsi %min3A_242, %reduce_min3A_258 : i32
      %add3A_260 = arith.constant 32 : i32
      %add3A_261 = vector.broadcast %add3A_260 : i32 to vector<16xi32>
      %add3A_262 = arith.addi %iota3A, %add3A_261 : vector<16xi32>
      %eq3A_263 = vector.broadcast %max3A_226 : f32 to vector<16xf32>
      %eq3A_264 = arith.cmpf oeq, %add3A_206, %eq3A_263 : vector<16xf32>
      %jit3A_265 = arith.constant 1048576 : i32
      %broadcast_in_dim3A_266 = vector.broadcast %jit3A_265 : i32 to vector<16xi32>
      %select_n3A_267 = arith.select %eq3A_264, %add3A_262, %broadcast_in_dim3A_266 : vector<16xi1>, vector<16xi32>
      %reduce_min3A_268 = arith.constant true
      %reduce_min3A_269 = vector.broadcast %reduce_min3A_268 : i1 to vector<16xi1>
      %reduce_min3A_270 = arith.constant -2147483648 : i32
      %reduce_min3A_271 = vector.broadcast %reduce_min3A_270 : i32 to vector<16xi32>
      %reduce_min3A_272 = arith.xori %select_n3A_267, %reduce_min3A_271 : vector<16xi32>
      %reduce_min3A_273 = tpu.scan <min>, %reduce_min3A_272 masked %reduce_min3A_269 : vector<16xi32>, vector<16xi1> -> vector<16xi32>
      %reduce_min3A_274 = arith.xori %reduce_min3A_273, %reduce_min3A_271 : vector<16xi32>
      %reduce_min3A_275 = vector.extract %reduce_min3A_274[15] : i32 from vector<16xi32>
      %min3A_276 = arith.minsi %min3A_259, %reduce_min3A_275 : i32
      %add3A_277 = arith.constant 48 : i32
      %add3A_278 = vector.broadcast %add3A_277 : i32 to vector<16xi32>
      %add3A_279 = arith.addi %iota3A, %add3A_278 : vector<16xi32>
      %eq3A_280 = vector.broadcast %max3A_226 : f32 to vector<16xf32>
      %eq3A_281 = arith.cmpf oeq, %add3A_207, %eq3A_280 : vector<16xf32>
      %jit3A_282 = arith.constant 1048576 : i32
      %broadcast_in_dim3A_283 = vector.broadcast %jit3A_282 : i32 to vector<16xi32>
      %select_n3A_284 = arith.select %eq3A_281, %add3A_279, %broadcast_in_dim3A_283 : vector<16xi1>, vector<16xi32>
      %reduce_min3A_285 = arith.constant true
      %reduce_min3A_286 = vector.broadcast %reduce_min3A_285 : i1 to vector<16xi1>
      %reduce_min3A_287 = arith.constant -2147483648 : i32
      %reduce_min3A_288 = vector.broadcast %reduce_min3A_287 : i32 to vector<16xi32>
      %reduce_min3A_289 = arith.xori %select_n3A_284, %reduce_min3A_288 : vector<16xi32>
      %reduce_min3A_290 = tpu.scan <min>, %reduce_min3A_289 masked %reduce_min3A_286 : vector<16xi32>, vector<16xi1> -> vector<16xi32>
      %reduce_min3A_291 = arith.xori %reduce_min3A_290, %reduce_min3A_288 : vector<16xi32>
      %reduce_min3A_292 = vector.extract %reduce_min3A_291[15] : i32 from vector<16xi32>
      %min3A_293 = arith.minsi %min3A_276, %reduce_min3A_292 : i32
      %add3A_294 = arith.constant 0 : i32
      %add3A_295 = vector.broadcast %add3A_294 : i32 to vector<16xi32>
      %add3A_296 = arith.addi %iota3A, %add3A_295 : vector<16xi32>
      %eq3A_297 = vector.broadcast %min3A_293 : i32 to vector<16xi32>
      %eq3A_298 = arith.cmpi eq, %add3A_296, %eq3A_297 : vector<16xi32>
      %jit3A_299 = arith.constant 0.000000e+00 : f32
      %broadcast_in_dim3A_300 = vector.broadcast %jit3A_299 : f32 to vector<16xf32>
      %select_n3A_301 = arith.select %eq3A_298, %div3A, %broadcast_in_dim3A_300 : vector<16xi1>, vector<16xf32>
      %reduce_sum3A_302 = arith.constant true
      %reduce_sum3A_303 = vector.broadcast %reduce_sum3A_302 : i1 to vector<16xi1>
      %reduce_sum3A_304 = tpu.scan <sum>, %select_n3A_301 masked %reduce_sum3A_303 : vector<16xf32>, vector<16xi1> -> vector<16xf32>
      %reduce_sum3A_305 = vector.extract %reduce_sum3A_304[15] : f32 from vector<16xf32>
      %add3A_306 = arith.constant 0.000000e+00 : f32
      %add3A_307 = arith.addf %add3A_306, %reduce_sum3A_305 : f32
      %add3A_308 = arith.constant 16 : i32
      %add3A_309 = vector.broadcast %add3A_308 : i32 to vector<16xi32>
      %add3A_310 = arith.addi %iota3A, %add3A_309 : vector<16xi32>
      %eq3A_311 = vector.broadcast %min3A_293 : i32 to vector<16xi32>
      %eq3A_312 = arith.cmpi eq, %add3A_310, %eq3A_311 : vector<16xi32>
      %jit3A_313 = arith.constant 0.000000e+00 : f32
      %broadcast_in_dim3A_314 = vector.broadcast %jit3A_313 : f32 to vector<16xf32>
      %select_n3A_315 = arith.select %eq3A_312, %div3A_201, %broadcast_in_dim3A_314 : vector<16xi1>, vector<16xf32>
      %reduce_sum3A_316 = arith.constant true
      %reduce_sum3A_317 = vector.broadcast %reduce_sum3A_316 : i1 to vector<16xi1>
      %reduce_sum3A_318 = tpu.scan <sum>, %select_n3A_315 masked %reduce_sum3A_317 : vector<16xf32>, vector<16xi1> -> vector<16xf32>
      %reduce_sum3A_319 = vector.extract %reduce_sum3A_318[15] : f32 from vector<16xf32>
      %add3A_320 = arith.addf %add3A_307, %reduce_sum3A_319 : f32
      %add3A_321 = arith.constant 32 : i32
      %add3A_322 = vector.broadcast %add3A_321 : i32 to vector<16xi32>
      %add3A_323 = arith.addi %iota3A, %add3A_322 : vector<16xi32>
      %eq3A_324 = vector.broadcast %min3A_293 : i32 to vector<16xi32>
      %eq3A_325 = arith.cmpi eq, %add3A_323, %eq3A_324 : vector<16xi32>
      %jit3A_326 = arith.constant 0.000000e+00 : f32
      %broadcast_in_dim3A_327 = vector.broadcast %jit3A_326 : f32 to vector<16xf32>
      %select_n3A_328 = arith.select %eq3A_325, %div3A_202, %broadcast_in_dim3A_327 : vector<16xi1>, vector<16xf32>
      %reduce_sum3A_329 = arith.constant true
      %reduce_sum3A_330 = vector.broadcast %reduce_sum3A_329 : i1 to vector<16xi1>
      %reduce_sum3A_331 = tpu.scan <sum>, %select_n3A_328 masked %reduce_sum3A_330 : vector<16xf32>, vector<16xi1> -> vector<16xf32>
      %reduce_sum3A_332 = vector.extract %reduce_sum3A_331[15] : f32 from vector<16xf32>
      %add3A_333 = arith.addf %add3A_320, %reduce_sum3A_332 : f32
      %add3A_334 = arith.constant 48 : i32
      %add3A_335 = vector.broadcast %add3A_334 : i32 to vector<16xi32>
      %add3A_336 = arith.addi %iota3A, %add3A_335 : vector<16xi32>
      %eq3A_337 = vector.broadcast %min3A_293 : i32 to vector<16xi32>
      %eq3A_338 = arith.cmpi eq, %add3A_336, %eq3A_337 : vector<16xi32>
      %jit3A_339 = arith.constant 0.000000e+00 : f32
      %broadcast_in_dim3A_340 = vector.broadcast %jit3A_339 : f32 to vector<16xf32>
      %select_n3A_341 = arith.select %eq3A_338, %div3A_203, %broadcast_in_dim3A_340 : vector<16xi1>, vector<16xf32>
      %reduce_sum3A_342 = arith.constant true
      %reduce_sum3A_343 = vector.broadcast %reduce_sum3A_342 : i1 to vector<16xi1>
      %reduce_sum3A_344 = tpu.scan <sum>, %select_n3A_341 masked %reduce_sum3A_343 : vector<16xf32>, vector<16xi1> -> vector<16xf32>
      %reduce_sum3A_345 = vector.extract %reduce_sum3A_344[15] : f32 from vector<16xf32>
      %add3A_346 = arith.addf %add3A_333, %reduce_sum3A_345 : f32
      %add3A_347 = arith.constant 0 : i32
      %add3A_348 = vector.broadcast %add3A_347 : i32 to vector<16xi32>
      %add3A_349 = arith.addi %iota3A, %add3A_348 : vector<16xi32>
      %eq3A_350 = vector.broadcast %min3A_293 : i32 to vector<16xi32>
      %eq3A_351 = arith.cmpi eq, %add3A_349, %eq3A_350 : vector<16xi32>
      %jit3A_352 = arith.constant -1.000000e+30 : f32
      %broadcast_in_dim3A_353 = vector.broadcast %jit3A_352 : f32 to vector<16xf32>
      %select_n3A_354 = arith.select %eq3A_351, %broadcast_in_dim3A_353, %add3A_204 : vector<16xi1>, vector<16xf32>
      %add3A_355 = arith.constant 16 : i32
      %add3A_356 = vector.broadcast %add3A_355 : i32 to vector<16xi32>
      %add3A_357 = arith.addi %iota3A, %add3A_356 : vector<16xi32>
      %eq3A_358 = vector.broadcast %min3A_293 : i32 to vector<16xi32>
      %eq3A_359 = arith.cmpi eq, %add3A_357, %eq3A_358 : vector<16xi32>
      %jit3A_360 = arith.constant -1.000000e+30 : f32
      %broadcast_in_dim3A_361 = vector.broadcast %jit3A_360 : f32 to vector<16xf32>
      %select_n3A_362 = arith.select %eq3A_359, %broadcast_in_dim3A_361, %add3A_205 : vector<16xi1>, vector<16xf32>
      %add3A_363 = arith.constant 32 : i32
      %add3A_364 = vector.broadcast %add3A_363 : i32 to vector<16xi32>
      %add3A_365 = arith.addi %iota3A, %add3A_364 : vector<16xi32>
      %eq3A_366 = vector.broadcast %min3A_293 : i32 to vector<16xi32>
      %eq3A_367 = arith.cmpi eq, %add3A_365, %eq3A_366 : vector<16xi32>
      %jit3A_368 = arith.constant -1.000000e+30 : f32
      %broadcast_in_dim3A_369 = vector.broadcast %jit3A_368 : f32 to vector<16xf32>
      %select_n3A_370 = arith.select %eq3A_367, %broadcast_in_dim3A_369, %add3A_206 : vector<16xi1>, vector<16xf32>
      %add3A_371 = arith.constant 48 : i32
      %add3A_372 = vector.broadcast %add3A_371 : i32 to vector<16xi32>
      %add3A_373 = arith.addi %iota3A, %add3A_372 : vector<16xi32>
      %eq3A_374 = vector.broadcast %min3A_293 : i32 to vector<16xi32>
      %eq3A_375 = arith.cmpi eq, %add3A_373, %eq3A_374 : vector<16xi32>
      %jit3A_376 = arith.constant -1.000000e+30 : f32
      %broadcast_in_dim3A_377 = vector.broadcast %jit3A_376 : f32 to vector<16xf32>
      %select_n3A_378 = arith.select %eq3A_375, %broadcast_in_dim3A_377, %add3A_207 : vector<16xi1>, vector<16xf32>
      %reduce_max3A_379 = arith.constant true
      %reduce_max3A_380 = vector.broadcast %reduce_max3A_379 : i1 to vector<16xi1>
      %reduce_max3A_381 = tpu.scan <max>, %select_n3A_354 masked %reduce_max3A_380 : vector<16xf32>, vector<16xi1> -> vector<16xf32>
      %reduce_max3A_382 = vector.extract %reduce_max3A_381[15] : f32 from vector<16xf32>
      %reduce_max3A_383 = arith.constant true
      %reduce_max3A_384 = vector.broadcast %reduce_max3A_383 : i1 to vector<16xi1>
      %reduce_max3A_385 = tpu.scan <max>, %select_n3A_362 masked %reduce_max3A_384 : vector<16xf32>, vector<16xi1> -> vector<16xf32>
      %reduce_max3A_386 = vector.extract %reduce_max3A_385[15] : f32 from vector<16xf32>
      %max3A_387 = arith.maximumf %reduce_max3A_382, %reduce_max3A_386 : f32
      %reduce_max3A_388 = arith.constant true
      %reduce_max3A_389 = vector.broadcast %reduce_max3A_388 : i1 to vector<16xi1>
      %reduce_max3A_390 = tpu.scan <max>, %select_n3A_370 masked %reduce_max3A_389 : vector<16xf32>, vector<16xi1> -> vector<16xf32>
      %reduce_max3A_391 = vector.extract %reduce_max3A_390[15] : f32 from vector<16xf32>
      %max3A_392 = arith.maximumf %max3A_387, %reduce_max3A_391 : f32
      %reduce_max3A_393 = arith.constant true
      %reduce_max3A_394 = vector.broadcast %reduce_max3A_393 : i1 to vector<16xi1>
      %reduce_max3A_395 = tpu.scan <max>, %select_n3A_378 masked %reduce_max3A_394 : vector<16xf32>, vector<16xi1> -> vector<16xf32>
      %reduce_max3A_396 = vector.extract %reduce_max3A_395[15] : f32 from vector<16xf32>
      %max3A_397 = arith.maximumf %max3A_392, %reduce_max3A_396 : f32
      %add3A_398 = arith.constant 0 : i32
      %add3A_399 = vector.broadcast %add3A_398 : i32 to vector<16xi32>
      %add3A_400 = arith.addi %iota3A, %add3A_399 : vector<16xi32>
      %eq3A_401 = vector.broadcast %max3A_397 : f32 to vector<16xf32>
      %eq3A_402 = arith.cmpf oeq, %select_n3A_354, %eq3A_401 : vector<16xf32>
      %jit3A_403 = arith.constant 1048576 : i32
      %broadcast_in_dim3A_404 = vector.broadcast %jit3A_403 : i32 to vector<16xi32>
      %select_n3A_405 = arith.select %eq3A_402, %add3A_400, %broadcast_in_dim3A_404 : vector<16xi1>, vector<16xi32>
      %reduce_min3A_406 = arith.constant true
      %reduce_min3A_407 = vector.broadcast %reduce_min3A_406 : i1 to vector<16xi1>
      %reduce_min3A_408 = arith.constant -2147483648 : i32
      %reduce_min3A_409 = vector.broadcast %reduce_min3A_408 : i32 to vector<16xi32>
      %reduce_min3A_410 = arith.xori %select_n3A_405, %reduce_min3A_409 : vector<16xi32>
      %reduce_min3A_411 = tpu.scan <min>, %reduce_min3A_410 masked %reduce_min3A_407 : vector<16xi32>, vector<16xi1> -> vector<16xi32>
      %reduce_min3A_412 = arith.xori %reduce_min3A_411, %reduce_min3A_409 : vector<16xi32>
      %reduce_min3A_413 = vector.extract %reduce_min3A_412[15] : i32 from vector<16xi32>
      %min3A_414 = arith.constant 1048576 : i32
      %min3A_415 = arith.minsi %min3A_414, %reduce_min3A_413 : i32
      %add3A_416 = arith.constant 16 : i32
      %add3A_417 = vector.broadcast %add3A_416 : i32 to vector<16xi32>
      %add3A_418 = arith.addi %iota3A, %add3A_417 : vector<16xi32>
      %eq3A_419 = vector.broadcast %max3A_397 : f32 to vector<16xf32>
      %eq3A_420 = arith.cmpf oeq, %select_n3A_362, %eq3A_419 : vector<16xf32>
      %jit3A_421 = arith.constant 1048576 : i32
      %broadcast_in_dim3A_422 = vector.broadcast %jit3A_421 : i32 to vector<16xi32>
      %select_n3A_423 = arith.select %eq3A_420, %add3A_418, %broadcast_in_dim3A_422 : vector<16xi1>, vector<16xi32>
      %reduce_min3A_424 = arith.constant true
      %reduce_min3A_425 = vector.broadcast %reduce_min3A_424 : i1 to vector<16xi1>
      %reduce_min3A_426 = arith.constant -2147483648 : i32
      %reduce_min3A_427 = vector.broadcast %reduce_min3A_426 : i32 to vector<16xi32>
      %reduce_min3A_428 = arith.xori %select_n3A_423, %reduce_min3A_427 : vector<16xi32>
      %reduce_min3A_429 = tpu.scan <min>, %reduce_min3A_428 masked %reduce_min3A_425 : vector<16xi32>, vector<16xi1> -> vector<16xi32>
      %reduce_min3A_430 = arith.xori %reduce_min3A_429, %reduce_min3A_427 : vector<16xi32>
      %reduce_min3A_431 = vector.extract %reduce_min3A_430[15] : i32 from vector<16xi32>
      %min3A_432 = arith.minsi %min3A_415, %reduce_min3A_431 : i32
      %add3A_433 = arith.constant 32 : i32
      %add3A_434 = vector.broadcast %add3A_433 : i32 to vector<16xi32>
      %add3A_435 = arith.addi %iota3A, %add3A_434 : vector<16xi32>
      %eq3A_436 = vector.broadcast %max3A_397 : f32 to vector<16xf32>
      %eq3A_437 = arith.cmpf oeq, %select_n3A_370, %eq3A_436 : vector<16xf32>
      %jit3A_438 = arith.constant 1048576 : i32
      %broadcast_in_dim3A_439 = vector.broadcast %jit3A_438 : i32 to vector<16xi32>
      %select_n3A_440 = arith.select %eq3A_437, %add3A_435, %broadcast_in_dim3A_439 : vector<16xi1>, vector<16xi32>
      %reduce_min3A_441 = arith.constant true
      %reduce_min3A_442 = vector.broadcast %reduce_min3A_441 : i1 to vector<16xi1>
      %reduce_min3A_443 = arith.constant -2147483648 : i32
      %reduce_min3A_444 = vector.broadcast %reduce_min3A_443 : i32 to vector<16xi32>
      %reduce_min3A_445 = arith.xori %select_n3A_440, %reduce_min3A_444 : vector<16xi32>
      %reduce_min3A_446 = tpu.scan <min>, %reduce_min3A_445 masked %reduce_min3A_442 : vector<16xi32>, vector<16xi1> -> vector<16xi32>
      %reduce_min3A_447 = arith.xori %reduce_min3A_446, %reduce_min3A_444 : vector<16xi32>
      %reduce_min3A_448 = vector.extract %reduce_min3A_447[15] : i32 from vector<16xi32>
      %min3A_449 = arith.minsi %min3A_432, %reduce_min3A_448 : i32
      %add3A_450 = arith.constant 48 : i32
      %add3A_451 = vector.broadcast %add3A_450 : i32 to vector<16xi32>
      %add3A_452 = arith.addi %iota3A, %add3A_451 : vector<16xi32>
      %eq3A_453 = vector.broadcast %max3A_397 : f32 to vector<16xf32>
      %eq3A_454 = arith.cmpf oeq, %select_n3A_378, %eq3A_453 : vector<16xf32>
      %jit3A_455 = arith.constant 1048576 : i32
      %broadcast_in_dim3A_456 = vector.broadcast %jit3A_455 : i32 to vector<16xi32>
      %select_n3A_457 = arith.select %eq3A_454, %add3A_452, %broadcast_in_dim3A_456 : vector<16xi1>, vector<16xi32>
      %reduce_min3A_458 = arith.constant true
      %reduce_min3A_459 = vector.broadcast %reduce_min3A_458 : i1 to vector<16xi1>
      %reduce_min3A_460 = arith.constant -2147483648 : i32
      %reduce_min3A_461 = vector.broadcast %reduce_min3A_460 : i32 to vector<16xi32>
      %reduce_min3A_462 = arith.xori %select_n3A_457, %reduce_min3A_461 : vector<16xi32>
      %reduce_min3A_463 = tpu.scan <min>, %reduce_min3A_462 masked %reduce_min3A_459 : vector<16xi32>, vector<16xi1> -> vector<16xi32>
      %reduce_min3A_464 = arith.xori %reduce_min3A_463, %reduce_min3A_461 : vector<16xi32>
      %reduce_min3A_465 = vector.extract %reduce_min3A_464[15] : i32 from vector<16xi32>
      %min3A_466 = arith.minsi %min3A_449, %reduce_min3A_465 : i32
      %add3A_467 = arith.constant 0 : i32
      %add3A_468 = vector.broadcast %add3A_467 : i32 to vector<16xi32>
      %add3A_469 = arith.addi %iota3A, %add3A_468 : vector<16xi32>
      %eq3A_470 = vector.broadcast %min3A_466 : i32 to vector<16xi32>
      %eq3A_471 = arith.cmpi eq, %add3A_469, %eq3A_470 : vector<16xi32>
      %jit3A_472 = arith.constant 0.000000e+00 : f32
      %broadcast_in_dim3A_473 = vector.broadcast %jit3A_472 : f32 to vector<16xf32>
      %select_n3A_474 = arith.select %eq3A_471, %div3A, %broadcast_in_dim3A_473 : vector<16xi1>, vector<16xf32>
      %reduce_sum3A_475 = arith.constant true
      %reduce_sum3A_476 = vector.broadcast %reduce_sum3A_475 : i1 to vector<16xi1>
      %reduce_sum3A_477 = tpu.scan <sum>, %select_n3A_474 masked %reduce_sum3A_476 : vector<16xf32>, vector<16xi1> -> vector<16xf32>
      %reduce_sum3A_478 = vector.extract %reduce_sum3A_477[15] : f32 from vector<16xf32>
      %add3A_479 = arith.constant 0.000000e+00 : f32
      %add3A_480 = arith.addf %add3A_479, %reduce_sum3A_478 : f32
      %add3A_481 = arith.constant 16 : i32
      %add3A_482 = vector.broadcast %add3A_481 : i32 to vector<16xi32>
      %add3A_483 = arith.addi %iota3A, %add3A_482 : vector<16xi32>
      %eq3A_484 = vector.broadcast %min3A_466 : i32 to vector<16xi32>
      %eq3A_485 = arith.cmpi eq, %add3A_483, %eq3A_484 : vector<16xi32>
      %jit3A_486 = arith.constant 0.000000e+00 : f32
      %broadcast_in_dim3A_487 = vector.broadcast %jit3A_486 : f32 to vector<16xf32>
      %select_n3A_488 = arith.select %eq3A_485, %div3A_201, %broadcast_in_dim3A_487 : vector<16xi1>, vector<16xf32>
      %reduce_sum3A_489 = arith.constant true
      %reduce_sum3A_490 = vector.broadcast %reduce_sum3A_489 : i1 to vector<16xi1>
      %reduce_sum3A_491 = tpu.scan <sum>, %select_n3A_488 masked %reduce_sum3A_490 : vector<16xf32>, vector<16xi1> -> vector<16xf32>
      %reduce_sum3A_492 = vector.extract %reduce_sum3A_491[15] : f32 from vector<16xf32>
      %add3A_493 = arith.addf %add3A_480, %reduce_sum3A_492 : f32
      %add3A_494 = arith.constant 32 : i32
      %add3A_495 = vector.broadcast %add3A_494 : i32 to vector<16xi32>
      %add3A_496 = arith.addi %iota3A, %add3A_495 : vector<16xi32>
      %eq3A_497 = vector.broadcast %min3A_466 : i32 to vector<16xi32>
      %eq3A_498 = arith.cmpi eq, %add3A_496, %eq3A_497 : vector<16xi32>
      %jit3A_499 = arith.constant 0.000000e+00 : f32
      %broadcast_in_dim3A_500 = vector.broadcast %jit3A_499 : f32 to vector<16xf32>
      %select_n3A_501 = arith.select %eq3A_498, %div3A_202, %broadcast_in_dim3A_500 : vector<16xi1>, vector<16xf32>
      %reduce_sum3A_502 = arith.constant true
      %reduce_sum3A_503 = vector.broadcast %reduce_sum3A_502 : i1 to vector<16xi1>
      %reduce_sum3A_504 = tpu.scan <sum>, %select_n3A_501 masked %reduce_sum3A_503 : vector<16xf32>, vector<16xi1> -> vector<16xf32>
      %reduce_sum3A_505 = vector.extract %reduce_sum3A_504[15] : f32 from vector<16xf32>
      %add3A_506 = arith.addf %add3A_493, %reduce_sum3A_505 : f32
      %add3A_507 = arith.constant 48 : i32
      %add3A_508 = vector.broadcast %add3A_507 : i32 to vector<16xi32>
      %add3A_509 = arith.addi %iota3A, %add3A_508 : vector<16xi32>
      %eq3A_510 = vector.broadcast %min3A_466 : i32 to vector<16xi32>
      %eq3A_511 = arith.cmpi eq, %add3A_509, %eq3A_510 : vector<16xi32>
      %jit3A_512 = arith.constant 0.000000e+00 : f32
      %broadcast_in_dim3A_513 = vector.broadcast %jit3A_512 : f32 to vector<16xf32>
      %select_n3A_514 = arith.select %eq3A_511, %div3A_203, %broadcast_in_dim3A_513 : vector<16xi1>, vector<16xf32>
      %reduce_sum3A_515 = arith.constant true
      %reduce_sum3A_516 = vector.broadcast %reduce_sum3A_515 : i1 to vector<16xi1>
      %reduce_sum3A_517 = tpu.scan <sum>, %select_n3A_514 masked %reduce_sum3A_516 : vector<16xf32>, vector<16xi1> -> vector<16xf32>
      %reduce_sum3A_518 = vector.extract %reduce_sum3A_517[15] : f32 from vector<16xf32>
      %add3A_519 = arith.addf %add3A_506, %reduce_sum3A_518 : f32
      %add3A_520 = arith.addf %add3A_346, %add3A_519 : f32
      %add3A_521 = vector.broadcast %add3A_520 : f32 to vector<16xf32>
      %add3A_522 = arith.addf %broadcast_in_dim3A_0, %add3A_521 : vector<16xf32>
      %max3A_523 = arith.constant 9.99999996E-13 : f32
      %max3A_524 = vector.broadcast %max3A_523 : f32 to vector<16xf32>
      %max3A_525 = arith.maximumf %add3A_522, %max3A_524 : vector<16xf32>
      %add3A_526 = vector.broadcast %add3A_346 : f32 to vector<16xf32>
      %add3A_527 = arith.addf %broadcast_in_dim3A_0, %add3A_526 : vector<16xf32>
      %div3A_528 = arith.divf %add3A_527, %max3A_525 : vector<16xf32>
      %add3A_529 = vector.broadcast %add3A_519 : f32 to vector<16xf32>
      %add3A_530 = arith.addf %broadcast_in_dim3A_0, %add3A_529 : vector<16xf32>
      %div3A_531 = arith.divf %add3A_530, %max3A_525 : vector<16xf32>
      %add3A_532 = arith.constant 0 : i32
      %add3A_533 = vector.broadcast %add3A_532 : i32 to vector<16xi32>
      %add3A_534 = arith.addi %iota3A, %add3A_533 : vector<16xi32>
      %eq3A_535 = vector.broadcast %min3A_293 : i32 to vector<16xi32>
      %eq3A_536 = arith.cmpi eq, %add3A_534, %eq3A_535 : vector<16xi32>
      %jit3A_537 = arith.constant 0.000000e+00 : f32
      %broadcast_in_dim3A_538 = vector.broadcast %jit3A_537 : f32 to vector<16xf32>
      %select_n3A_539 = arith.select %eq3A_536, %div3A_528, %broadcast_in_dim3A_538 : vector<16xi1>, vector<16xf32>
      %eq3A_540 = vector.broadcast %min3A_466 : i32 to vector<16xi32>
      %eq3A_541 = arith.cmpi eq, %add3A_534, %eq3A_540 : vector<16xi32>
      %jit3A_542 = arith.constant 0.000000e+00 : f32
      %broadcast_in_dim3A_543 = vector.broadcast %jit3A_542 : f32 to vector<16xf32>
      %select_n3A_544 = arith.select %eq3A_541, %div3A_531, %broadcast_in_dim3A_543 : vector<16xi1>, vector<16xf32>
      %add3A_545 = arith.addf %select_n3A_539, %select_n3A_544 : vector<16xf32>
      %mul3A_546 = vector.broadcast %select_n3A_63 : f32 to vector<16xf32>
      %mul3A_547 = arith.mulf %add3A_545, %mul3A_546 : vector<16xf32>
      %swap3A_548 = arith.constant 0 : index
      %swap3A_549 = tpu.vector_load %arg9[%swap3A_548] {strides = array<i32>} : memref<256xf32, #tpu.memory_space<vmem>>, vector<16xf32>,
      tpu.vector_store %arg9[%swap3A_548], %mul3A_547 {strides = array<i32>} : memref<256xf32, #tpu.memory_space<vmem>>, vector<16xf32>,
      %mul3A_550 = vector.broadcast %sub3A_64 : f32 to vector<16xf32>
      %mul3A_551 = arith.mulf %add3A_545, %mul3A_550 : vector<16xf32>
      %swap3A_552 = arith.constant 128 : index
      %swap3A_553 = tpu.vector_load %arg9[%swap3A_552] {strides = array<i32>} : memref<256xf32, #tpu.memory_space<vmem>>, vector<16xf32>,
      tpu.vector_store %arg9[%swap3A_552], %mul3A_551 {strides = array<i32>} : memref<256xf32, #tpu.memory_space<vmem>>, vector<16xf32>,
      %add3A_554 = arith.constant 16 : i32
      %add3A_555 = vector.broadcast %add3A_554 : i32 to vector<16xi32>
      %add3A_556 = arith.addi %iota3A, %add3A_555 : vector<16xi32>
      %eq3A_557 = vector.broadcast %min3A_293 : i32 to vector<16xi32>
      %eq3A_558 = arith.cmpi eq, %add3A_556, %eq3A_557 : vector<16xi32>
      %jit3A_559 = arith.constant 0.000000e+00 : f32
      %broadcast_in_dim3A_560 = vector.broadcast %jit3A_559 : f32 to vector<16xf32>
      %select_n3A_561 = arith.select %eq3A_558, %div3A_528, %broadcast_in_dim3A_560 : vector<16xi1>, vector<16xf32>
      %eq3A_562 = vector.broadcast %min3A_466 : i32 to vector<16xi32>
      %eq3A_563 = arith.cmpi eq, %add3A_556, %eq3A_562 : vector<16xi32>
      %jit3A_564 = arith.constant 0.000000e+00 : f32
      %broadcast_in_dim3A_565 = vector.broadcast %jit3A_564 : f32 to vector<16xf32>
      %select_n3A_566 = arith.select %eq3A_563, %div3A_531, %broadcast_in_dim3A_565 : vector<16xi1>, vector<16xf32>
      %add3A_567 = arith.addf %select_n3A_561, %select_n3A_566 : vector<16xf32>
      %mul3A_568 = vector.broadcast %select_n3A_63 : f32 to vector<16xf32>
      %mul3A_569 = arith.mulf %add3A_567, %mul3A_568 : vector<16xf32>
      %swap3A_570 = arith.constant 16 : index
      %swap3A_571 = tpu.vector_load %arg9[%swap3A_570] {strides = array<i32>} : memref<256xf32, #tpu.memory_space<vmem>>, vector<16xf32>,
      tpu.vector_store %arg9[%swap3A_570], %mul3A_569 {strides = array<i32>} : memref<256xf32, #tpu.memory_space<vmem>>, vector<16xf32>,
      %mul3A_572 = vector.broadcast %sub3A_64 : f32 to vector<16xf32>
      %mul3A_573 = arith.mulf %add3A_567, %mul3A_572 : vector<16xf32>
      %swap3A_574 = arith.constant 144 : index
      %swap3A_575 = tpu.vector_load %arg9[%swap3A_574] {strides = array<i32>} : memref<256xf32, #tpu.memory_space<vmem>>, vector<16xf32>,
      tpu.vector_store %arg9[%swap3A_574], %mul3A_573 {strides = array<i32>} : memref<256xf32, #tpu.memory_space<vmem>>, vector<16xf32>,
      %add3A_576 = arith.constant 32 : i32
      %add3A_577 = vector.broadcast %add3A_576 : i32 to vector<16xi32>
      %add3A_578 = arith.addi %iota3A, %add3A_577 : vector<16xi32>
      %eq3A_579 = vector.broadcast %min3A_293 : i32 to vector<16xi32>
      %eq3A_580 = arith.cmpi eq, %add3A_578, %eq3A_579 : vector<16xi32>
      %jit3A_581 = arith.constant 0.000000e+00 : f32
      %broadcast_in_dim3A_582 = vector.broadcast %jit3A_581 : f32 to vector<16xf32>
      %select_n3A_583 = arith.select %eq3A_580, %div3A_528, %broadcast_in_dim3A_582 : vector<16xi1>, vector<16xf32>
      %eq3A_584 = vector.broadcast %min3A_466 : i32 to vector<16xi32>
      %eq3A_585 = arith.cmpi eq, %add3A_578, %eq3A_584 : vector<16xi32>
      %jit3A_586 = arith.constant 0.000000e+00 : f32
      %broadcast_in_dim3A_587 = vector.broadcast %jit3A_586 : f32 to vector<16xf32>
      %select_n3A_588 = arith.select %eq3A_585, %div3A_531, %broadcast_in_dim3A_587 : vector<16xi1>, vector<16xf32>
      %add3A_589 = arith.addf %select_n3A_583, %select_n3A_588 : vector<16xf32>
      %mul3A_590 = vector.broadcast %select_n3A_63 : f32 to vector<16xf32>
      %mul3A_591 = arith.mulf %add3A_589, %mul3A_590 : vector<16xf32>
      %swap3A_592 = arith.constant 32 : index
      %swap3A_593 = tpu.vector_load %arg9[%swap3A_592] {strides = array<i32>} : memref<256xf32, #tpu.memory_space<vmem>>, vector<16xf32>,
      tpu.vector_store %arg9[%swap3A_592], %mul3A_591 {strides = array<i32>} : memref<256xf32, #tpu.memory_space<vmem>>, vector<16xf32>,
      %mul3A_594 = vector.broadcast %sub3A_64 : f32 to vector<16xf32>
      %mul3A_595 = arith.mulf %add3A_589, %mul3A_594 : vector<16xf32>
      %swap3A_596 = arith.constant 160 : index
      %swap3A_597 = tpu.vector_load %arg9[%swap3A_596] {strides = array<i32>} : memref<256xf32, #tpu.memory_space<vmem>>, vector<16xf32>,
      tpu.vector_store %arg9[%swap3A_596], %mul3A_595 {strides = array<i32>} : memref<256xf32, #tpu.memory_space<vmem>>, vector<16xf32>,
      %add3A_598 = arith.constant 48 : i32
      %add3A_599 = vector.broadcast %add3A_598 : i32 to vector<16xi32>
      %add3A_600 = arith.addi %iota3A, %add3A_599 : vector<16xi32>
      %eq3A_601 = vector.broadcast %min3A_293 : i32 to vector<16xi32>
      %eq3A_602 = arith.cmpi eq, %add3A_600, %eq3A_601 : vector<16xi32>
      %jit3A_603 = arith.constant 0.000000e+00 : f32
      %broadcast_in_dim3A_604 = vector.broadcast %jit3A_603 : f32 to vector<16xf32>
      %select_n3A_605 = arith.select %eq3A_602, %div3A_528, %broadcast_in_dim3A_604 : vector<16xi1>, vector<16xf32>
      %eq3A_606 = vector.broadcast %min3A_466 : i32 to vector<16xi32>
      %eq3A_607 = arith.cmpi eq, %add3A_600, %eq3A_606 : vector<16xi32>
      %jit3A_608 = arith.constant 0.000000e+00 : f32
      %broadcast_in_dim3A_609 = vector.broadcast %jit3A_608 : f32 to vector<16xf32>
      %select_n3A_610 = arith.select %eq3A_607, %div3A_531, %broadcast_in_dim3A_609 : vector<16xi1>, vector<16xf32>
      %add3A_611 = arith.addf %select_n3A_605, %select_n3A_610 : vector<16xf32>
      %mul3A_612 = vector.broadcast %select_n3A_63 : f32 to vector<16xf32>
      %mul3A_613 = arith.mulf %add3A_611, %mul3A_612 : vector<16xf32>
      %swap3A_614 = arith.constant 48 : index
      %swap3A_615 = tpu.vector_load %arg9[%swap3A_614] {strides = array<i32>} : memref<256xf32, #tpu.memory_space<vmem>>, vector<16xf32>,
      tpu.vector_store %arg9[%swap3A_614], %mul3A_613 {strides = array<i32>} : memref<256xf32, #tpu.memory_space<vmem>>, vector<16xf32>,
      %mul3A_616 = vector.broadcast %sub3A_64 : f32 to vector<16xf32>
      %mul3A_617 = arith.mulf %add3A_611, %mul3A_616 : vector<16xf32>
      %swap3A_618 = arith.constant 176 : index
      %swap3A_619 = tpu.vector_load %arg9[%swap3A_618] {strides = array<i32>} : memref<256xf32, #tpu.memory_space<vmem>>, vector<16xf32>,
      tpu.vector_store %arg9[%swap3A_618], %mul3A_617 {strides = array<i32>} : memref<256xf32, #tpu.memory_space<vmem>>, vector<16xf32>,
      %get3A_620 = arith.constant 0 : i32
      %get3A_621 = arith.index_cast %get3A_620 : i32 to index
      %get3A_622 = arith.constant 16 : index
      %get3A_623 = tpu.vector_load %arg12[%get3A_621, %get3A_622] {strides = array<i32>} : memref<2x128xf32, #tpu.memory_space<vmem>>, vector<16xf32>,
      %eq3A_624 = vector.broadcast %arg1 : i32 to vector<16xi32>
      %eq3A_625 = arith.cmpi eq, %iota3A, %eq3A_624 : vector<16xi32>
      %jit3A_626 = arith.constant 0.000000e+00 : f32
      %broadcast_in_dim3A_627 = vector.broadcast %jit3A_626 : f32 to vector<16xf32>
      %select_n3A_628 = arith.select %eq3A_625, %get3A_623, %broadcast_in_dim3A_627 : vector<16xi1>, vector<16xf32>
      %reduce_sum3A_629 = arith.constant true
      %reduce_sum3A_630 = vector.broadcast %reduce_sum3A_629 : i1 to vector<16xi1>
      %reduce_sum3A_631 = tpu.scan <sum>, %select_n3A_628 masked %reduce_sum3A_630 : vector<16xf32>, vector<16xi1> -> vector<16xf32>
      %reduce_sum3A_632 = vector.extract %reduce_sum3A_631[15] : f32 from vector<16xf32>
      %eq3A_633 = arith.constant 0.000000e+00 : f32
      %eq3A_634 = arith.cmpf oeq, %reduce_sum3A_632, %eq3A_633 : f32
      %jit3A_635 = arith.constant 1.000000e+00 : f32
      %jit3A_636 = arith.constant 0.000000e+00 : f32
      %select_n3A_637 = arith.select %eq3A_634, %jit3A_635, %jit3A_636 : f32
      %sub3A_638 = arith.constant 1.000000e+00 : f32
      %sub3A_639 = arith.subf %sub3A_638, %select_n3A_637 : f32
      %get3A_640 = arith.constant 0 : index
      %get3A_641 = tpu.vector_load %arg8[%get3A_640] {strides = array<i32>} : memref<256xf32, #tpu.memory_space<vmem>>, vector<16xf32>,
      %mul3A_642 = vector.broadcast %select_n3A_637 : f32 to vector<16xf32>
      %mul3A_643 = arith.mulf %get3A_641, %mul3A_642 : vector<16xf32>
      %get3A_644 = arith.constant 128 : index
      %get3A_645 = tpu.vector_load %arg8[%get3A_644] {strides = array<i32>} : memref<256xf32, #tpu.memory_space<vmem>>, vector<16xf32>,
      %mul3A_646 = vector.broadcast %sub3A_639 : f32 to vector<16xf32>
      %mul3A_647 = arith.mulf %get3A_645, %mul3A_646 : vector<16xf32>
      %add3A_648 = arith.addf %mul3A_643, %mul3A_647 : vector<16xf32>
      %get3A_649 = arith.constant 0 : i32
      %get3A_650 = arith.index_cast %get3A_649 : i32 to index
      %get3A_651 = arith.constant 32 : index
      %get3A_652 = tpu.vector_load %arg12[%get3A_650, %get3A_651] {strides = array<i32>} : memref<2x128xf32, #tpu.memory_space<vmem>>, vector<16xf32>,
      %mul3A_653 = vector.broadcast %select_n3A_637 : f32 to vector<16xf32>
      %mul3A_654 = arith.mulf %get3A_652, %mul3A_653 : vector<16xf32>
      %get3A_655 = arith.constant 1 : i32
      %get3A_656 = arith.index_cast %get3A_655 : i32 to index
      %get3A_657 = arith.constant 0 : index
      %get3A_658 = tpu.vector_load %arg12[%get3A_656, %get3A_657] {strides = array<i32>} : memref<2x128xf32, #tpu.memory_space<vmem>>, vector<16xf32>,
      %mul3A_659 = vector.broadcast %sub3A_639 : f32 to vector<16xf32>
      %mul3A_660 = arith.mulf %get3A_658, %mul3A_659 : vector<16xf32>
      %add3A_661 = arith.addf %mul3A_654, %mul3A_660 : vector<16xf32>
      %get3A_662 = arith.constant 16 : index
      %get3A_663 = tpu.vector_load %arg8[%get3A_662] {strides = array<i32>} : memref<256xf32, #tpu.memory_space<vmem>>, vector<16xf32>,
      %mul3A_664 = vector.broadcast %select_n3A_637 : f32 to vector<16xf32>
      %mul3A_665 = arith.mulf %get3A_663, %mul3A_664 : vector<16xf32>
      %get3A_666 = arith.constant 144 : index
      %get3A_667 = tpu.vector_load %arg8[%get3A_666] {strides = array<i32>} : memref<256xf32, #tpu.memory_space<vmem>>, vector<16xf32>,
      %mul3A_668 = vector.broadcast %sub3A_639 : f32 to vector<16xf32>
      %mul3A_669 = arith.mulf %get3A_667, %mul3A_668 : vector<16xf32>
      %add3A_670 = arith.addf %mul3A_665, %mul3A_669 : vector<16xf32>
      %get3A_671 = arith.constant 0 : i32
      %get3A_672 = arith.index_cast %get3A_671 : i32 to index
      %get3A_673 = arith.constant 48 : index
      %get3A_674 = tpu.vector_load %arg12[%get3A_672, %get3A_673] {strides = array<i32>} : memref<2x128xf32, #tpu.memory_space<vmem>>, vector<16xf32>,
      %mul3A_675 = vector.broadcast %select_n3A_637 : f32 to vector<16xf32>
      %mul3A_676 = arith.mulf %get3A_674, %mul3A_675 : vector<16xf32>
      %get3A_677 = arith.constant 1 : i32
      %get3A_678 = arith.index_cast %get3A_677 : i32 to index
      %get3A_679 = arith.constant 16 : index
      %get3A_680 = tpu.vector_load %arg12[%get3A_678, %get3A_679] {strides = array<i32>} : memref<2x128xf32, #tpu.memory_space<vmem>>, vector<16xf32>,
      %mul3A_681 = vector.broadcast %sub3A_639 : f32 to vector<16xf32>
      %mul3A_682 = arith.mulf %get3A_680, %mul3A_681 : vector<16xf32>
      %add3A_683 = arith.addf %mul3A_676, %mul3A_682 : vector<16xf32>
      %get3A_684 = arith.constant 32 : index
      %get3A_685 = tpu.vector_load %arg8[%get3A_684] {strides = array<i32>} : memref<256xf32, #tpu.memory_space<vmem>>, vector<16xf32>,
      %mul3A_686 = vector.broadcast %select_n3A_637 : f32 to vector<16xf32>
      %mul3A_687 = arith.mulf %get3A_685, %mul3A_686 : vector<16xf32>
      %get3A_688 = arith.constant 160 : index
      %get3A_689 = tpu.vector_load %arg8[%get3A_688] {strides = array<i32>} : memref<256xf32, #tpu.memory_space<vmem>>, vector<16xf32>,
      %mul3A_690 = vector.broadcast %sub3A_639 : f32 to vector<16xf32>
      %mul3A_691 = arith.mulf %get3A_689, %mul3A_690 : vector<16xf32>
      %add3A_692 = arith.addf %mul3A_687, %mul3A_691 : vector<16xf32>
      %get3A_693 = arith.constant 0 : i32
      %get3A_694 = arith.index_cast %get3A_693 : i32 to index
      %get3A_695 = arith.constant 64 : index
      %get3A_696 = tpu.vector_load %arg12[%get3A_694, %get3A_695] {strides = array<i32>} : memref<2x128xf32, #tpu.memory_space<vmem>>, vector<16xf32>,
      %mul3A_697 = vector.broadcast %select_n3A_637 : f32 to vector<16xf32>
      %mul3A_698 = arith.mulf %get3A_696, %mul3A_697 : vector<16xf32>
      %get3A_699 = arith.constant 1 : i32
      %get3A_700 = arith.index_cast %get3A_699 : i32 to index
      %get3A_701 = arith.constant 32 : index
      %get3A_702 = tpu.vector_load %arg12[%get3A_700, %get3A_701] {strides = array<i32>} : memref<2x128xf32, #tpu.memory_space<vmem>>, vector<16xf32>,
      %mul3A_703 = vector.broadcast %sub3A_639 : f32 to vector<16xf32>
      %mul3A_704 = arith.mulf %get3A_702, %mul3A_703 : vector<16xf32>
      %add3A_705 = arith.addf %mul3A_698, %mul3A_704 : vector<16xf32>
      %get3A_706 = arith.constant 48 : index
      %get3A_707 = tpu.vector_load %arg8[%get3A_706] {strides = array<i32>} : memref<256xf32, #tpu.memory_space<vmem>>, vector<16xf32>,
      %mul3A_708 = vector.broadcast %select_n3A_637 : f32 to vector<16xf32>
      %mul3A_709 = arith.mulf %get3A_707, %mul3A_708 : vector<16xf32>
      %get3A_710 = arith.constant 176 : index
      %get3A_711 = tpu.vector_load %arg8[%get3A_710] {strides = array<i32>} : memref<256xf32, #tpu.memory_space<vmem>>, vector<16xf32>,
      %mul3A_712 = vector.broadcast %sub3A_639 : f32 to vector<16xf32>
      %mul3A_713 = arith.mulf %get3A_711, %mul3A_712 : vector<16xf32>
      %add3A_714 = arith.addf %mul3A_709, %mul3A_713 : vector<16xf32>
      %get3A_715 = arith.constant 0 : i32
      %get3A_716 = arith.index_cast %get3A_715 : i32 to index
      %get3A_717 = arith.constant 80 : index
      %get3A_718 = tpu.vector_load %arg12[%get3A_716, %get3A_717] {strides = array<i32>} : memref<2x128xf32, #tpu.memory_space<vmem>>, vector<16xf32>,
      %mul3A_719 = vector.broadcast %select_n3A_637 : f32 to vector<16xf32>
      %mul3A_720 = arith.mulf %get3A_718, %mul3A_719 : vector<16xf32>
      %get3A_721 = arith.constant 1 : i32
      %get3A_722 = arith.index_cast %get3A_721 : i32 to index
      %get3A_723 = arith.constant 48 : index
      %get3A_724 = tpu.vector_load %arg12[%get3A_722, %get3A_723] {strides = array<i32>} : memref<2x128xf32, #tpu.memory_space<vmem>>, vector<16xf32>,
      %mul3A_725 = vector.broadcast %sub3A_639 : f32 to vector<16xf32>
      %mul3A_726 = arith.mulf %get3A_724, %mul3A_725 : vector<16xf32>
      %add3A_727 = arith.addf %mul3A_720, %mul3A_726 : vector<16xf32>
      %reduce_max3A_728 = arith.constant true
      %reduce_max3A_729 = vector.broadcast %reduce_max3A_728 : i1 to vector<16xi1>
      %reduce_max3A_730 = tpu.scan <max>, %add3A_648 masked %reduce_max3A_729 : vector<16xf32>, vector<16xi1> -> vector<16xf32>
      %reduce_max3A_731 = vector.extract %reduce_max3A_730[15] : f32 from vector<16xf32>
      %reduce_max3A_732 = arith.constant true
      %reduce_max3A_733 = vector.broadcast %reduce_max3A_732 : i1 to vector<16xi1>
      %reduce_max3A_734 = tpu.scan <max>, %add3A_670 masked %reduce_max3A_733 : vector<16xf32>, vector<16xi1> -> vector<16xf32>
      %reduce_max3A_735 = vector.extract %reduce_max3A_734[15] : f32 from vector<16xf32>
      %max3A_736 = arith.maximumf %reduce_max3A_731, %reduce_max3A_735 : f32
      %reduce_max3A_737 = arith.constant true
      %reduce_max3A_738 = vector.broadcast %reduce_max3A_737 : i1 to vector<16xi1>
      %reduce_max3A_739 = tpu.scan <max>, %add3A_692 masked %reduce_max3A_738 : vector<16xf32>, vector<16xi1> -> vector<16xf32>
      %reduce_max3A_740 = vector.extract %reduce_max3A_739[15] : f32 from vector<16xf32>
      %max3A_741 = arith.maximumf %max3A_736, %reduce_max3A_740 : f32
      %reduce_max3A_742 = arith.constant true
      %reduce_max3A_743 = vector.broadcast %reduce_max3A_742 : i1 to vector<16xi1>
      %reduce_max3A_744 = tpu.scan <max>, %add3A_714 masked %reduce_max3A_743 : vector<16xf32>, vector<16xi1> -> vector<16xf32>
      %reduce_max3A_745 = vector.extract %reduce_max3A_744[15] : f32 from vector<16xf32>
      %max3A_746 = arith.maximumf %max3A_741, %reduce_max3A_745 : f32
      %sub3A_747 = vector.broadcast %max3A_746 : f32 to vector<16xf32>
      %sub3A_748 = arith.subf %add3A_648, %sub3A_747 : vector<16xf32>
      %exp3A_749 = math.exp %sub3A_748 : vector<16xf32>
      %sub3A_750 = vector.broadcast %max3A_746 : f32 to vector<16xf32>
      %sub3A_751 = arith.subf %add3A_670, %sub3A_750 : vector<16xf32>
      %exp3A_752 = math.exp %sub3A_751 : vector<16xf32>
      %sub3A_753 = vector.broadcast %max3A_746 : f32 to vector<16xf32>
      %sub3A_754 = arith.subf %add3A_692, %sub3A_753 : vector<16xf32>
      %exp3A_755 = math.exp %sub3A_754 : vector<16xf32>
      %sub3A_756 = vector.broadcast %max3A_746 : f32 to vector<16xf32>
      %sub3A_757 = arith.subf %add3A_714, %sub3A_756 : vector<16xf32>
      %exp3A_758 = math.exp %sub3A_757 : vector<16xf32>
      %reduce_sum3A_759 = arith.constant true
      %reduce_sum3A_760 = vector.broadcast %reduce_sum3A_759 : i1 to vector<16xi1>
      %reduce_sum3A_761 = tpu.scan <sum>, %exp3A_749 masked %reduce_sum3A_760 : vector<16xf32>, vector<16xi1> -> vector<16xf32>
      %reduce_sum3A_762 = vector.extract %reduce_sum3A_761[15] : f32 from vector<16xf32>
      %reduce_sum3A_763 = arith.constant true
      %reduce_sum3A_764 = vector.broadcast %reduce_sum3A_763 : i1 to vector<16xi1>
      %reduce_sum3A_765 = tpu.scan <sum>, %exp3A_752 masked %reduce_sum3A_764 : vector<16xf32>, vector<16xi1> -> vector<16xf32>
      %reduce_sum3A_766 = vector.extract %reduce_sum3A_765[15] : f32 from vector<16xf32>
      %add3A_767 = arith.addf %reduce_sum3A_762, %reduce_sum3A_766 : f32
      %reduce_sum3A_768 = arith.constant true
      %reduce_sum3A_769 = vector.broadcast %reduce_sum3A_768 : i1 to vector<16xi1>
      %reduce_sum3A_770 = tpu.scan <sum>, %exp3A_755 masked %reduce_sum3A_769 : vector<16xf32>, vector<16xi1> -> vector<16xf32>
      %reduce_sum3A_771 = vector.extract %reduce_sum3A_770[15] : f32 from vector<16xf32>
      %add3A_772 = arith.addf %add3A_767, %reduce_sum3A_771 : f32
      %reduce_sum3A_773 = arith.constant true
      %reduce_sum3A_774 = vector.broadcast %reduce_sum3A_773 : i1 to vector<16xi1>
      %reduce_sum3A_775 = tpu.scan <sum>, %exp3A_758 masked %reduce_sum3A_774 : vector<16xf32>, vector<16xi1> -> vector<16xf32>
      %reduce_sum3A_776 = vector.extract %reduce_sum3A_775[15] : f32 from vector<16xf32>
      %add3A_777 = arith.addf %add3A_772, %reduce_sum3A_776 : f32
      %add3A_778 = vector.broadcast %add3A_777 : f32 to vector<16xf32>
      %add3A_779 = arith.addf %broadcast_in_dim3A_0, %add3A_778 : vector<16xf32>
      %div3A_780 = arith.divf %exp3A_749, %add3A_779 : vector<16xf32>
      %div3A_781 = arith.divf %exp3A_752, %add3A_779 : vector<16xf32>
      %div3A_782 = arith.divf %exp3A_755, %add3A_779 : vector<16xf32>
      %div3A_783 = arith.divf %exp3A_758, %add3A_779 : vector<16xf32>
      %add3A_784 = arith.addf %div3A_780, %add3A_661 : vector<16xf32>
      %add3A_785 = arith.addf %div3A_781, %add3A_683 : vector<16xf32>
      %add3A_786 = arith.addf %div3A_782, %add3A_705 : vector<16xf32>
      %add3A_787 = arith.addf %div3A_783, %add3A_727 : vector<16xf32>
      %reduce_max3A_788 = arith.constant true
      %reduce_max3A_789 = vector.broadcast %reduce_max3A_788 : i1 to vector<16xi1>
      %reduce_max3A_790 = tpu.scan <max>, %add3A_784 masked %reduce_max3A_789 : vector<16xf32>, vector<16xi1> -> vector<16xf32>
      %reduce_max3A_791 = vector.extract %reduce_max3A_790[15] : f32 from vector<16xf32>
      %reduce_max3A_792 = arith.constant true
      %reduce_max3A_793 = vector.broadcast %reduce_max3A_792 : i1 to vector<16xi1>
      %reduce_max3A_794 = tpu.scan <max>, %add3A_785 masked %reduce_max3A_793 : vector<16xf32>, vector<16xi1> -> vector<16xf32>
      %reduce_max3A_795 = vector.extract %reduce_max3A_794[15] : f32 from vector<16xf32>
      %max3A_796 = arith.maximumf %reduce_max3A_791, %reduce_max3A_795 : f32
      %reduce_max3A_797 = arith.constant true
      %reduce_max3A_798 = vector.broadcast %reduce_max3A_797 : i1 to vector<16xi1>
      %reduce_max3A_799 = tpu.scan <max>, %add3A_786 masked %reduce_max3A_798 : vector<16xf32>, vector<16xi1> -> vector<16xf32>
      %reduce_max3A_800 = vector.extract %reduce_max3A_799[15] : f32 from vector<16xf32>
      %max3A_801 = arith.maximumf %max3A_796, %reduce_max3A_800 : f32
      %reduce_max3A_802 = arith.constant true
      %reduce_max3A_803 = vector.broadcast %reduce_max3A_802 : i1 to vector<16xi1>
      %reduce_max3A_804 = tpu.scan <max>, %add3A_787 masked %reduce_max3A_803 : vector<16xf32>, vector<16xi1> -> vector<16xf32>
      %reduce_max3A_805 = vector.extract %reduce_max3A_804[15] : f32 from vector<16xf32>
      %max3A_806 = arith.maximumf %max3A_801, %reduce_max3A_805 : f32
      %add3A_807 = arith.constant 0 : i32
      %add3A_808 = vector.broadcast %add3A_807 : i32 to vector<16xi32>
      %add3A_809 = arith.addi %iota3A, %add3A_808 : vector<16xi32>
      %eq3A_810 = vector.broadcast %max3A_806 : f32 to vector<16xf32>
      %eq3A_811 = arith.cmpf oeq, %add3A_784, %eq3A_810 : vector<16xf32>
      %jit3A_812 = arith.constant 1048576 : i32
      %broadcast_in_dim3A_813 = vector.broadcast %jit3A_812 : i32 to vector<16xi32>
      %select_n3A_814 = arith.select %eq3A_811, %add3A_809, %broadcast_in_dim3A_813 : vector<16xi1>, vector<16xi32>
      %reduce_min3A_815 = arith.constant true
      %reduce_min3A_816 = vector.broadcast %reduce_min3A_815 : i1 to vector<16xi1>
      %reduce_min3A_817 = arith.constant -2147483648 : i32
      %reduce_min3A_818 = vector.broadcast %reduce_min3A_817 : i32 to vector<16xi32>
      %reduce_min3A_819 = arith.xori %select_n3A_814, %reduce_min3A_818 : vector<16xi32>
      %reduce_min3A_820 = tpu.scan <min>, %reduce_min3A_819 masked %reduce_min3A_816 : vector<16xi32>, vector<16xi1> -> vector<16xi32>
      %reduce_min3A_821 = arith.xori %reduce_min3A_820, %reduce_min3A_818 : vector<16xi32>
      %reduce_min3A_822 = vector.extract %reduce_min3A_821[15] : i32 from vector<16xi32>
      %min3A_823 = arith.constant 1048576 : i32
      %min3A_824 = arith.minsi %min3A_823, %reduce_min3A_822 : i32
      %add3A_825 = arith.constant 16 : i32
      %add3A_826 = vector.broadcast %add3A_825 : i32 to vector<16xi32>
      %add3A_827 = arith.addi %iota3A, %add3A_826 : vector<16xi32>
      %eq3A_828 = vector.broadcast %max3A_806 : f32 to vector<16xf32>
      %eq3A_829 = arith.cmpf oeq, %add3A_785, %eq3A_828 : vector<16xf32>
      %jit3A_830 = arith.constant 1048576 : i32
      %broadcast_in_dim3A_831 = vector.broadcast %jit3A_830 : i32 to vector<16xi32>
      %select_n3A_832 = arith.select %eq3A_829, %add3A_827, %broadcast_in_dim3A_831 : vector<16xi1>, vector<16xi32>
      %reduce_min3A_833 = arith.constant true
      %reduce_min3A_834 = vector.broadcast %reduce_min3A_833 : i1 to vector<16xi1>
      %reduce_min3A_835 = arith.constant -2147483648 : i32
      %reduce_min3A_836 = vector.broadcast %reduce_min3A_835 : i32 to vector<16xi32>
      %reduce_min3A_837 = arith.xori %select_n3A_832, %reduce_min3A_836 : vector<16xi32>
      %reduce_min3A_838 = tpu.scan <min>, %reduce_min3A_837 masked %reduce_min3A_834 : vector<16xi32>, vector<16xi1> -> vector<16xi32>
      %reduce_min3A_839 = arith.xori %reduce_min3A_838, %reduce_min3A_836 : vector<16xi32>
      %reduce_min3A_840 = vector.extract %reduce_min3A_839[15] : i32 from vector<16xi32>
      %min3A_841 = arith.minsi %min3A_824, %reduce_min3A_840 : i32
      %add3A_842 = arith.constant 32 : i32
      %add3A_843 = vector.broadcast %add3A_842 : i32 to vector<16xi32>
      %add3A_844 = arith.addi %iota3A, %add3A_843 : vector<16xi32>
      %eq3A_845 = vector.broadcast %max3A_806 : f32 to vector<16xf32>
      %eq3A_846 = arith.cmpf oeq, %add3A_786, %eq3A_845 : vector<16xf32>
      %jit3A_847 = arith.constant 1048576 : i32
      %broadcast_in_dim3A_848 = vector.broadcast %jit3A_847 : i32 to vector<16xi32>
      %select_n3A_849 = arith.select %eq3A_846, %add3A_844, %broadcast_in_dim3A_848 : vector<16xi1>, vector<16xi32>
      %reduce_min3A_850 = arith.constant true
      %reduce_min3A_851 = vector.broadcast %reduce_min3A_850 : i1 to vector<16xi1>
      %reduce_min3A_852 = arith.constant -2147483648 : i32
      %reduce_min3A_853 = vector.broadcast %reduce_min3A_852 : i32 to vector<16xi32>
      %reduce_min3A_854 = arith.xori %select_n3A_849, %reduce_min3A_853 : vector<16xi32>
      %reduce_min3A_855 = tpu.scan <min>, %reduce_min3A_854 masked %reduce_min3A_851 : vector<16xi32>, vector<16xi1> -> vector<16xi32>
      %reduce_min3A_856 = arith.xori %reduce_min3A_855, %reduce_min3A_853 : vector<16xi32>
      %reduce_min3A_857 = vector.extract %reduce_min3A_856[15] : i32 from vector<16xi32>
      %min3A_858 = arith.minsi %min3A_841, %reduce_min3A_857 : i32
      %add3A_859 = arith.constant 48 : i32
      %add3A_860 = vector.broadcast %add3A_859 : i32 to vector<16xi32>
      %add3A_861 = arith.addi %iota3A, %add3A_860 : vector<16xi32>
      %eq3A_862 = vector.broadcast %max3A_806 : f32 to vector<16xf32>
      %eq3A_863 = arith.cmpf oeq, %add3A_787, %eq3A_862 : vector<16xf32>
      %jit3A_864 = arith.constant 1048576 : i32
      %broadcast_in_dim3A_865 = vector.broadcast %jit3A_864 : i32 to vector<16xi32>
      %select_n3A_866 = arith.select %eq3A_863, %add3A_861, %broadcast_in_dim3A_865 : vector<16xi1>, vector<16xi32>
      %reduce_min3A_867 = arith.constant true
      %reduce_min3A_868 = vector.broadcast %reduce_min3A_867 : i1 to vector<16xi1>
      %reduce_min3A_869 = arith.constant -2147483648 : i32
      %reduce_min3A_870 = vector.broadcast %reduce_min3A_869 : i32 to vector<16xi32>
      %reduce_min3A_871 = arith.xori %select_n3A_866, %reduce_min3A_870 : vector<16xi32>
      %reduce_min3A_872 = tpu.scan <min>, %reduce_min3A_871 masked %reduce_min3A_868 : vector<16xi32>, vector<16xi1> -> vector<16xi32>
      %reduce_min3A_873 = arith.xori %reduce_min3A_872, %reduce_min3A_870 : vector<16xi32>
      %reduce_min3A_874 = vector.extract %reduce_min3A_873[15] : i32 from vector<16xi32>
      %min3A_875 = arith.minsi %min3A_858, %reduce_min3A_874 : i32
      %add3A_876 = arith.constant 0 : i32
      %add3A_877 = vector.broadcast %add3A_876 : i32 to vector<16xi32>
      %add3A_878 = arith.addi %iota3A, %add3A_877 : vector<16xi32>
      %eq3A_879 = vector.broadcast %min3A_875 : i32 to vector<16xi32>
      %eq3A_880 = arith.cmpi eq, %add3A_878, %eq3A_879 : vector<16xi32>
      %jit3A_881 = arith.constant 0.000000e+00 : f32
      %broadcast_in_dim3A_882 = vector.broadcast %jit3A_881 : f32 to vector<16xf32>
      %select_n3A_883 = arith.select %eq3A_880, %div3A_780, %broadcast_in_dim3A_882 : vector<16xi1>, vector<16xf32>
      %reduce_sum3A_884 = arith.constant true
      %reduce_sum3A_885 = vector.broadcast %reduce_sum3A_884 : i1 to vector<16xi1>
      %reduce_sum3A_886 = tpu.scan <sum>, %select_n3A_883 masked %reduce_sum3A_885 : vector<16xf32>, vector<16xi1> -> vector<16xf32>
      %reduce_sum3A_887 = vector.extract %reduce_sum3A_886[15] : f32 from vector<16xf32>
      %add3A_888 = arith.constant 0.000000e+00 : f32
      %add3A_889 = arith.addf %add3A_888, %reduce_sum3A_887 : f32
      %add3A_890 = arith.constant 16 : i32
      %add3A_891 = vector.broadcast %add3A_890 : i32 to vector<16xi32>
      %add3A_892 = arith.addi %iota3A, %add3A_891 : vector<16xi32>
      %eq3A_893 = vector.broadcast %min3A_875 : i32 to vector<16xi32>
      %eq3A_894 = arith.cmpi eq, %add3A_892, %eq3A_893 : vector<16xi32>
      %jit3A_895 = arith.constant 0.000000e+00 : f32
      %broadcast_in_dim3A_896 = vector.broadcast %jit3A_895 : f32 to vector<16xf32>
      %select_n3A_897 = arith.select %eq3A_894, %div3A_781, %broadcast_in_dim3A_896 : vector<16xi1>, vector<16xf32>
      %reduce_sum3A_898 = arith.constant true
      %reduce_sum3A_899 = vector.broadcast %reduce_sum3A_898 : i1 to vector<16xi1>
      %reduce_sum3A_900 = tpu.scan <sum>, %select_n3A_897 masked %reduce_sum3A_899 : vector<16xf32>, vector<16xi1> -> vector<16xf32>
      %reduce_sum3A_901 = vector.extract %reduce_sum3A_900[15] : f32 from vector<16xf32>
      %add3A_902 = arith.addf %add3A_889, %reduce_sum3A_901 : f32
      %add3A_903 = arith.constant 32 : i32
      %add3A_904 = vector.broadcast %add3A_903 : i32 to vector<16xi32>
      %add3A_905 = arith.addi %iota3A, %add3A_904 : vector<16xi32>
      %eq3A_906 = vector.broadcast %min3A_875 : i32 to vector<16xi32>
      %eq3A_907 = arith.cmpi eq, %add3A_905, %eq3A_906 : vector<16xi32>
      %jit3A_908 = arith.constant 0.000000e+00 : f32
      %broadcast_in_dim3A_909 = vector.broadcast %jit3A_908 : f32 to vector<16xf32>
      %select_n3A_910 = arith.select %eq3A_907, %div3A_782, %broadcast_in_dim3A_909 : vector<16xi1>, vector<16xf32>
      %reduce_sum3A_911 = arith.constant true
      %reduce_sum3A_912 = vector.broadcast %reduce_sum3A_911 : i1 to vector<16xi1>
      %reduce_sum3A_913 = tpu.scan <sum>, %select_n3A_910 masked %reduce_sum3A_912 : vector<16xf32>, vector<16xi1> -> vector<16xf32>
      %reduce_sum3A_914 = vector.extract %reduce_sum3A_913[15] : f32 from vector<16xf32>
      %add3A_915 = arith.addf %add3A_902, %reduce_sum3A_914 : f32
      %add3A_916 = arith.constant 48 : i32
      %add3A_917 = vector.broadcast %add3A_916 : i32 to vector<16xi32>
      %add3A_918 = arith.addi %iota3A, %add3A_917 : vector<16xi32>
      %eq3A_919 = vector.broadcast %min3A_875 : i32 to vector<16xi32>
      %eq3A_920 = arith.cmpi eq, %add3A_918, %eq3A_919 : vector<16xi32>
      %jit3A_921 = arith.constant 0.000000e+00 : f32
      %broadcast_in_dim3A_922 = vector.broadcast %jit3A_921 : f32 to vector<16xf32>
      %select_n3A_923 = arith.select %eq3A_920, %div3A_783, %broadcast_in_dim3A_922 : vector<16xi1>, vector<16xf32>
      %reduce_sum3A_924 = arith.constant true
      %reduce_sum3A_925 = vector.broadcast %reduce_sum3A_924 : i1 to vector<16xi1>
      %reduce_sum3A_926 = tpu.scan <sum>, %select_n3A_923 masked %reduce_sum3A_925 : vector<16xf32>, vector<16xi1> -> vector<16xf32>
      %reduce_sum3A_927 = vector.extract %reduce_sum3A_926[15] : f32 from vector<16xf32>
      %add3A_928 = arith.addf %add3A_915, %reduce_sum3A_927 : f32
      %add3A_929 = arith.constant 0 : i32
      %add3A_930 = vector.broadcast %add3A_929 : i32 to vector<16xi32>
      %add3A_931 = arith.addi %iota3A, %add3A_930 : vector<16xi32>
      %eq3A_932 = vector.broadcast %min3A_875 : i32 to vector<16xi32>
      %eq3A_933 = arith.cmpi eq, %add3A_931, %eq3A_932 : vector<16xi32>
      %jit3A_934 = arith.constant -1.000000e+30 : f32
      %broadcast_in_dim3A_935 = vector.broadcast %jit3A_934 : f32 to vector<16xf32>
      %select_n3A_936 = arith.select %eq3A_933, %broadcast_in_dim3A_935, %add3A_784 : vector<16xi1>, vector<16xf32>
      %add3A_937 = arith.constant 16 : i32
      %add3A_938 = vector.broadcast %add3A_937 : i32 to vector<16xi32>
      %add3A_939 = arith.addi %iota3A, %add3A_938 : vector<16xi32>
      %eq3A_940 = vector.broadcast %min3A_875 : i32 to vector<16xi32>
      %eq3A_941 = arith.cmpi eq, %add3A_939, %eq3A_940 : vector<16xi32>
      %jit3A_942 = arith.constant -1.000000e+30 : f32
      %broadcast_in_dim3A_943 = vector.broadcast %jit3A_942 : f32 to vector<16xf32>
      %select_n3A_944 = arith.select %eq3A_941, %broadcast_in_dim3A_943, %add3A_785 : vector<16xi1>, vector<16xf32>
      %add3A_945 = arith.constant 32 : i32
      %add3A_946 = vector.broadcast %add3A_945 : i32 to vector<16xi32>
      %add3A_947 = arith.addi %iota3A, %add3A_946 : vector<16xi32>
      %eq3A_948 = vector.broadcast %min3A_875 : i32 to vector<16xi32>
      %eq3A_949 = arith.cmpi eq, %add3A_947, %eq3A_948 : vector<16xi32>
      %jit3A_950 = arith.constant -1.000000e+30 : f32
      %broadcast_in_dim3A_951 = vector.broadcast %jit3A_950 : f32 to vector<16xf32>
      %select_n3A_952 = arith.select %eq3A_949, %broadcast_in_dim3A_951, %add3A_786 : vector<16xi1>, vector<16xf32>
      %add3A_953 = arith.constant 48 : i32
      %add3A_954 = vector.broadcast %add3A_953 : i32 to vector<16xi32>
      %add3A_955 = arith.addi %iota3A, %add3A_954 : vector<16xi32>
      %eq3A_956 = vector.broadcast %min3A_875 : i32 to vector<16xi32>
      %eq3A_957 = arith.cmpi eq, %add3A_955, %eq3A_956 : vector<16xi32>
      %jit3A_958 = arith.constant -1.000000e+30 : f32
      %broadcast_in_dim3A_959 = vector.broadcast %jit3A_958 : f32 to vector<16xf32>
      %select_n3A_960 = arith.select %eq3A_957, %broadcast_in_dim3A_959, %add3A_787 : vector<16xi1>, vector<16xf32>
      %reduce_max3A_961 = arith.constant true
      %reduce_max3A_962 = vector.broadcast %reduce_max3A_961 : i1 to vector<16xi1>
      %reduce_max3A_963 = tpu.scan <max>, %select_n3A_936 masked %reduce_max3A_962 : vector<16xf32>, vector<16xi1> -> vector<16xf32>
      %reduce_max3A_964 = vector.extract %reduce_max3A_963[15] : f32 from vector<16xf32>
      %reduce_max3A_965 = arith.constant true
      %reduce_max3A_966 = vector.broadcast %reduce_max3A_965 : i1 to vector<16xi1>
      %reduce_max3A_967 = tpu.scan <max>, %select_n3A_944 masked %reduce_max3A_966 : vector<16xf32>, vector<16xi1> -> vector<16xf32>
      %reduce_max3A_968 = vector.extract %reduce_max3A_967[15] : f32 from vector<16xf32>
      %max3A_969 = arith.maximumf %reduce_max3A_964, %reduce_max3A_968 : f32
      %reduce_max3A_970 = arith.constant true
      %reduce_max3A_971 = vector.broadcast %reduce_max3A_970 : i1 to vector<16xi1>
      %reduce_max3A_972 = tpu.scan <max>, %select_n3A_952 masked %reduce_max3A_971 : vector<16xf32>, vector<16xi1> -> vector<16xf32>
      %reduce_max3A_973 = vector.extract %reduce_max3A_972[15] : f32 from vector<16xf32>
      %max3A_974 = arith.maximumf %max3A_969, %reduce_max3A_973 : f32
      %reduce_max3A_975 = arith.constant true
      %reduce_max3A_976 = vector.broadcast %reduce_max3A_975 : i1 to vector<16xi1>
      %reduce_max3A_977 = tpu.scan <max>, %select_n3A_960 masked %reduce_max3A_976 : vector<16xf32>, vector<16xi1> -> vector<16xf32>
      %reduce_max3A_978 = vector.extract %reduce_max3A_977[15] : f32 from vector<16xf32>
      %max3A_979 = arith.maximumf %max3A_974, %reduce_max3A_978 : f32
      %add3A_980 = arith.constant 0 : i32
      %add3A_981 = vector.broadcast %add3A_980 : i32 to vector<16xi32>
      %add3A_982 = arith.addi %iota3A, %add3A_981 : vector<16xi32>
      %eq3A_983 = vector.broadcast %max3A_979 : f32 to vector<16xf32>
      %eq3A_984 = arith.cmpf oeq, %select_n3A_936, %eq3A_983 : vector<16xf32>
      %jit3A_985 = arith.constant 1048576 : i32
      %broadcast_in_dim3A_986 = vector.broadcast %jit3A_985 : i32 to vector<16xi32>
      %select_n3A_987 = arith.select %eq3A_984, %add3A_982, %broadcast_in_dim3A_986 : vector<16xi1>, vector<16xi32>
      %reduce_min3A_988 = arith.constant true
      %reduce_min3A_989 = vector.broadcast %reduce_min3A_988 : i1 to vector<16xi1>
      %reduce_min3A_990 = arith.constant -2147483648 : i32
      %reduce_min3A_991 = vector.broadcast %reduce_min3A_990 : i32 to vector<16xi32>
      %reduce_min3A_992 = arith.xori %select_n3A_987, %reduce_min3A_991 : vector<16xi32>
      %reduce_min3A_993 = tpu.scan <min>, %reduce_min3A_992 masked %reduce_min3A_989 : vector<16xi32>, vector<16xi1> -> vector<16xi32>
      %reduce_min3A_994 = arith.xori %reduce_min3A_993, %reduce_min3A_991 : vector<16xi32>
      %reduce_min3A_995 = vector.extract %reduce_min3A_994[15] : i32 from vector<16xi32>
      %min3A_996 = arith.constant 1048576 : i32
      %min3A_997 = arith.minsi %min3A_996, %reduce_min3A_995 : i32
      %add3A_998 = arith.constant 16 : i32
      %add3A_999 = vector.broadcast %add3A_998 : i32 to vector<16xi32>
      %add3A_1000 = arith.addi %iota3A, %add3A_999 : vector<16xi32>
      %eq3A_1001 = vector.broadcast %max3A_979 : f32 to vector<16xf32>
      %eq3A_1002 = arith.cmpf oeq, %select_n3A_944, %eq3A_1001 : vector<16xf32>
      %jit3A_1003 = arith.constant 1048576 : i32
      %broadcast_in_dim3A_1004 = vector.broadcast %jit3A_1003 : i32 to vector<16xi32>
      %select_n3A_1005 = arith.select %eq3A_1002, %add3A_1000, %broadcast_in_dim3A_1004 : vector<16xi1>, vector<16xi32>
      %reduce_min3A_1006 = arith.constant true
      %reduce_min3A_1007 = vector.broadcast %reduce_min3A_1006 : i1 to vector<16xi1>
      %reduce_min3A_1008 = arith.constant -2147483648 : i32
      %reduce_min3A_1009 = vector.broadcast %reduce_min3A_1008 : i32 to vector<16xi32>
      %reduce_min3A_1010 = arith.xori %select_n3A_1005, %reduce_min3A_1009 : vector<16xi32>
      %reduce_min3A_1011 = tpu.scan <min>, %reduce_min3A_1010 masked %reduce_min3A_1007 : vector<16xi32>, vector<16xi1> -> vector<16xi32>
      %reduce_min3A_1012 = arith.xori %reduce_min3A_1011, %reduce_min3A_1009 : vector<16xi32>
      %reduce_min3A_1013 = vector.extract %reduce_min3A_1012[15] : i32 from vector<16xi32>
      %min3A_1014 = arith.minsi %min3A_997, %reduce_min3A_1013 : i32
      %add3A_1015 = arith.constant 32 : i32
      %add3A_1016 = vector.broadcast %add3A_1015 : i32 to vector<16xi32>
      %add3A_1017 = arith.addi %iota3A, %add3A_1016 : vector<16xi32>
      %eq3A_1018 = vector.broadcast %max3A_979 : f32 to vector<16xf32>
      %eq3A_1019 = arith.cmpf oeq, %select_n3A_952, %eq3A_1018 : vector<16xf32>
      %jit3A_1020 = arith.constant 1048576 : i32
      %broadcast_in_dim3A_1021 = vector.broadcast %jit3A_1020 : i32 to vector<16xi32>
      %select_n3A_1022 = arith.select %eq3A_1019, %add3A_1017, %broadcast_in_dim3A_1021 : vector<16xi1>, vector<16xi32>
      %reduce_min3A_1023 = arith.constant true
      %reduce_min3A_1024 = vector.broadcast %reduce_min3A_1023 : i1 to vector<16xi1>
      %reduce_min3A_1025 = arith.constant -2147483648 : i32
      %reduce_min3A_1026 = vector.broadcast %reduce_min3A_1025 : i32 to vector<16xi32>
      %reduce_min3A_1027 = arith.xori %select_n3A_1022, %reduce_min3A_1026 : vector<16xi32>
      %reduce_min3A_1028 = tpu.scan <min>, %reduce_min3A_1027 masked %reduce_min3A_1024 : vector<16xi32>, vector<16xi1> -> vector<16xi32>
      %reduce_min3A_1029 = arith.xori %reduce_min3A_1028, %reduce_min3A_1026 : vector<16xi32>
      %reduce_min3A_1030 = vector.extract %reduce_min3A_1029[15] : i32 from vector<16xi32>
      %min3A_1031 = arith.minsi %min3A_1014, %reduce_min3A_1030 : i32
      %add3A_1032 = arith.constant 48 : i32
      %add3A_1033 = vector.broadcast %add3A_1032 : i32 to vector<16xi32>
      %add3A_1034 = arith.addi %iota3A, %add3A_1033 : vector<16xi32>
      %eq3A_1035 = vector.broadcast %max3A_979 : f32 to vector<16xf32>
      %eq3A_1036 = arith.cmpf oeq, %select_n3A_960, %eq3A_1035 : vector<16xf32>
      %jit3A_1037 = arith.constant 1048576 : i32
      %broadcast_in_dim3A_1038 = vector.broadcast %jit3A_1037 : i32 to vector<16xi32>
      %select_n3A_1039 = arith.select %eq3A_1036, %add3A_1034, %broadcast_in_dim3A_1038 : vector<16xi1>, vector<16xi32>
      %reduce_min3A_1040 = arith.constant true
      %reduce_min3A_1041 = vector.broadcast %reduce_min3A_1040 : i1 to vector<16xi1>
      %reduce_min3A_1042 = arith.constant -2147483648 : i32
      %reduce_min3A_1043 = vector.broadcast %reduce_min3A_1042 : i32 to vector<16xi32>
      %reduce_min3A_1044 = arith.xori %select_n3A_1039, %reduce_min3A_1043 : vector<16xi32>
      %reduce_min3A_1045 = tpu.scan <min>, %reduce_min3A_1044 masked %reduce_min3A_1041 : vector<16xi32>, vector<16xi1> -> vector<16xi32>
      %reduce_min3A_1046 = arith.xori %reduce_min3A_1045, %reduce_min3A_1043 : vector<16xi32>
      %reduce_min3A_1047 = vector.extract %reduce_min3A_1046[15] : i32 from vector<16xi32>
      %min3A_1048 = arith.minsi %min3A_1031, %reduce_min3A_1047 : i32
      %add3A_1049 = arith.constant 0 : i32
      %add3A_1050 = vector.broadcast %add3A_1049 : i32 to vector<16xi32>
      %add3A_1051 = arith.addi %iota3A, %add3A_1050 : vector<16xi32>
      %eq3A_1052 = vector.broadcast %min3A_1048 : i32 to vector<16xi32>
      %eq3A_1053 = arith.cmpi eq, %add3A_1051, %eq3A_1052 : vector<16xi32>
      %jit3A_1054 = arith.constant 0.000000e+00 : f32
      %broadcast_in_dim3A_1055 = vector.broadcast %jit3A_1054 : f32 to vector<16xf32>
      %select_n3A_1056 = arith.select %eq3A_1053, %div3A_780, %broadcast_in_dim3A_1055 : vector<16xi1>, vector<16xf32>
      %reduce_sum3A_1057 = arith.constant true
      %reduce_sum3A_1058 = vector.broadcast %reduce_sum3A_1057 : i1 to vector<16xi1>
      %reduce_sum3A_1059 = tpu.scan <sum>, %select_n3A_1056 masked %reduce_sum3A_1058 : vector<16xf32>, vector<16xi1> -> vector<16xf32>
      %reduce_sum3A_1060 = vector.extract %reduce_sum3A_1059[15] : f32 from vector<16xf32>
      %add3A_1061 = arith.constant 0.000000e+00 : f32
      %add3A_1062 = arith.addf %add3A_1061, %reduce_sum3A_1060 : f32
      %add3A_1063 = arith.constant 16 : i32
      %add3A_1064 = vector.broadcast %add3A_1063 : i32 to vector<16xi32>
      %add3A_1065 = arith.addi %iota3A, %add3A_1064 : vector<16xi32>
      %eq3A_1066 = vector.broadcast %min3A_1048 : i32 to vector<16xi32>
      %eq3A_1067 = arith.cmpi eq, %add3A_1065, %eq3A_1066 : vector<16xi32>
      %jit3A_1068 = arith.constant 0.000000e+00 : f32
      %broadcast_in_dim3A_1069 = vector.broadcast %jit3A_1068 : f32 to vector<16xf32>
      %select_n3A_1070 = arith.select %eq3A_1067, %div3A_781, %broadcast_in_dim3A_1069 : vector<16xi1>, vector<16xf32>
      %reduce_sum3A_1071 = arith.constant true
      %reduce_sum3A_1072 = vector.broadcast %reduce_sum3A_1071 : i1 to vector<16xi1>
      %reduce_sum3A_1073 = tpu.scan <sum>, %select_n3A_1070 masked %reduce_sum3A_1072 : vector<16xf32>, vector<16xi1> -> vector<16xf32>
      %reduce_sum3A_1074 = vector.extract %reduce_sum3A_1073[15] : f32 from vector<16xf32>
      %add3A_1075 = arith.addf %add3A_1062, %reduce_sum3A_1074 : f32
      %add3A_1076 = arith.constant 32 : i32
      %add3A_1077 = vector.broadcast %add3A_1076 : i32 to vector<16xi32>
      %add3A_1078 = arith.addi %iota3A, %add3A_1077 : vector<16xi32>
      %eq3A_1079 = vector.broadcast %min3A_1048 : i32 to vector<16xi32>
      %eq3A_1080 = arith.cmpi eq, %add3A_1078, %eq3A_1079 : vector<16xi32>
      %jit3A_1081 = arith.constant 0.000000e+00 : f32
      %broadcast_in_dim3A_1082 = vector.broadcast %jit3A_1081 : f32 to vector<16xf32>
      %select_n3A_1083 = arith.select %eq3A_1080, %div3A_782, %broadcast_in_dim3A_1082 : vector<16xi1>, vector<16xf32>
      %reduce_sum3A_1084 = arith.constant true
      %reduce_sum3A_1085 = vector.broadcast %reduce_sum3A_1084 : i1 to vector<16xi1>
      %reduce_sum3A_1086 = tpu.scan <sum>, %select_n3A_1083 masked %reduce_sum3A_1085 : vector<16xf32>, vector<16xi1> -> vector<16xf32>
      %reduce_sum3A_1087 = vector.extract %reduce_sum3A_1086[15] : f32 from vector<16xf32>
      %add3A_1088 = arith.addf %add3A_1075, %reduce_sum3A_1087 : f32
      %add3A_1089 = arith.constant 48 : i32
      %add3A_1090 = vector.broadcast %add3A_1089 : i32 to vector<16xi32>
      %add3A_1091 = arith.addi %iota3A, %add3A_1090 : vector<16xi32>
      %eq3A_1092 = vector.broadcast %min3A_1048 : i32 to vector<16xi32>
      %eq3A_1093 = arith.cmpi eq, %add3A_1091, %eq3A_1092 : vector<16xi32>
      %jit3A_1094 = arith.constant 0.000000e+00 : f32
      %broadcast_in_dim3A_1095 = vector.broadcast %jit3A_1094 : f32 to vector<16xf32>
      %select_n3A_1096 = arith.select %eq3A_1093, %div3A_783, %broadcast_in_dim3A_1095 : vector<16xi1>, vector<16xf32>
      %reduce_sum3A_1097 = arith.constant true
      %reduce_sum3A_1098 = vector.broadcast %reduce_sum3A_1097 : i1 to vector<16xi1>
      %reduce_sum3A_1099 = tpu.scan <sum>, %select_n3A_1096 masked %reduce_sum3A_1098 : vector<16xf32>, vector<16xi1> -> vector<16xf32>
      %reduce_sum3A_1100 = vector.extract %reduce_sum3A_1099[15] : f32 from vector<16xf32>
      %add3A_1101 = arith.addf %add3A_1088, %reduce_sum3A_1100 : f32
      %add3A_1102 = arith.addf %add3A_928, %add3A_1101 : f32
      %add3A_1103 = vector.broadcast %add3A_1102 : f32 to vector<16xf32>
      %add3A_1104 = arith.addf %broadcast_in_dim3A_0, %add3A_1103 : vector<16xf32>
      %max3A_1105 = arith.constant 9.99999996E-13 : f32
      %max3A_1106 = vector.broadcast %max3A_1105 : f32 to vector<16xf32>
      %max3A_1107 = arith.maximumf %add3A_1104, %max3A_1106 : vector<16xf32>
      %add3A_1108 = vector.broadcast %add3A_928 : f32 to vector<16xf32>
      %add3A_1109 = arith.addf %broadcast_in_dim3A_0, %add3A_1108 : vector<16xf32>
      %div3A_1110 = arith.divf %add3A_1109, %max3A_1107 : vector<16xf32>
      %add3A_1111 = vector.broadcast %add3A_1101 : f32 to vector<16xf32>
      %add3A_1112 = arith.addf %broadcast_in_dim3A_0, %add3A_1111 : vector<16xf32>
      %div3A_1113 = arith.divf %add3A_1112, %max3A_1107 : vector<16xf32>
      %add3A_1114 = arith.constant 0 : i32
      %add3A_1115 = vector.broadcast %add3A_1114 : i32 to vector<16xi32>
      %add3A_1116 = arith.addi %iota3A, %add3A_1115 : vector<16xi32>
      %eq3A_1117 = vector.broadcast %min3A_875 : i32 to vector<16xi32>
      %eq3A_1118 = arith.cmpi eq, %add3A_1116, %eq3A_1117 : vector<16xi32>
      %jit3A_1119 = arith.constant 0.000000e+00 : f32
      %broadcast_in_dim3A_1120 = vector.broadcast %jit3A_1119 : f32 to vector<16xf32>
      %select_n3A_1121 = arith.select %eq3A_1118, %div3A_1110, %broadcast_in_dim3A_1120 : vector<16xi1>, vector<16xf32>
      %eq3A_1122 = vector.broadcast %min3A_1048 : i32 to vector<16xi32>
      %eq3A_1123 = arith.cmpi eq, %add3A_1116, %eq3A_1122 : vector<16xi32>
      %jit3A_1124 = arith.constant 0.000000e+00 : f32
      %broadcast_in_dim3A_1125 = vector.broadcast %jit3A_1124 : f32 to vector<16xf32>
      %select_n3A_1126 = arith.select %eq3A_1123, %div3A_1113, %broadcast_in_dim3A_1125 : vector<16xi1>, vector<16xf32>
      %add3A_1127 = arith.addf %select_n3A_1121, %select_n3A_1126 : vector<16xf32>
      %mul3A_1128 = vector.broadcast %select_n3A_637 : f32 to vector<16xf32>
      %mul3A_1129 = arith.mulf %add3A_1127, %mul3A_1128 : vector<16xf32>
      %swap3A_1130 = arith.constant 0 : index
      %swap3A_1131 = tpu.vector_load %arg10[%swap3A_1130] {strides = array<i32>} : memref<256xf32, #tpu.memory_space<vmem>>, vector<16xf32>,
      tpu.vector_store %arg10[%swap3A_1130], %mul3A_1129 {strides = array<i32>} : memref<256xf32, #tpu.memory_space<vmem>>, vector<16xf32>,
      %mul3A_1132 = vector.broadcast %sub3A_639 : f32 to vector<16xf32>
      %mul3A_1133 = arith.mulf %add3A_1127, %mul3A_1132 : vector<16xf32>
      %swap3A_1134 = arith.constant 128 : index
      %swap3A_1135 = tpu.vector_load %arg10[%swap3A_1134] {strides = array<i32>} : memref<256xf32, #tpu.memory_space<vmem>>, vector<16xf32>,
      tpu.vector_store %arg10[%swap3A_1134], %mul3A_1133 {strides = array<i32>} : memref<256xf32, #tpu.memory_space<vmem>>, vector<16xf32>,
      %add3A_1136 = arith.constant 16 : i32
      %add3A_1137 = vector.broadcast %add3A_1136 : i32 to vector<16xi32>
      %add3A_1138 = arith.addi %iota3A, %add3A_1137 : vector<16xi32>
      %eq3A_1139 = vector.broadcast %min3A_875 : i32 to vector<16xi32>
      %eq3A_1140 = arith.cmpi eq, %add3A_1138, %eq3A_1139 : vector<16xi32>
      %jit3A_1141 = arith.constant 0.000000e+00 : f32
      %broadcast_in_dim3A_1142 = vector.broadcast %jit3A_1141 : f32 to vector<16xf32>
      %select_n3A_1143 = arith.select %eq3A_1140, %div3A_1110, %broadcast_in_dim3A_1142 : vector<16xi1>, vector<16xf32>
      %eq3A_1144 = vector.broadcast %min3A_1048 : i32 to vector<16xi32>
      %eq3A_1145 = arith.cmpi eq, %add3A_1138, %eq3A_1144 : vector<16xi32>
      %jit3A_1146 = arith.constant 0.000000e+00 : f32
      %broadcast_in_dim3A_1147 = vector.broadcast %jit3A_1146 : f32 to vector<16xf32>
      %select_n3A_1148 = arith.select %eq3A_1145, %div3A_1113, %broadcast_in_dim3A_1147 : vector<16xi1>, vector<16xf32>
      %add3A_1149 = arith.addf %select_n3A_1143, %select_n3A_1148 : vector<16xf32>
      %mul3A_1150 = vector.broadcast %select_n3A_637 : f32 to vector<16xf32>
      %mul3A_1151 = arith.mulf %add3A_1149, %mul3A_1150 : vector<16xf32>
      %swap3A_1152 = arith.constant 16 : index
      %swap3A_1153 = tpu.vector_load %arg10[%swap3A_1152] {strides = array<i32>} : memref<256xf32, #tpu.memory_space<vmem>>, vector<16xf32>,
      tpu.vector_store %arg10[%swap3A_1152], %mul3A_1151 {strides = array<i32>} : memref<256xf32, #tpu.memory_space<vmem>>, vector<16xf32>,
      %mul3A_1154 = vector.broadcast %sub3A_639 : f32 to vector<16xf32>
      %mul3A_1155 = arith.mulf %add3A_1149, %mul3A_1154 : vector<16xf32>
      %swap3A_1156 = arith.constant 144 : index
      %swap3A_1157 = tpu.vector_load %arg10[%swap3A_1156] {strides = array<i32>} : memref<256xf32, #tpu.memory_space<vmem>>, vector<16xf32>,
      tpu.vector_store %arg10[%swap3A_1156], %mul3A_1155 {strides = array<i32>} : memref<256xf32, #tpu.memory_space<vmem>>, vector<16xf32>,
      %add3A_1158 = arith.constant 32 : i32
      %add3A_1159 = vector.broadcast %add3A_1158 : i32 to vector<16xi32>
      %add3A_1160 = arith.addi %iota3A, %add3A_1159 : vector<16xi32>
      %eq3A_1161 = vector.broadcast %min3A_875 : i32 to vector<16xi32>
      %eq3A_1162 = arith.cmpi eq, %add3A_1160, %eq3A_1161 : vector<16xi32>
      %jit3A_1163 = arith.constant 0.000000e+00 : f32
      %broadcast_in_dim3A_1164 = vector.broadcast %jit3A_1163 : f32 to vector<16xf32>
      %select_n3A_1165 = arith.select %eq3A_1162, %div3A_1110, %broadcast_in_dim3A_1164 : vector<16xi1>, vector<16xf32>
      %eq3A_1166 = vector.broadcast %min3A_1048 : i32 to vector<16xi32>
      %eq3A_1167 = arith.cmpi eq, %add3A_1160, %eq3A_1166 : vector<16xi32>
      %jit3A_1168 = arith.constant 0.000000e+00 : f32
      %broadcast_in_dim3A_1169 = vector.broadcast %jit3A_1168 : f32 to vector<16xf32>
      %select_n3A_1170 = arith.select %eq3A_1167, %div3A_1113, %broadcast_in_dim3A_1169 : vector<16xi1>, vector<16xf32>
      %add3A_1171 = arith.addf %select_n3A_1165, %select_n3A_1170 : vector<16xf32>
      %mul3A_1172 = vector.broadcast %select_n3A_637 : f32 to vector<16xf32>
      %mul3A_1173 = arith.mulf %add3A_1171, %mul3A_1172 : vector<16xf32>
      %swap3A_1174 = arith.constant 32 : index
      %swap3A_1175 = tpu.vector_load %arg10[%swap3A_1174] {strides = array<i32>} : memref<256xf32, #tpu.memory_space<vmem>>, vector<16xf32>,
      tpu.vector_store %arg10[%swap3A_1174], %mul3A_1173 {strides = array<i32>} : memref<256xf32, #tpu.memory_space<vmem>>, vector<16xf32>,
      %mul3A_1176 = vector.broadcast %sub3A_639 : f32 to vector<16xf32>
      %mul3A_1177 = arith.mulf %add3A_1171, %mul3A_1176 : vector<16xf32>
      %swap3A_1178 = arith.constant 160 : index
      %swap3A_1179 = tpu.vector_load %arg10[%swap3A_1178] {strides = array<i32>} : memref<256xf32, #tpu.memory_space<vmem>>, vector<16xf32>,
      tpu.vector_store %arg10[%swap3A_1178], %mul3A_1177 {strides = array<i32>} : memref<256xf32, #tpu.memory_space<vmem>>, vector<16xf32>,
      %add3A_1180 = arith.constant 48 : i32
      %add3A_1181 = vector.broadcast %add3A_1180 : i32 to vector<16xi32>
      %add3A_1182 = arith.addi %iota3A, %add3A_1181 : vector<16xi32>
      %eq3A_1183 = vector.broadcast %min3A_875 : i32 to vector<16xi32>
      %eq3A_1184 = arith.cmpi eq, %add3A_1182, %eq3A_1183 : vector<16xi32>
      %jit3A_1185 = arith.constant 0.000000e+00 : f32
      %broadcast_in_dim3A_1186 = vector.broadcast %jit3A_1185 : f32 to vector<16xf32>
      %select_n3A_1187 = arith.select %eq3A_1184, %div3A_1110, %broadcast_in_dim3A_1186 : vector<16xi1>, vector<16xf32>
      %eq3A_1188 = vector.broadcast %min3A_1048 : i32 to vector<16xi32>
      %eq3A_1189 = arith.cmpi eq, %add3A_1182, %eq3A_1188 : vector<16xi32>
      %jit3A_1190 = arith.constant 0.000000e+00 : f32
      %broadcast_in_dim3A_1191 = vector.broadcast %jit3A_1190 : f32 to vector<16xf32>
      %select_n3A_1192 = arith.select %eq3A_1189, %div3A_1113, %broadcast_in_dim3A_1191 : vector<16xi1>, vector<16xf32>
      %add3A_1193 = arith.addf %select_n3A_1187, %select_n3A_1192 : vector<16xf32>
      %mul3A_1194 = vector.broadcast %select_n3A_637 : f32 to vector<16xf32>
      %mul3A_1195 = arith.mulf %add3A_1193, %mul3A_1194 : vector<16xf32>
      %swap3A_1196 = arith.constant 48 : index
      %swap3A_1197 = tpu.vector_load %arg10[%swap3A_1196] {strides = array<i32>} : memref<256xf32, #tpu.memory_space<vmem>>, vector<16xf32>,
      tpu.vector_store %arg10[%swap3A_1196], %mul3A_1195 {strides = array<i32>} : memref<256xf32, #tpu.memory_space<vmem>>, vector<16xf32>,
      %mul3A_1198 = vector.broadcast %sub3A_639 : f32 to vector<16xf32>
      %mul3A_1199 = arith.mulf %add3A_1193, %mul3A_1198 : vector<16xf32>
      %swap3A_1200 = arith.constant 176 : index
      %swap3A_1201 = tpu.vector_load %arg10[%swap3A_1200] {strides = array<i32>} : memref<256xf32, #tpu.memory_space<vmem>>, vector<16xf32>,
      tpu.vector_store %arg10[%swap3A_1200], %mul3A_1199 {strides = array<i32>} : memref<256xf32, #tpu.memory_space<vmem>>, vector<16xf32>,
      %get3A_1202 = arith.constant 0 : index
      %get3A_1203 = tpu.vector_load %arg9[%get3A_1202] {strides = array<i32>} : memref<256xf32, #tpu.memory_space<vmem>>, vector<16xf32>,
      %get3A_1204 = arith.constant 0 : index
      %get3A_1205 = tpu.vector_load %arg10[%get3A_1204] {strides = array<i32>} : memref<256xf32, #tpu.memory_space<vmem>>, vector<16xf32>,
      %add3A_1206 = arith.addf %get3A_1203, %get3A_1205 : vector<16xf32>
      %swap3A_1207 = arith.constant 0 : index
      %swap3A_1208 = tpu.vector_load %arg11[%swap3A_1207] {strides = array<i32>} : memref<256xf32, #tpu.memory_space<vmem>>, vector<16xf32>,
      tpu.vector_store %arg11[%swap3A_1207], %add3A_1206 {strides = array<i32>} : memref<256xf32, #tpu.memory_space<vmem>>, vector<16xf32>,
      %get3A_1209 = arith.constant 16 : index
      %get3A_1210 = tpu.vector_load %arg9[%get3A_1209] {strides = array<i32>} : memref<256xf32, #tpu.memory_space<vmem>>, vector<16xf32>,
      %get3A_1211 = arith.constant 16 : index
      %get3A_1212 = tpu.vector_load %arg10[%get3A_1211] {strides = array<i32>} : memref<256xf32, #tpu.memory_space<vmem>>, vector<16xf32>,
      %add3A_1213 = arith.addf %get3A_1210, %get3A_1212 : vector<16xf32>
      %swap3A_1214 = arith.constant 16 : index
      %swap3A_1215 = tpu.vector_load %arg11[%swap3A_1214] {strides = array<i32>} : memref<256xf32, #tpu.memory_space<vmem>>, vector<16xf32>,
      tpu.vector_store %arg11[%swap3A_1214], %add3A_1213 {strides = array<i32>} : memref<256xf32, #tpu.memory_space<vmem>>, vector<16xf32>,
      %get3A_1216 = arith.constant 32 : index
      %get3A_1217 = tpu.vector_load %arg9[%get3A_1216] {strides = array<i32>} : memref<256xf32, #tpu.memory_space<vmem>>, vector<16xf32>,
      %get3A_1218 = arith.constant 32 : index
      %get3A_1219 = tpu.vector_load %arg10[%get3A_1218] {strides = array<i32>} : memref<256xf32, #tpu.memory_space<vmem>>, vector<16xf32>,
      %add3A_1220 = arith.addf %get3A_1217, %get3A_1219 : vector<16xf32>
      %swap3A_1221 = arith.constant 32 : index
      %swap3A_1222 = tpu.vector_load %arg11[%swap3A_1221] {strides = array<i32>} : memref<256xf32, #tpu.memory_space<vmem>>, vector<16xf32>,
      tpu.vector_store %arg11[%swap3A_1221], %add3A_1220 {strides = array<i32>} : memref<256xf32, #tpu.memory_space<vmem>>, vector<16xf32>,
      %get3A_1223 = arith.constant 48 : index
      %get3A_1224 = tpu.vector_load %arg9[%get3A_1223] {strides = array<i32>} : memref<256xf32, #tpu.memory_space<vmem>>, vector<16xf32>,
      %get3A_1225 = arith.constant 48 : index
      %get3A_1226 = tpu.vector_load %arg10[%get3A_1225] {strides = array<i32>} : memref<256xf32, #tpu.memory_space<vmem>>, vector<16xf32>,
      %add3A_1227 = arith.addf %get3A_1224, %get3A_1226 : vector<16xf32>
      %swap3A_1228 = arith.constant 48 : index
      %swap3A_1229 = tpu.vector_load %arg11[%swap3A_1228] {strides = array<i32>} : memref<256xf32, #tpu.memory_space<vmem>>, vector<16xf32>,
      tpu.vector_store %arg11[%swap3A_1228], %add3A_1227 {strides = array<i32>} : memref<256xf32, #tpu.memory_space<vmem>>, vector<16xf32>,
      %get3A_1230 = arith.constant 128 : index
      %get3A_1231 = tpu.vector_load %arg9[%get3A_1230] {strides = array<i32>} : memref<256xf32, #tpu.memory_space<vmem>>, vector<16xf32>,
      %get3A_1232 = arith.constant 128 : index
      %get3A_1233 = tpu.vector_load %arg10[%get3A_1232] {strides = array<i32>} : memref<256xf32, #tpu.memory_space<vmem>>, vector<16xf32>,
      %add3A_1234 = arith.addf %get3A_1231, %get3A_1233 : vector<16xf32>
      %swap3A_1235 = arith.constant 128 : index
      %swap3A_1236 = tpu.vector_load %arg11[%swap3A_1235] {strides = array<i32>} : memref<256xf32, #tpu.memory_space<vmem>>, vector<16xf32>,
      tpu.vector_store %arg11[%swap3A_1235], %add3A_1234 {strides = array<i32>} : memref<256xf32, #tpu.memory_space<vmem>>, vector<16xf32>,
      %get3A_1237 = arith.constant 144 : index
      %get3A_1238 = tpu.vector_load %arg9[%get3A_1237] {strides = array<i32>} : memref<256xf32, #tpu.memory_space<vmem>>, vector<16xf32>,
      %get3A_1239 = arith.constant 144 : index
      %get3A_1240 = tpu.vector_load %arg10[%get3A_1239] {strides = array<i32>} : memref<256xf32, #tpu.memory_space<vmem>>, vector<16xf32>,
      %add3A_1241 = arith.addf %get3A_1238, %get3A_1240 : vector<16xf32>
      %swap3A_1242 = arith.constant 144 : index
      %swap3A_1243 = tpu.vector_load %arg11[%swap3A_1242] {strides = array<i32>} : memref<256xf32, #tpu.memory_space<vmem>>, vector<16xf32>,
      tpu.vector_store %arg11[%swap3A_1242], %add3A_1241 {strides = array<i32>} : memref<256xf32, #tpu.memory_space<vmem>>, vector<16xf32>,
      %get3A_1244 = arith.constant 160 : index
      %get3A_1245 = tpu.vector_load %arg9[%get3A_1244] {strides = array<i32>} : memref<256xf32, #tpu.memory_space<vmem>>, vector<16xf32>,
      %get3A_1246 = arith.constant 160 : index
      %get3A_1247 = tpu.vector_load %arg10[%get3A_1246] {strides = array<i32>} : memref<256xf32, #tpu.memory_space<vmem>>, vector<16xf32>,
      %add3A_1248 = arith.addf %get3A_1245, %get3A_1247 : vector<16xf32>
      %swap3A_1249 = arith.constant 160 : index
      %swap3A_1250 = tpu.vector_load %arg11[%swap3A_1249] {strides = array<i32>} : memref<256xf32, #tpu.memory_space<vmem>>, vector<16xf32>,
      tpu.vector_store %arg11[%swap3A_1249], %add3A_1248 {strides = array<i32>} : memref<256xf32, #tpu.memory_space<vmem>>, vector<16xf32>,
      %get3A_1251 = arith.constant 176 : index
      %get3A_1252 = tpu.vector_load %arg9[%get3A_1251] {strides = array<i32>} : memref<256xf32, #tpu.memory_space<vmem>>, vector<16xf32>,
      %get3A_1253 = arith.constant 176 : index
      %get3A_1254 = tpu.vector_load %arg10[%get3A_1253] {strides = array<i32>} : memref<256xf32, #tpu.memory_space<vmem>>, vector<16xf32>,
      %add3A_1255 = arith.addf %get3A_1252, %get3A_1254 : vector<16xf32>
      %swap3A_1256 = arith.constant 176 : index
      %swap3A_1257 = tpu.vector_load %arg11[%swap3A_1256] {strides = array<i32>} : memref<256xf32, #tpu.memory_space<vmem>>, vector<16xf32>,
      tpu.vector_store %arg11[%swap3A_1256], %add3A_1255 {strides = array<i32>} : memref<256xf32, #tpu.memory_space<vmem>>, vector<16xf32>,
      %swap3A_1258 = arith.constant 64 : index
      %swap3A_1259 = tpu.vector_load %arg11[%swap3A_1258] {strides = array<i32>} : memref<256xf32, #tpu.memory_space<vmem>>, vector<16xf32>,
      tpu.vector_store %arg11[%swap3A_1258], %broadcast_in_dim3A_0 {strides = array<i32>} : memref<256xf32, #tpu.memory_space<vmem>>, vector<16xf32>,
      %swap3A_1260 = arith.constant 80 : index
      %swap3A_1261 = tpu.vector_load %arg11[%swap3A_1260] {strides = array<i32>} : memref<256xf32, #tpu.memory_space<vmem>>, vector<16xf32>,
      tpu.vector_store %arg11[%swap3A_1260], %broadcast_in_dim3A_0 {strides = array<i32>} : memref<256xf32, #tpu.memory_space<vmem>>, vector<16xf32>,
      %swap3A_1262 = arith.constant 96 : index
      %swap3A_1263 = tpu.vector_load %arg11[%swap3A_1262] {strides = array<i32>} : memref<256xf32, #tpu.memory_space<vmem>>, vector<16xf32>,
      tpu.vector_store %arg11[%swap3A_1262], %broadcast_in_dim3A_0 {strides = array<i32>} : memref<256xf32, #tpu.memory_space<vmem>>, vector<16xf32>,
      %swap3A_1264 = arith.constant 112 : index
      %swap3A_1265 = tpu.vector_load %arg11[%swap3A_1264] {strides = array<i32>} : memref<256xf32, #tpu.memory_space<vmem>>, vector<16xf32>,
      tpu.vector_store %arg11[%swap3A_1264], %broadcast_in_dim3A_0 {strides = array<i32>} : memref<256xf32, #tpu.memory_space<vmem>>, vector<16xf32>,
      %swap3A_1266 = arith.constant 192 : index
      %swap3A_1267 = tpu.vector_load %arg11[%swap3A_1266] {strides = array<i32>} : memref<256xf32, #tpu.memory_space<vmem>>, vector<16xf32>,
      tpu.vector_store %arg11[%swap3A_1266], %broadcast_in_dim3A_0 {strides = array<i32>} : memref<256xf32, #tpu.memory_space<vmem>>, vector<16xf32>,
      %swap3A_1268 = arith.constant 208 : index
      %swap3A_1269 = tpu.vector_load %arg11[%swap3A_1268] {strides = array<i32>} : memref<256xf32, #tpu.memory_space<vmem>>, vector<16xf32>,
      tpu.vector_store %arg11[%swap3A_1268], %broadcast_in_dim3A_0 {strides = array<i32>} : memref<256xf32, #tpu.memory_space<vmem>>, vector<16xf32>,
      %swap3A_1270 = arith.constant 224 : index
      %swap3A_1271 = tpu.vector_load %arg11[%swap3A_1270] {strides = array<i32>} : memref<256xf32, #tpu.memory_space<vmem>>, vector<16xf32>,
      tpu.vector_store %arg11[%swap3A_1270], %broadcast_in_dim3A_0 {strides = array<i32>} : memref<256xf32, #tpu.memory_space<vmem>>, vector<16xf32>,
      %swap3A_1272 = arith.constant 240 : index
      %swap3A_1273 = tpu.vector_load %arg11[%swap3A_1272] {strides = array<i32>} : memref<256xf32, #tpu.memory_space<vmem>>, vector<16xf32>,
      tpu.vector_store %arg11[%swap3A_1272], %broadcast_in_dim3A_0 {strides = array<i32>} : memref<256xf32, #tpu.memory_space<vmem>>, vector<16xf32>,
      "tpu.region"() ({
        %run_scoped3A = tpu.sem_alloc : memref<!tpu.dma_semaphore, #tpu.memory_space<semaphore_mem>>
        %dma_start3A = arith.constant 0 : i32
        %dma_start3A_1276 = tpu.memref_slice %arg4[%arg1, %dma_start3A] : memref<32x256xf32, #tpu.memory_space<hbm>> -> memref<1x256xf32, #tpu.memory_space<hbm>>
        %dma_start3A_1277 = tpu.memref_squeeze %dma_start3A_1276 : memref<1x256xf32, #tpu.memory_space<hbm>> -> memref<256xf32, #tpu.memory_space<hbm>>
        %dma_start3A_1278 = arith.constant 0 : i32
        %dma_start3A_1279 = tpu.memref_slice %arg4[%arg1, %dma_start3A_1278] : memref<32x256xf32, #tpu.memory_space<hbm>> -> memref<1x256xf32, #tpu.memory_space<hbm>>
        %dma_start3A_1280 = tpu.memref_squeeze %dma_start3A_1279 : memref<1x256xf32, #tpu.memory_space<hbm>> -> memref<256xf32, #tpu.memory_space<hbm>>
        tpu.enqueue_dma source(%arg9 : memref<256xf32, #tpu.memory_space<vmem>>) target(%dma_start3A_1280 : memref<256xf32, #tpu.memory_space<hbm>>) target_semaphore(%run_scoped3A : memref<!tpu.dma_semaphore, #tpu.memory_space<semaphore_mem>>)
        %dma_wait3A = arith.constant 0 : i32
        %dma_wait3A_1281 = tpu.memref_slice %arg4[%arg1, %dma_wait3A] : memref<32x256xf32, #tpu.memory_space<hbm>> -> memref<1x256xf32, #tpu.memory_space<hbm>>
        %dma_wait3A_1282 = tpu.memref_squeeze %dma_wait3A_1281 : memref<1x256xf32, #tpu.memory_space<hbm>> -> memref<256xf32, #tpu.memory_space<hbm>>
        %dma_wait3A_1283 = arith.constant 0 : i32
        %dma_wait3A_1284 = tpu.memref_slice %arg4[%arg1, %dma_wait3A_1283] : memref<32x256xf32, #tpu.memory_space<hbm>> -> memref<1x256xf32, #tpu.memory_space<hbm>>
        %dma_wait3A_1285 = tpu.memref_squeeze %dma_wait3A_1284 : memref<1x256xf32, #tpu.memory_space<hbm>> -> memref<256xf32, #tpu.memory_space<hbm>>
        tpu.wait_dma2 semaphore(%run_scoped3A : memref<!tpu.dma_semaphore, #tpu.memory_space<semaphore_mem>>) src(%arg9 : memref<256xf32, #tpu.memory_space<vmem>>) dst(%dma_wait3A_1285 : memref<256xf32, #tpu.memory_space<hbm>>)
        tpu.yield
      }) : () -> ()
      %add3A_1274 = arith.constant 16 : i32
      %add3A_1275 = arith.addi %arg1, %add3A_1274 : i32
      "tpu.region"() ({
        %run_scoped3A = tpu.sem_alloc : memref<!tpu.dma_semaphore, #tpu.memory_space<semaphore_mem>>
        %dma_start3A = arith.constant 0 : i32
        %dma_start3A_1276 = tpu.memref_slice %arg4[%add3A_1275, %dma_start3A] : memref<32x256xf32, #tpu.memory_space<hbm>> -> memref<1x256xf32, #tpu.memory_space<hbm>>
        %dma_start3A_1277 = tpu.memref_squeeze %dma_start3A_1276 : memref<1x256xf32, #tpu.memory_space<hbm>> -> memref<256xf32, #tpu.memory_space<hbm>>
        %dma_start3A_1278 = arith.constant 0 : i32
        %dma_start3A_1279 = tpu.memref_slice %arg4[%add3A_1275, %dma_start3A_1278] : memref<32x256xf32, #tpu.memory_space<hbm>> -> memref<1x256xf32, #tpu.memory_space<hbm>>
        %dma_start3A_1280 = tpu.memref_squeeze %dma_start3A_1279 : memref<1x256xf32, #tpu.memory_space<hbm>> -> memref<256xf32, #tpu.memory_space<hbm>>
        tpu.enqueue_dma source(%arg10 : memref<256xf32, #tpu.memory_space<vmem>>) target(%dma_start3A_1280 : memref<256xf32, #tpu.memory_space<hbm>>) target_semaphore(%run_scoped3A : memref<!tpu.dma_semaphore, #tpu.memory_space<semaphore_mem>>)
        %dma_wait3A = arith.constant 0 : i32
        %dma_wait3A_1281 = tpu.memref_slice %arg4[%add3A_1275, %dma_wait3A] : memref<32x256xf32, #tpu.memory_space<hbm>> -> memref<1x256xf32, #tpu.memory_space<hbm>>
        %dma_wait3A_1282 = tpu.memref_squeeze %dma_wait3A_1281 : memref<1x256xf32, #tpu.memory_space<hbm>> -> memref<256xf32, #tpu.memory_space<hbm>>
        %dma_wait3A_1283 = arith.constant 0 : i32
        %dma_wait3A_1284 = tpu.memref_slice %arg4[%add3A_1275, %dma_wait3A_1283] : memref<32x256xf32, #tpu.memory_space<hbm>> -> memref<1x256xf32, #tpu.memory_space<hbm>>
        %dma_wait3A_1285 = tpu.memref_squeeze %dma_wait3A_1284 : memref<1x256xf32, #tpu.memory_space<hbm>> -> memref<256xf32, #tpu.memory_space<hbm>>
        tpu.wait_dma2 semaphore(%run_scoped3A : memref<!tpu.dma_semaphore, #tpu.memory_space<semaphore_mem>>) src(%arg10 : memref<256xf32, #tpu.memory_space<vmem>>) dst(%dma_wait3A_1285 : memref<256xf32, #tpu.memory_space<hbm>>)
        tpu.yield
      }) : () -> ()
      "tpu.region"() ({
        %run_scoped3A = tpu.sem_alloc : memref<!tpu.dma_semaphore, #tpu.memory_space<semaphore_mem>>
        %dma_start3A = arith.constant 0 : i32
        %dma_start3A_1276 = tpu.memref_slice %arg13[%arg1, %dma_start3A] : memref<16x256xf32, #tpu.memory_space<vmem_shared>> -> memref<1x256xf32, #tpu.memory_space<vmem_shared>>
        %dma_start3A_1277 = tpu.memref_squeeze %dma_start3A_1276 : memref<1x256xf32, #tpu.memory_space<vmem_shared>> -> memref<256xf32, #tpu.memory_space<vmem_shared>>
        %dma_start3A_1278 = arith.constant 0 : i32
        %dma_start3A_1279 = tpu.memref_slice %arg13[%arg1, %dma_start3A_1278] : memref<16x256xf32, #tpu.memory_space<vmem_shared>> -> memref<1x256xf32, #tpu.memory_space<vmem_shared>>
        %dma_start3A_1280 = tpu.memref_squeeze %dma_start3A_1279 : memref<1x256xf32, #tpu.memory_space<vmem_shared>> -> memref<256xf32, #tpu.memory_space<vmem_shared>>
        tpu.enqueue_dma source(%arg11 : memref<256xf32, #tpu.memory_space<vmem>>) target(%dma_start3A_1280 : memref<256xf32, #tpu.memory_space<vmem_shared>>) target_semaphore(%run_scoped3A : memref<!tpu.dma_semaphore, #tpu.memory_space<semaphore_mem>>)
        %dma_wait3A = arith.constant 0 : i32
        %dma_wait3A_1281 = tpu.memref_slice %arg13[%arg1, %dma_wait3A] : memref<16x256xf32, #tpu.memory_space<vmem_shared>> -> memref<1x256xf32, #tpu.memory_space<vmem_shared>>
        %dma_wait3A_1282 = tpu.memref_squeeze %dma_wait3A_1281 : memref<1x256xf32, #tpu.memory_space<vmem_shared>> -> memref<256xf32, #tpu.memory_space<vmem_shared>>
        %dma_wait3A_1283 = arith.constant 0 : i32
        %dma_wait3A_1284 = tpu.memref_slice %arg13[%arg1, %dma_wait3A_1283] : memref<16x256xf32, #tpu.memory_space<vmem_shared>> -> memref<1x256xf32, #tpu.memory_space<vmem_shared>>
        %dma_wait3A_1285 = tpu.memref_squeeze %dma_wait3A_1284 : memref<1x256xf32, #tpu.memory_space<vmem_shared>> -> memref<256xf32, #tpu.memory_space<vmem_shared>>
        tpu.wait_dma2 semaphore(%run_scoped3A : memref<!tpu.dma_semaphore, #tpu.memory_space<semaphore_mem>>) src(%arg11 : memref<256xf32, #tpu.memory_space<vmem>>) dst(%dma_wait3A_1285 : memref<256xf32, #tpu.memory_space<vmem_shared>>)
        tpu.yield
      }) : () -> ()
    } else {
    }
    %barrier3A = arith.constant 0 : index
    tpu.barrier barrier_id(%barrier3A)
    %eq3A_3 = arith.constant 0 : i32
    %eq3A_4 = arith.cmpi eq, %arg0, %eq3A_3 : i32
    %eq3A_5 = arith.constant 0 : i32
    %eq3A_6 = arith.cmpi eq, %arg1, %eq3A_5 : i32
    %and3A = arith.andi %eq3A_4, %eq3A_6 : i1
    %convert_element_type3A_7 = arith.extui %and3A : i1 to i32
    %cond3A_8 = arith.constant 0 : i32
    %cond3A_9 = arith.cmpi ne, %convert_element_type3A_7, %cond3A_8 : i32
    scf.if %cond3A_9 {
      "tpu.region"() ({
        %run_scoped3A = tpu.sem_alloc : memref<!tpu.dma_semaphore, #tpu.memory_space<semaphore_mem>>
        tpu.enqueue_dma source(%arg13 : memref<16x256xf32, #tpu.memory_space<vmem_shared>>) target(%arg14 : memref<16x256xf32, #tpu.memory_space<vmem>>) target_semaphore(%run_scoped3A : memref<!tpu.dma_semaphore, #tpu.memory_space<semaphore_mem>>)
        tpu.wait_dma2 semaphore(%run_scoped3A : memref<!tpu.dma_semaphore, #tpu.memory_space<semaphore_mem>>) src(%arg13 : memref<16x256xf32, #tpu.memory_space<vmem_shared>>) dst(%arg14 : memref<16x256xf32, #tpu.memory_space<vmem>>)
        tpu.yield
      }) : () -> ()
      %get3A = arith.constant 0 : i32
      %get3A_18 = arith.index_cast %get3A : i32 to index
      %get3A_19 = arith.constant 0 : index
      %get3A_20 = tpu.vector_load %arg14[%get3A_18, %get3A_19] {strides = array<i32>} : memref<16x256xf32, #tpu.memory_space<vmem>>, vector<16xf32>,
      %get3A_21 = arith.constant 1 : i32
      %get3A_22 = arith.index_cast %get3A_21 : i32 to index
      %get3A_23 = arith.constant 0 : index
      %get3A_24 = tpu.vector_load %arg14[%get3A_22, %get3A_23] {strides = array<i32>} : memref<16x256xf32, #tpu.memory_space<vmem>>, vector<16xf32>,
      %add3A = arith.addf %get3A_20, %get3A_24 : vector<16xf32>
      %get3A_25 = arith.constant 2 : i32
      %get3A_26 = arith.index_cast %get3A_25 : i32 to index
      %get3A_27 = arith.constant 0 : index
      %get3A_28 = tpu.vector_load %arg14[%get3A_26, %get3A_27] {strides = array<i32>} : memref<16x256xf32, #tpu.memory_space<vmem>>, vector<16xf32>,
      %add3A_29 = arith.addf %add3A, %get3A_28 : vector<16xf32>
      %get3A_30 = arith.constant 3 : i32
      %get3A_31 = arith.index_cast %get3A_30 : i32 to index
      %get3A_32 = arith.constant 0 : index
      %get3A_33 = tpu.vector_load %arg14[%get3A_31, %get3A_32] {strides = array<i32>} : memref<16x256xf32, #tpu.memory_space<vmem>>, vector<16xf32>,
      %add3A_34 = arith.addf %add3A_29, %get3A_33 : vector<16xf32>
      %get3A_35 = arith.constant 4 : i32
      %get3A_36 = arith.index_cast %get3A_35 : i32 to index
      %get3A_37 = arith.constant 0 : index
      %get3A_38 = tpu.vector_load %arg14[%get3A_36, %get3A_37] {strides = array<i32>} : memref<16x256xf32, #tpu.memory_space<vmem>>, vector<16xf32>,
      %add3A_39 = arith.addf %add3A_34, %get3A_38 : vector<16xf32>
      %get3A_40 = arith.constant 5 : i32
      %get3A_41 = arith.index_cast %get3A_40 : i32 to index
      %get3A_42 = arith.constant 0 : index
      %get3A_43 = tpu.vector_load %arg14[%get3A_41, %get3A_42] {strides = array<i32>} : memref<16x256xf32, #tpu.memory_space<vmem>>, vector<16xf32>,
      %add3A_44 = arith.addf %add3A_39, %get3A_43 : vector<16xf32>
      %get3A_45 = arith.constant 6 : i32
      %get3A_46 = arith.index_cast %get3A_45 : i32 to index
      %get3A_47 = arith.constant 0 : index
      %get3A_48 = tpu.vector_load %arg14[%get3A_46, %get3A_47] {strides = array<i32>} : memref<16x256xf32, #tpu.memory_space<vmem>>, vector<16xf32>,
      %add3A_49 = arith.addf %add3A_44, %get3A_48 : vector<16xf32>
      %get3A_50 = arith.constant 7 : i32
      %get3A_51 = arith.index_cast %get3A_50 : i32 to index
      %get3A_52 = arith.constant 0 : index
      %get3A_53 = tpu.vector_load %arg14[%get3A_51, %get3A_52] {strides = array<i32>} : memref<16x256xf32, #tpu.memory_space<vmem>>, vector<16xf32>,
      %add3A_54 = arith.addf %add3A_49, %get3A_53 : vector<16xf32>
      %get3A_55 = arith.constant 8 : i32
      %get3A_56 = arith.index_cast %get3A_55 : i32 to index
      %get3A_57 = arith.constant 0 : index
      %get3A_58 = tpu.vector_load %arg14[%get3A_56, %get3A_57] {strides = array<i32>} : memref<16x256xf32, #tpu.memory_space<vmem>>, vector<16xf32>,
      %add3A_59 = arith.addf %add3A_54, %get3A_58 : vector<16xf32>
      %get3A_60 = arith.constant 9 : i32
      %get3A_61 = arith.index_cast %get3A_60 : i32 to index
      %get3A_62 = arith.constant 0 : index
      %get3A_63 = tpu.vector_load %arg14[%get3A_61, %get3A_62] {strides = array<i32>} : memref<16x256xf32, #tpu.memory_space<vmem>>, vector<16xf32>,
      %add3A_64 = arith.addf %add3A_59, %get3A_63 : vector<16xf32>
      %get3A_65 = arith.constant 10 : i32
      %get3A_66 = arith.index_cast %get3A_65 : i32 to index
      %get3A_67 = arith.constant 0 : index
      %get3A_68 = tpu.vector_load %arg14[%get3A_66, %get3A_67] {strides = array<i32>} : memref<16x256xf32, #tpu.memory_space<vmem>>, vector<16xf32>,
      %add3A_69 = arith.addf %add3A_64, %get3A_68 : vector<16xf32>
      %get3A_70 = arith.constant 11 : i32
      %get3A_71 = arith.index_cast %get3A_70 : i32 to index
      %get3A_72 = arith.constant 0 : index
      %get3A_73 = tpu.vector_load %arg14[%get3A_71, %get3A_72] {strides = array<i32>} : memref<16x256xf32, #tpu.memory_space<vmem>>, vector<16xf32>,
      %add3A_74 = arith.addf %add3A_69, %get3A_73 : vector<16xf32>
      %get3A_75 = arith.constant 12 : i32
      %get3A_76 = arith.index_cast %get3A_75 : i32 to index
      %get3A_77 = arith.constant 0 : index
      %get3A_78 = tpu.vector_load %arg14[%get3A_76, %get3A_77] {strides = array<i32>} : memref<16x256xf32, #tpu.memory_space<vmem>>, vector<16xf32>,
      %add3A_79 = arith.addf %add3A_74, %get3A_78 : vector<16xf32>
      %get3A_80 = arith.constant 13 : i32
      %get3A_81 = arith.index_cast %get3A_80 : i32 to index
      %get3A_82 = arith.constant 0 : index
      %get3A_83 = tpu.vector_load %arg14[%get3A_81, %get3A_82] {strides = array<i32>} : memref<16x256xf32, #tpu.memory_space<vmem>>, vector<16xf32>,
      %add3A_84 = arith.addf %add3A_79, %get3A_83 : vector<16xf32>
      %get3A_85 = arith.constant 14 : i32
      %get3A_86 = arith.index_cast %get3A_85 : i32 to index
      %get3A_87 = arith.constant 0 : index
      %get3A_88 = tpu.vector_load %arg14[%get3A_86, %get3A_87] {strides = array<i32>} : memref<16x256xf32, #tpu.memory_space<vmem>>, vector<16xf32>,
      %add3A_89 = arith.addf %add3A_84, %get3A_88 : vector<16xf32>
      %get3A_90 = arith.constant 15 : i32
      %get3A_91 = arith.index_cast %get3A_90 : i32 to index
      %get3A_92 = arith.constant 0 : index
      %get3A_93 = tpu.vector_load %arg14[%get3A_91, %get3A_92] {strides = array<i32>} : memref<16x256xf32, #tpu.memory_space<vmem>>, vector<16xf32>,
      %add3A_94 = arith.addf %add3A_89, %get3A_93 : vector<16xf32>
      %gt3A = arith.constant 0.000000e+00 : f32
      %gt3A_95 = vector.broadcast %gt3A : f32 to vector<16xf32>
      %gt3A_96 = arith.cmpf ogt, %add3A_94, %gt3A_95 : vector<16xf32>
      %add3A_97 = arith.constant 0 : i32
      %add3A_98 = vector.broadcast %add3A_97 : i32 to vector<16xi32>
      %add3A_99 = arith.addi %iota3A, %add3A_98 : vector<16xi32>
      %jit3A = arith.constant 1.000000e+00 : f32
      %jit3A_100 = arith.constant 0.000000e+00 : f32
      %broadcast_in_dim3A_101 = vector.broadcast %jit3A : f32 to vector<16xf32>
      %broadcast_in_dim3A_102 = vector.broadcast %jit3A_100 : f32 to vector<16xf32>
      %select_n3A = arith.select %gt3A_96, %broadcast_in_dim3A_101, %broadcast_in_dim3A_102 : vector<16xi1>, vector<16xf32>
      %broadcast_in_dim3A_103 = arith.constant true
      %broadcast_in_dim3A_104 = vector.broadcast %broadcast_in_dim3A_103 : i1 to vector<16xi1>
      %masked_cumsum3A = tpu.scan <sum>, %select_n3A masked %broadcast_in_dim3A_104 : vector<16xf32>, vector<16xi1> -> vector<16xf32>
      %add3A_105 = arith.constant 0.000000e+00 : f32
      %add3A_106 = vector.broadcast %add3A_105 : f32 to vector<16xf32>
      %add3A_107 = arith.addf %masked_cumsum3A, %add3A_106 : vector<16xf32>
      %reduce_max3A = arith.constant true
      %reduce_max3A_108 = vector.broadcast %reduce_max3A : i1 to vector<16xi1>
      %reduce_max3A_109 = tpu.scan <max>, %add3A_107 masked %reduce_max3A_108 : vector<16xf32>, vector<16xi1> -> vector<16xf32>
      %reduce_max3A_110 = vector.extract %reduce_max3A_109[15] : f32 from vector<16xf32>
      %sub3A = arith.constant 1.000000e+00 : f32
      %sub3A_111 = vector.broadcast %sub3A : f32 to vector<16xf32>
      %sub3A_112 = arith.subf %add3A_107, %sub3A_111 : vector<16xf32>
      %convert_element_type3A_113 = arith.fptosi %sub3A_112 : vector<16xf32> to vector<16xi32>
      %jit3A_114 = arith.constant -1 : i32
      %broadcast_in_dim3A_115 = vector.broadcast %jit3A_114 : i32 to vector<16xi32>
      %select_n3A_116 = arith.select %gt3A_96, %add3A_99, %broadcast_in_dim3A_115 : vector<16xi1>, vector<16xi32>
      %reduce_max3A_117 = arith.constant true
      %reduce_max3A_118 = vector.broadcast %reduce_max3A_117 : i1 to vector<16xi1>
      %reduce_max3A_119 = arith.constant -2147483648 : i32
      %reduce_max3A_120 = vector.broadcast %reduce_max3A_119 : i32 to vector<16xi32>
      %reduce_max3A_121 = arith.xori %select_n3A_116, %reduce_max3A_120 : vector<16xi32>
      %reduce_max3A_122 = tpu.scan <max>, %reduce_max3A_121 masked %reduce_max3A_118 : vector<16xi32>, vector<16xi1> -> vector<16xi32>
      %reduce_max3A_123 = arith.xori %reduce_max3A_122, %reduce_max3A_120 : vector<16xi32>
      %reduce_max3A_124 = vector.extract %reduce_max3A_123[15] : i32 from vector<16xi32>
      %max3A = arith.constant 0 : i32
      %max3A_125 = arith.maxsi %max3A, %reduce_max3A_124 : i32
      %get3A_126 = arith.constant 0 : i32
      %get3A_127 = arith.index_cast %get3A_126 : i32 to index
      %get3A_128 = arith.constant 16 : index
      %get3A_129 = tpu.vector_load %arg14[%get3A_127, %get3A_128] {strides = array<i32>} : memref<16x256xf32, #tpu.memory_space<vmem>>, vector<16xf32>,
      %get3A_130 = arith.constant 1 : i32
      %get3A_131 = arith.index_cast %get3A_130 : i32 to index
      %get3A_132 = arith.constant 16 : index
      %get3A_133 = tpu.vector_load %arg14[%get3A_131, %get3A_132] {strides = array<i32>} : memref<16x256xf32, #tpu.memory_space<vmem>>, vector<16xf32>,
      %add3A_134 = arith.addf %get3A_129, %get3A_133 : vector<16xf32>
      %get3A_135 = arith.constant 2 : i32
      %get3A_136 = arith.index_cast %get3A_135 : i32 to index
      %get3A_137 = arith.constant 16 : index
      %get3A_138 = tpu.vector_load %arg14[%get3A_136, %get3A_137] {strides = array<i32>} : memref<16x256xf32, #tpu.memory_space<vmem>>, vector<16xf32>,
      %add3A_139 = arith.addf %add3A_134, %get3A_138 : vector<16xf32>
      %get3A_140 = arith.constant 3 : i32
      %get3A_141 = arith.index_cast %get3A_140 : i32 to index
      %get3A_142 = arith.constant 16 : index
      %get3A_143 = tpu.vector_load %arg14[%get3A_141, %get3A_142] {strides = array<i32>} : memref<16x256xf32, #tpu.memory_space<vmem>>, vector<16xf32>,
      %add3A_144 = arith.addf %add3A_139, %get3A_143 : vector<16xf32>
      %get3A_145 = arith.constant 4 : i32
      %get3A_146 = arith.index_cast %get3A_145 : i32 to index
      %get3A_147 = arith.constant 16 : index
      %get3A_148 = tpu.vector_load %arg14[%get3A_146, %get3A_147] {strides = array<i32>} : memref<16x256xf32, #tpu.memory_space<vmem>>, vector<16xf32>,
      %add3A_149 = arith.addf %add3A_144, %get3A_148 : vector<16xf32>
      %get3A_150 = arith.constant 5 : i32
      %get3A_151 = arith.index_cast %get3A_150 : i32 to index
      %get3A_152 = arith.constant 16 : index
      %get3A_153 = tpu.vector_load %arg14[%get3A_151, %get3A_152] {strides = array<i32>} : memref<16x256xf32, #tpu.memory_space<vmem>>, vector<16xf32>,
      %add3A_154 = arith.addf %add3A_149, %get3A_153 : vector<16xf32>
      %get3A_155 = arith.constant 6 : i32
      %get3A_156 = arith.index_cast %get3A_155 : i32 to index
      %get3A_157 = arith.constant 16 : index
      %get3A_158 = tpu.vector_load %arg14[%get3A_156, %get3A_157] {strides = array<i32>} : memref<16x256xf32, #tpu.memory_space<vmem>>, vector<16xf32>,
      %add3A_159 = arith.addf %add3A_154, %get3A_158 : vector<16xf32>
      %get3A_160 = arith.constant 7 : i32
      %get3A_161 = arith.index_cast %get3A_160 : i32 to index
      %get3A_162 = arith.constant 16 : index
      %get3A_163 = tpu.vector_load %arg14[%get3A_161, %get3A_162] {strides = array<i32>} : memref<16x256xf32, #tpu.memory_space<vmem>>, vector<16xf32>,
      %add3A_164 = arith.addf %add3A_159, %get3A_163 : vector<16xf32>
      %get3A_165 = arith.constant 8 : i32
      %get3A_166 = arith.index_cast %get3A_165 : i32 to index
      %get3A_167 = arith.constant 16 : index
      %get3A_168 = tpu.vector_load %arg14[%get3A_166, %get3A_167] {strides = array<i32>} : memref<16x256xf32, #tpu.memory_space<vmem>>, vector<16xf32>,
      %add3A_169 = arith.addf %add3A_164, %get3A_168 : vector<16xf32>
      %get3A_170 = arith.constant 9 : i32
      %get3A_171 = arith.index_cast %get3A_170 : i32 to index
      %get3A_172 = arith.constant 16 : index
      %get3A_173 = tpu.vector_load %arg14[%get3A_171, %get3A_172] {strides = array<i32>} : memref<16x256xf32, #tpu.memory_space<vmem>>, vector<16xf32>,
      %add3A_174 = arith.addf %add3A_169, %get3A_173 : vector<16xf32>
      %get3A_175 = arith.constant 10 : i32
      %get3A_176 = arith.index_cast %get3A_175 : i32 to index
      %get3A_177 = arith.constant 16 : index
      %get3A_178 = tpu.vector_load %arg14[%get3A_176, %get3A_177] {strides = array<i32>} : memref<16x256xf32, #tpu.memory_space<vmem>>, vector<16xf32>,
      %add3A_179 = arith.addf %add3A_174, %get3A_178 : vector<16xf32>
      %get3A_180 = arith.constant 11 : i32
      %get3A_181 = arith.index_cast %get3A_180 : i32 to index
      %get3A_182 = arith.constant 16 : index
      %get3A_183 = tpu.vector_load %arg14[%get3A_181, %get3A_182] {strides = array<i32>} : memref<16x256xf32, #tpu.memory_space<vmem>>, vector<16xf32>,
      %add3A_184 = arith.addf %add3A_179, %get3A_183 : vector<16xf32>
      %get3A_185 = arith.constant 12 : i32
      %get3A_186 = arith.index_cast %get3A_185 : i32 to index
      %get3A_187 = arith.constant 16 : index
      %get3A_188 = tpu.vector_load %arg14[%get3A_186, %get3A_187] {strides = array<i32>} : memref<16x256xf32, #tpu.memory_space<vmem>>, vector<16xf32>,
      %add3A_189 = arith.addf %add3A_184, %get3A_188 : vector<16xf32>
      %get3A_190 = arith.constant 13 : i32
      %get3A_191 = arith.index_cast %get3A_190 : i32 to index
      %get3A_192 = arith.constant 16 : index
      %get3A_193 = tpu.vector_load %arg14[%get3A_191, %get3A_192] {strides = array<i32>} : memref<16x256xf32, #tpu.memory_space<vmem>>, vector<16xf32>,
      %add3A_194 = arith.addf %add3A_189, %get3A_193 : vector<16xf32>
      %get3A_195 = arith.constant 14 : i32
      %get3A_196 = arith.index_cast %get3A_195 : i32 to index
      %get3A_197 = arith.constant 16 : index
      %get3A_198 = tpu.vector_load %arg14[%get3A_196, %get3A_197] {strides = array<i32>} : memref<16x256xf32, #tpu.memory_space<vmem>>, vector<16xf32>,
      %add3A_199 = arith.addf %add3A_194, %get3A_198 : vector<16xf32>
      %get3A_200 = arith.constant 15 : i32
      %get3A_201 = arith.index_cast %get3A_200 : i32 to index
      %get3A_202 = arith.constant 16 : index
      %get3A_203 = tpu.vector_load %arg14[%get3A_201, %get3A_202] {strides = array<i32>} : memref<16x256xf32, #tpu.memory_space<vmem>>, vector<16xf32>,
      %add3A_204 = arith.addf %add3A_199, %get3A_203 : vector<16xf32>
      %gt3A_205 = arith.constant 0.000000e+00 : f32
      %gt3A_206 = vector.broadcast %gt3A_205 : f32 to vector<16xf32>
      %gt3A_207 = arith.cmpf ogt, %add3A_204, %gt3A_206 : vector<16xf32>
      %add3A_208 = arith.constant 16 : i32
      %add3A_209 = vector.broadcast %add3A_208 : i32 to vector<16xi32>
      %add3A_210 = arith.addi %iota3A, %add3A_209 : vector<16xi32>
      %jit3A_211 = arith.constant 1.000000e+00 : f32
      %jit3A_212 = arith.constant 0.000000e+00 : f32
      %broadcast_in_dim3A_213 = vector.broadcast %jit3A_211 : f32 to vector<16xf32>
      %broadcast_in_dim3A_214 = vector.broadcast %jit3A_212 : f32 to vector<16xf32>
      %select_n3A_215 = arith.select %gt3A_207, %broadcast_in_dim3A_213, %broadcast_in_dim3A_214 : vector<16xi1>, vector<16xf32>
      %broadcast_in_dim3A_216 = arith.constant true
      %broadcast_in_dim3A_217 = vector.broadcast %broadcast_in_dim3A_216 : i1 to vector<16xi1>
      %masked_cumsum3A_218 = tpu.scan <sum>, %select_n3A_215 masked %broadcast_in_dim3A_217 : vector<16xf32>, vector<16xi1> -> vector<16xf32>
      %add3A_219 = vector.broadcast %reduce_max3A_110 : f32 to vector<16xf32>
      %add3A_220 = arith.addf %masked_cumsum3A_218, %add3A_219 : vector<16xf32>
      %reduce_max3A_221 = arith.constant true
      %reduce_max3A_222 = vector.broadcast %reduce_max3A_221 : i1 to vector<16xi1>
      %reduce_max3A_223 = tpu.scan <max>, %add3A_220 masked %reduce_max3A_222 : vector<16xf32>, vector<16xi1> -> vector<16xf32>
      %reduce_max3A_224 = vector.extract %reduce_max3A_223[15] : f32 from vector<16xf32>
      %sub3A_225 = arith.constant 1.000000e+00 : f32
      %sub3A_226 = vector.broadcast %sub3A_225 : f32 to vector<16xf32>
      %sub3A_227 = arith.subf %add3A_220, %sub3A_226 : vector<16xf32>
      %convert_element_type3A_228 = arith.fptosi %sub3A_227 : vector<16xf32> to vector<16xi32>
      %jit3A_229 = arith.constant -1 : i32
      %broadcast_in_dim3A_230 = vector.broadcast %jit3A_229 : i32 to vector<16xi32>
      %select_n3A_231 = arith.select %gt3A_207, %add3A_210, %broadcast_in_dim3A_230 : vector<16xi1>, vector<16xi32>
      %reduce_max3A_232 = arith.constant true
      %reduce_max3A_233 = vector.broadcast %reduce_max3A_232 : i1 to vector<16xi1>
      %reduce_max3A_234 = arith.constant -2147483648 : i32
      %reduce_max3A_235 = vector.broadcast %reduce_max3A_234 : i32 to vector<16xi32>
      %reduce_max3A_236 = arith.xori %select_n3A_231, %reduce_max3A_235 : vector<16xi32>
      %reduce_max3A_237 = tpu.scan <max>, %reduce_max3A_236 masked %reduce_max3A_233 : vector<16xi32>, vector<16xi1> -> vector<16xi32>
      %reduce_max3A_238 = arith.xori %reduce_max3A_237, %reduce_max3A_235 : vector<16xi32>
      %reduce_max3A_239 = vector.extract %reduce_max3A_238[15] : i32 from vector<16xi32>
      %max3A_240 = arith.maxsi %max3A_125, %reduce_max3A_239 : i32
      %get3A_241 = arith.constant 0 : i32
      %get3A_242 = arith.index_cast %get3A_241 : i32 to index
      %get3A_243 = arith.constant 32 : index
      %get3A_244 = tpu.vector_load %arg14[%get3A_242, %get3A_243] {strides = array<i32>} : memref<16x256xf32, #tpu.memory_space<vmem>>, vector<16xf32>,
      %get3A_245 = arith.constant 1 : i32
      %get3A_246 = arith.index_cast %get3A_245 : i32 to index
      %get3A_247 = arith.constant 32 : index
      %get3A_248 = tpu.vector_load %arg14[%get3A_246, %get3A_247] {strides = array<i32>} : memref<16x256xf32, #tpu.memory_space<vmem>>, vector<16xf32>,
      %add3A_249 = arith.addf %get3A_244, %get3A_248 : vector<16xf32>
      %get3A_250 = arith.constant 2 : i32
      %get3A_251 = arith.index_cast %get3A_250 : i32 to index
      %get3A_252 = arith.constant 32 : index
      %get3A_253 = tpu.vector_load %arg14[%get3A_251, %get3A_252] {strides = array<i32>} : memref<16x256xf32, #tpu.memory_space<vmem>>, vector<16xf32>,
      %add3A_254 = arith.addf %add3A_249, %get3A_253 : vector<16xf32>
      %get3A_255 = arith.constant 3 : i32
      %get3A_256 = arith.index_cast %get3A_255 : i32 to index
      %get3A_257 = arith.constant 32 : index
      %get3A_258 = tpu.vector_load %arg14[%get3A_256, %get3A_257] {strides = array<i32>} : memref<16x256xf32, #tpu.memory_space<vmem>>, vector<16xf32>,
      %add3A_259 = arith.addf %add3A_254, %get3A_258 : vector<16xf32>
      %get3A_260 = arith.constant 4 : i32
      %get3A_261 = arith.index_cast %get3A_260 : i32 to index
      %get3A_262 = arith.constant 32 : index
      %get3A_263 = tpu.vector_load %arg14[%get3A_261, %get3A_262] {strides = array<i32>} : memref<16x256xf32, #tpu.memory_space<vmem>>, vector<16xf32>,
      %add3A_264 = arith.addf %add3A_259, %get3A_263 : vector<16xf32>
      %get3A_265 = arith.constant 5 : i32
      %get3A_266 = arith.index_cast %get3A_265 : i32 to index
      %get3A_267 = arith.constant 32 : index
      %get3A_268 = tpu.vector_load %arg14[%get3A_266, %get3A_267] {strides = array<i32>} : memref<16x256xf32, #tpu.memory_space<vmem>>, vector<16xf32>,
      %add3A_269 = arith.addf %add3A_264, %get3A_268 : vector<16xf32>
      %get3A_270 = arith.constant 6 : i32
      %get3A_271 = arith.index_cast %get3A_270 : i32 to index
      %get3A_272 = arith.constant 32 : index
      %get3A_273 = tpu.vector_load %arg14[%get3A_271, %get3A_272] {strides = array<i32>} : memref<16x256xf32, #tpu.memory_space<vmem>>, vector<16xf32>,
      %add3A_274 = arith.addf %add3A_269, %get3A_273 : vector<16xf32>
      %get3A_275 = arith.constant 7 : i32
      %get3A_276 = arith.index_cast %get3A_275 : i32 to index
      %get3A_277 = arith.constant 32 : index
      %get3A_278 = tpu.vector_load %arg14[%get3A_276, %get3A_277] {strides = array<i32>} : memref<16x256xf32, #tpu.memory_space<vmem>>, vector<16xf32>,
      %add3A_279 = arith.addf %add3A_274, %get3A_278 : vector<16xf32>
      %get3A_280 = arith.constant 8 : i32
      %get3A_281 = arith.index_cast %get3A_280 : i32 to index
      %get3A_282 = arith.constant 32 : index
      %get3A_283 = tpu.vector_load %arg14[%get3A_281, %get3A_282] {strides = array<i32>} : memref<16x256xf32, #tpu.memory_space<vmem>>, vector<16xf32>,
      %add3A_284 = arith.addf %add3A_279, %get3A_283 : vector<16xf32>
      %get3A_285 = arith.constant 9 : i32
      %get3A_286 = arith.index_cast %get3A_285 : i32 to index
      %get3A_287 = arith.constant 32 : index
      %get3A_288 = tpu.vector_load %arg14[%get3A_286, %get3A_287] {strides = array<i32>} : memref<16x256xf32, #tpu.memory_space<vmem>>, vector<16xf32>,
      %add3A_289 = arith.addf %add3A_284, %get3A_288 : vector<16xf32>
      %get3A_290 = arith.constant 10 : i32
      %get3A_291 = arith.index_cast %get3A_290 : i32 to index
      %get3A_292 = arith.constant 32 : index
      %get3A_293 = tpu.vector_load %arg14[%get3A_291, %get3A_292] {strides = array<i32>} : memref<16x256xf32, #tpu.memory_space<vmem>>, vector<16xf32>,
      %add3A_294 = arith.addf %add3A_289, %get3A_293 : vector<16xf32>
      %get3A_295 = arith.constant 11 : i32
      %get3A_296 = arith.index_cast %get3A_295 : i32 to index
      %get3A_297 = arith.constant 32 : index
      %get3A_298 = tpu.vector_load %arg14[%get3A_296, %get3A_297] {strides = array<i32>} : memref<16x256xf32, #tpu.memory_space<vmem>>, vector<16xf32>,
      %add3A_299 = arith.addf %add3A_294, %get3A_298 : vector<16xf32>
      %get3A_300 = arith.constant 12 : i32
      %get3A_301 = arith.index_cast %get3A_300 : i32 to index
      %get3A_302 = arith.constant 32 : index
      %get3A_303 = tpu.vector_load %arg14[%get3A_301, %get3A_302] {strides = array<i32>} : memref<16x256xf32, #tpu.memory_space<vmem>>, vector<16xf32>,
      %add3A_304 = arith.addf %add3A_299, %get3A_303 : vector<16xf32>
      %get3A_305 = arith.constant 13 : i32
      %get3A_306 = arith.index_cast %get3A_305 : i32 to index
      %get3A_307 = arith.constant 32 : index
      %get3A_308 = tpu.vector_load %arg14[%get3A_306, %get3A_307] {strides = array<i32>} : memref<16x256xf32, #tpu.memory_space<vmem>>, vector<16xf32>,
      %add3A_309 = arith.addf %add3A_304, %get3A_308 : vector<16xf32>
      %get3A_310 = arith.constant 14 : i32
      %get3A_311 = arith.index_cast %get3A_310 : i32 to index
      %get3A_312 = arith.constant 32 : index
      %get3A_313 = tpu.vector_load %arg14[%get3A_311, %get3A_312] {strides = array<i32>} : memref<16x256xf32, #tpu.memory_space<vmem>>, vector<16xf32>,
      %add3A_314 = arith.addf %add3A_309, %get3A_313 : vector<16xf32>
      %get3A_315 = arith.constant 15 : i32
      %get3A_316 = arith.index_cast %get3A_315 : i32 to index
      %get3A_317 = arith.constant 32 : index
      %get3A_318 = tpu.vector_load %arg14[%get3A_316, %get3A_317] {strides = array<i32>} : memref<16x256xf32, #tpu.memory_space<vmem>>, vector<16xf32>,
      %add3A_319 = arith.addf %add3A_314, %get3A_318 : vector<16xf32>
      %gt3A_320 = arith.constant 0.000000e+00 : f32
      %gt3A_321 = vector.broadcast %gt3A_320 : f32 to vector<16xf32>
      %gt3A_322 = arith.cmpf ogt, %add3A_319, %gt3A_321 : vector<16xf32>
      %add3A_323 = arith.constant 32 : i32
      %add3A_324 = vector.broadcast %add3A_323 : i32 to vector<16xi32>
      %add3A_325 = arith.addi %iota3A, %add3A_324 : vector<16xi32>
      %jit3A_326 = arith.constant 1.000000e+00 : f32
      %jit3A_327 = arith.constant 0.000000e+00 : f32
      %broadcast_in_dim3A_328 = vector.broadcast %jit3A_326 : f32 to vector<16xf32>
      %broadcast_in_dim3A_329 = vector.broadcast %jit3A_327 : f32 to vector<16xf32>
      %select_n3A_330 = arith.select %gt3A_322, %broadcast_in_dim3A_328, %broadcast_in_dim3A_329 : vector<16xi1>, vector<16xf32>
      %broadcast_in_dim3A_331 = arith.constant true
      %broadcast_in_dim3A_332 = vector.broadcast %broadcast_in_dim3A_331 : i1 to vector<16xi1>
      %masked_cumsum3A_333 = tpu.scan <sum>, %select_n3A_330 masked %broadcast_in_dim3A_332 : vector<16xf32>, vector<16xi1> -> vector<16xf32>
      %add3A_334 = vector.broadcast %reduce_max3A_224 : f32 to vector<16xf32>
      %add3A_335 = arith.addf %masked_cumsum3A_333, %add3A_334 : vector<16xf32>
      %reduce_max3A_336 = arith.constant true
      %reduce_max3A_337 = vector.broadcast %reduce_max3A_336 : i1 to vector<16xi1>
      %reduce_max3A_338 = tpu.scan <max>, %add3A_335 masked %reduce_max3A_337 : vector<16xf32>, vector<16xi1> -> vector<16xf32>
      %reduce_max3A_339 = vector.extract %reduce_max3A_338[15] : f32 from vector<16xf32>
      %sub3A_340 = arith.constant 1.000000e+00 : f32
      %sub3A_341 = vector.broadcast %sub3A_340 : f32 to vector<16xf32>
      %sub3A_342 = arith.subf %add3A_335, %sub3A_341 : vector<16xf32>
      %convert_element_type3A_343 = arith.fptosi %sub3A_342 : vector<16xf32> to vector<16xi32>
      %jit3A_344 = arith.constant -1 : i32
      %broadcast_in_dim3A_345 = vector.broadcast %jit3A_344 : i32 to vector<16xi32>
      %select_n3A_346 = arith.select %gt3A_322, %add3A_325, %broadcast_in_dim3A_345 : vector<16xi1>, vector<16xi32>
      %reduce_max3A_347 = arith.constant true
      %reduce_max3A_348 = vector.broadcast %reduce_max3A_347 : i1 to vector<16xi1>
      %reduce_max3A_349 = arith.constant -2147483648 : i32
      %reduce_max3A_350 = vector.broadcast %reduce_max3A_349 : i32 to vector<16xi32>
      %reduce_max3A_351 = arith.xori %select_n3A_346, %reduce_max3A_350 : vector<16xi32>
      %reduce_max3A_352 = tpu.scan <max>, %reduce_max3A_351 masked %reduce_max3A_348 : vector<16xi32>, vector<16xi1> -> vector<16xi32>
      %reduce_max3A_353 = arith.xori %reduce_max3A_352, %reduce_max3A_350 : vector<16xi32>
      %reduce_max3A_354 = vector.extract %reduce_max3A_353[15] : i32 from vector<16xi32>
      %max3A_355 = arith.maxsi %max3A_240, %reduce_max3A_354 : i32
      %get3A_356 = arith.constant 0 : i32
      %get3A_357 = arith.index_cast %get3A_356 : i32 to index
      %get3A_358 = arith.constant 48 : index
      %get3A_359 = tpu.vector_load %arg14[%get3A_357, %get3A_358] {strides = array<i32>} : memref<16x256xf32, #tpu.memory_space<vmem>>, vector<16xf32>,
      %get3A_360 = arith.constant 1 : i32
      %get3A_361 = arith.index_cast %get3A_360 : i32 to index
      %get3A_362 = arith.constant 48 : index
      %get3A_363 = tpu.vector_load %arg14[%get3A_361, %get3A_362] {strides = array<i32>} : memref<16x256xf32, #tpu.memory_space<vmem>>, vector<16xf32>,
      %add3A_364 = arith.addf %get3A_359, %get3A_363 : vector<16xf32>
      %get3A_365 = arith.constant 2 : i32
      %get3A_366 = arith.index_cast %get3A_365 : i32 to index
      %get3A_367 = arith.constant 48 : index
      %get3A_368 = tpu.vector_load %arg14[%get3A_366, %get3A_367] {strides = array<i32>} : memref<16x256xf32, #tpu.memory_space<vmem>>, vector<16xf32>,
      %add3A_369 = arith.addf %add3A_364, %get3A_368 : vector<16xf32>
      %get3A_370 = arith.constant 3 : i32
      %get3A_371 = arith.index_cast %get3A_370 : i32 to index
      %get3A_372 = arith.constant 48 : index
      %get3A_373 = tpu.vector_load %arg14[%get3A_371, %get3A_372] {strides = array<i32>} : memref<16x256xf32, #tpu.memory_space<vmem>>, vector<16xf32>,
      %add3A_374 = arith.addf %add3A_369, %get3A_373 : vector<16xf32>
      %get3A_375 = arith.constant 4 : i32
      %get3A_376 = arith.index_cast %get3A_375 : i32 to index
      %get3A_377 = arith.constant 48 : index
      %get3A_378 = tpu.vector_load %arg14[%get3A_376, %get3A_377] {strides = array<i32>} : memref<16x256xf32, #tpu.memory_space<vmem>>, vector<16xf32>,
      %add3A_379 = arith.addf %add3A_374, %get3A_378 : vector<16xf32>
      %get3A_380 = arith.constant 5 : i32
      %get3A_381 = arith.index_cast %get3A_380 : i32 to index
      %get3A_382 = arith.constant 48 : index
      %get3A_383 = tpu.vector_load %arg14[%get3A_381, %get3A_382] {strides = array<i32>} : memref<16x256xf32, #tpu.memory_space<vmem>>, vector<16xf32>,
      %add3A_384 = arith.addf %add3A_379, %get3A_383 : vector<16xf32>
      %get3A_385 = arith.constant 6 : i32
      %get3A_386 = arith.index_cast %get3A_385 : i32 to index
      %get3A_387 = arith.constant 48 : index
      %get3A_388 = tpu.vector_load %arg14[%get3A_386, %get3A_387] {strides = array<i32>} : memref<16x256xf32, #tpu.memory_space<vmem>>, vector<16xf32>,
      %add3A_389 = arith.addf %add3A_384, %get3A_388 : vector<16xf32>
      %get3A_390 = arith.constant 7 : i32
      %get3A_391 = arith.index_cast %get3A_390 : i32 to index
      %get3A_392 = arith.constant 48 : index
      %get3A_393 = tpu.vector_load %arg14[%get3A_391, %get3A_392] {strides = array<i32>} : memref<16x256xf32, #tpu.memory_space<vmem>>, vector<16xf32>,
      %add3A_394 = arith.addf %add3A_389, %get3A_393 : vector<16xf32>
      %get3A_395 = arith.constant 8 : i32
      %get3A_396 = arith.index_cast %get3A_395 : i32 to index
      %get3A_397 = arith.constant 48 : index
      %get3A_398 = tpu.vector_load %arg14[%get3A_396, %get3A_397] {strides = array<i32>} : memref<16x256xf32, #tpu.memory_space<vmem>>, vector<16xf32>,
      %add3A_399 = arith.addf %add3A_394, %get3A_398 : vector<16xf32>
      %get3A_400 = arith.constant 9 : i32
      %get3A_401 = arith.index_cast %get3A_400 : i32 to index
      %get3A_402 = arith.constant 48 : index
      %get3A_403 = tpu.vector_load %arg14[%get3A_401, %get3A_402] {strides = array<i32>} : memref<16x256xf32, #tpu.memory_space<vmem>>, vector<16xf32>,
      %add3A_404 = arith.addf %add3A_399, %get3A_403 : vector<16xf32>
      %get3A_405 = arith.constant 10 : i32
      %get3A_406 = arith.index_cast %get3A_405 : i32 to index
      %get3A_407 = arith.constant 48 : index
      %get3A_408 = tpu.vector_load %arg14[%get3A_406, %get3A_407] {strides = array<i32>} : memref<16x256xf32, #tpu.memory_space<vmem>>, vector<16xf32>,
      %add3A_409 = arith.addf %add3A_404, %get3A_408 : vector<16xf32>
      %get3A_410 = arith.constant 11 : i32
      %get3A_411 = arith.index_cast %get3A_410 : i32 to index
      %get3A_412 = arith.constant 48 : index
      %get3A_413 = tpu.vector_load %arg14[%get3A_411, %get3A_412] {strides = array<i32>} : memref<16x256xf32, #tpu.memory_space<vmem>>, vector<16xf32>,
      %add3A_414 = arith.addf %add3A_409, %get3A_413 : vector<16xf32>
      %get3A_415 = arith.constant 12 : i32
      %get3A_416 = arith.index_cast %get3A_415 : i32 to index
      %get3A_417 = arith.constant 48 : index
      %get3A_418 = tpu.vector_load %arg14[%get3A_416, %get3A_417] {strides = array<i32>} : memref<16x256xf32, #tpu.memory_space<vmem>>, vector<16xf32>,
      %add3A_419 = arith.addf %add3A_414, %get3A_418 : vector<16xf32>
      %get3A_420 = arith.constant 13 : i32
      %get3A_421 = arith.index_cast %get3A_420 : i32 to index
      %get3A_422 = arith.constant 48 : index
      %get3A_423 = tpu.vector_load %arg14[%get3A_421, %get3A_422] {strides = array<i32>} : memref<16x256xf32, #tpu.memory_space<vmem>>, vector<16xf32>,
      %add3A_424 = arith.addf %add3A_419, %get3A_423 : vector<16xf32>
      %get3A_425 = arith.constant 14 : i32
      %get3A_426 = arith.index_cast %get3A_425 : i32 to index
      %get3A_427 = arith.constant 48 : index
      %get3A_428 = tpu.vector_load %arg14[%get3A_426, %get3A_427] {strides = array<i32>} : memref<16x256xf32, #tpu.memory_space<vmem>>, vector<16xf32>,
      %add3A_429 = arith.addf %add3A_424, %get3A_428 : vector<16xf32>
      %get3A_430 = arith.constant 15 : i32
      %get3A_431 = arith.index_cast %get3A_430 : i32 to index
      %get3A_432 = arith.constant 48 : index
      %get3A_433 = tpu.vector_load %arg14[%get3A_431, %get3A_432] {strides = array<i32>} : memref<16x256xf32, #tpu.memory_space<vmem>>, vector<16xf32>,
      %add3A_434 = arith.addf %add3A_429, %get3A_433 : vector<16xf32>
      %gt3A_435 = arith.constant 0.000000e+00 : f32
      %gt3A_436 = vector.broadcast %gt3A_435 : f32 to vector<16xf32>
      %gt3A_437 = arith.cmpf ogt, %add3A_434, %gt3A_436 : vector<16xf32>
      %add3A_438 = arith.constant 48 : i32
      %add3A_439 = vector.broadcast %add3A_438 : i32 to vector<16xi32>
      %add3A_440 = arith.addi %iota3A, %add3A_439 : vector<16xi32>
      %jit3A_441 = arith.constant 1.000000e+00 : f32
      %jit3A_442 = arith.constant 0.000000e+00 : f32
      %broadcast_in_dim3A_443 = vector.broadcast %jit3A_441 : f32 to vector<16xf32>
      %broadcast_in_dim3A_444 = vector.broadcast %jit3A_442 : f32 to vector<16xf32>
      %select_n3A_445 = arith.select %gt3A_437, %broadcast_in_dim3A_443, %broadcast_in_dim3A_444 : vector<16xi1>, vector<16xf32>
      %broadcast_in_dim3A_446 = arith.constant true
      %broadcast_in_dim3A_447 = vector.broadcast %broadcast_in_dim3A_446 : i1 to vector<16xi1>
      %masked_cumsum3A_448 = tpu.scan <sum>, %select_n3A_445 masked %broadcast_in_dim3A_447 : vector<16xf32>, vector<16xi1> -> vector<16xf32>
      %add3A_449 = vector.broadcast %reduce_max3A_339 : f32 to vector<16xf32>
      %add3A_450 = arith.addf %masked_cumsum3A_448, %add3A_449 : vector<16xf32>
      %reduce_max3A_451 = arith.constant true
      %reduce_max3A_452 = vector.broadcast %reduce_max3A_451 : i1 to vector<16xi1>
      %reduce_max3A_453 = tpu.scan <max>, %add3A_450 masked %reduce_max3A_452 : vector<16xf32>, vector<16xi1> -> vector<16xf32>
      %reduce_max3A_454 = vector.extract %reduce_max3A_453[15] : f32 from vector<16xf32>
      %sub3A_455 = arith.constant 1.000000e+00 : f32
      %sub3A_456 = vector.broadcast %sub3A_455 : f32 to vector<16xf32>
      %sub3A_457 = arith.subf %add3A_450, %sub3A_456 : vector<16xf32>
      %convert_element_type3A_458 = arith.fptosi %sub3A_457 : vector<16xf32> to vector<16xi32>
      %jit3A_459 = arith.constant -1 : i32
      %broadcast_in_dim3A_460 = vector.broadcast %jit3A_459 : i32 to vector<16xi32>
      %select_n3A_461 = arith.select %gt3A_437, %add3A_440, %broadcast_in_dim3A_460 : vector<16xi1>, vector<16xi32>
      %reduce_max3A_462 = arith.constant true
      %reduce_max3A_463 = vector.broadcast %reduce_max3A_462 : i1 to vector<16xi1>
      %reduce_max3A_464 = arith.constant -2147483648 : i32
      %reduce_max3A_465 = vector.broadcast %reduce_max3A_464 : i32 to vector<16xi32>
      %reduce_max3A_466 = arith.xori %select_n3A_461, %reduce_max3A_465 : vector<16xi32>
      %reduce_max3A_467 = tpu.scan <max>, %reduce_max3A_466 masked %reduce_max3A_463 : vector<16xi32>, vector<16xi1> -> vector<16xi32>
      %reduce_max3A_468 = arith.xori %reduce_max3A_467, %reduce_max3A_465 : vector<16xi32>
      %reduce_max3A_469 = vector.extract %reduce_max3A_468[15] : i32 from vector<16xi32>
      %max3A_470 = arith.maxsi %max3A_355, %reduce_max3A_469 : i32
      %max3A_471 = arith.constant 0 : i32
      %max3A_472 = arith.maxsi %max3A_470, %max3A_471 : i32
      %broadcast_in_dim3A_473 = arith.constant 0 : i32
      %broadcast_in_dim3A_474 = vector.broadcast %broadcast_in_dim3A_473 : i32 to vector<16xi32>
      %add3A_475 = vector.broadcast %max3A_472 : i32 to vector<16xi32>
      %add3A_476 = arith.addi %broadcast_in_dim3A_474, %add3A_475 : vector<16xi32>
      %swap3A = arith.constant 0 : index
      %swap3A_477 = tpu.vector_load %arg15[%swap3A] {strides = array<i32>} : memref<64xi32, #tpu.memory_space<vmem>>, vector<16xi32>,
      tpu.vector_store %arg15[%swap3A], %add3A_476 {strides = array<i32>} : memref<64xi32, #tpu.memory_space<vmem>>, vector<16xi32>,
      %broadcast_in_dim3A_478 = arith.constant 0 : i32
      %broadcast_in_dim3A_479 = vector.broadcast %broadcast_in_dim3A_478 : i32 to vector<16xi32>
      %add3A_480 = vector.broadcast %max3A_472 : i32 to vector<16xi32>
      %add3A_481 = arith.addi %broadcast_in_dim3A_479, %add3A_480 : vector<16xi32>
      %swap3A_482 = arith.constant 16 : index
      %swap3A_483 = tpu.vector_load %arg15[%swap3A_482] {strides = array<i32>} : memref<64xi32, #tpu.memory_space<vmem>>, vector<16xi32>,
      tpu.vector_store %arg15[%swap3A_482], %add3A_481 {strides = array<i32>} : memref<64xi32, #tpu.memory_space<vmem>>, vector<16xi32>,
      %broadcast_in_dim3A_484 = arith.constant 0 : i32
      %broadcast_in_dim3A_485 = vector.broadcast %broadcast_in_dim3A_484 : i32 to vector<16xi32>
      %add3A_486 = vector.broadcast %max3A_472 : i32 to vector<16xi32>
      %add3A_487 = arith.addi %broadcast_in_dim3A_485, %add3A_486 : vector<16xi32>
      %swap3A_488 = arith.constant 32 : index
      %swap3A_489 = tpu.vector_load %arg15[%swap3A_488] {strides = array<i32>} : memref<64xi32, #tpu.memory_space<vmem>>, vector<16xi32>,
      tpu.vector_store %arg15[%swap3A_488], %add3A_487 {strides = array<i32>} : memref<64xi32, #tpu.memory_space<vmem>>, vector<16xi32>,
      %broadcast_in_dim3A_490 = arith.constant 0 : i32
      %broadcast_in_dim3A_491 = vector.broadcast %broadcast_in_dim3A_490 : i32 to vector<16xi32>
      %add3A_492 = vector.broadcast %max3A_472 : i32 to vector<16xi32>
      %add3A_493 = arith.addi %broadcast_in_dim3A_491, %add3A_492 : vector<16xi32>
      %swap3A_494 = arith.constant 48 : index
      %swap3A_495 = tpu.vector_load %arg15[%swap3A_494] {strides = array<i32>} : memref<64xi32, #tpu.memory_space<vmem>>, vector<16xi32>,
      tpu.vector_store %arg15[%swap3A_494], %add3A_493 {strides = array<i32>} : memref<64xi32, #tpu.memory_space<vmem>>, vector<16xi32>,
      %add3A_496 = arith.constant 0 : i32
      %add3A_497 = vector.broadcast %add3A_496 : i32 to vector<16xi32>
      %add3A_498 = arith.addi %iota3A, %add3A_497 : vector<16xi32>
      tpu.vector_store_idx %arg15[%convert_element_type3A_113], %add3A_498 masked %gt3A_96 : memref<64xi32, #tpu.memory_space<vmem>>[vector<16xi32>], vector<16xi32>, vector<16xi1>
      %add3A_499 = arith.constant 16 : i32
      %add3A_500 = vector.broadcast %add3A_499 : i32 to vector<16xi32>
      %add3A_501 = arith.addi %iota3A, %add3A_500 : vector<16xi32>
      tpu.vector_store_idx %arg15[%convert_element_type3A_228], %add3A_501 masked %gt3A_207 : memref<64xi32, #tpu.memory_space<vmem>>[vector<16xi32>], vector<16xi32>, vector<16xi1>
      %add3A_502 = arith.constant 32 : i32
      %add3A_503 = vector.broadcast %add3A_502 : i32 to vector<16xi32>
      %add3A_504 = arith.addi %iota3A, %add3A_503 : vector<16xi32>
      tpu.vector_store_idx %arg15[%convert_element_type3A_343], %add3A_504 masked %gt3A_322 : memref<64xi32, #tpu.memory_space<vmem>>[vector<16xi32>], vector<16xi32>, vector<16xi1>
      %add3A_505 = arith.constant 48 : i32
      %add3A_506 = vector.broadcast %add3A_505 : i32 to vector<16xi32>
      %add3A_507 = arith.addi %iota3A, %add3A_506 : vector<16xi32>
      tpu.vector_store_idx %arg15[%convert_element_type3A_458], %add3A_507 masked %gt3A_437 : memref<64xi32, #tpu.memory_space<vmem>>[vector<16xi32>], vector<16xi32>, vector<16xi1>
      "tpu.region"() ({
        %run_scoped3A = tpu.sem_alloc : memref<!tpu.dma_semaphore, #tpu.memory_space<semaphore_mem>>
        tpu.enqueue_dma source(%arg15 : memref<64xi32, #tpu.memory_space<vmem>>) target(%arg5 : memref<64xi32, #tpu.memory_space<hbm>>) target_semaphore(%run_scoped3A : memref<!tpu.dma_semaphore, #tpu.memory_space<semaphore_mem>>)
        tpu.wait_dma2 semaphore(%run_scoped3A : memref<!tpu.dma_semaphore, #tpu.memory_space<semaphore_mem>>) src(%arg15 : memref<64xi32, #tpu.memory_space<vmem>>) dst(%arg5 : memref<64xi32, #tpu.memory_space<hbm>>)
        tpu.yield
      }) : () -> ()
    } else {
    }
    %eq3A_10 = arith.constant 0 : i32
    %eq3A_11 = arith.cmpi eq, %arg0, %eq3A_10 : i32
    %eq3A_12 = arith.constant 1 : i32
    %eq3A_13 = arith.cmpi eq, %arg1, %eq3A_12 : i32
    %and3A_14 = arith.andi %eq3A_11, %eq3A_13 : i1
    %convert_element_type3A_15 = arith.extui %and3A_14 : i1 to i32
    %cond3A_16 = arith.constant 0 : i32
    %cond3A_17 = arith.cmpi ne, %convert_element_type3A_15, %cond3A_16 : i32
    scf.if %cond3A_17 {
      "tpu.region"() ({
        %run_scoped3A = tpu.sem_alloc : memref<!tpu.dma_semaphore, #tpu.memory_space<semaphore_mem>>
        tpu.enqueue_dma source(%arg13 : memref<16x256xf32, #tpu.memory_space<vmem_shared>>) target(%arg14 : memref<16x256xf32, #tpu.memory_space<vmem>>) target_semaphore(%run_scoped3A : memref<!tpu.dma_semaphore, #tpu.memory_space<semaphore_mem>>)
        tpu.wait_dma2 semaphore(%run_scoped3A : memref<!tpu.dma_semaphore, #tpu.memory_space<semaphore_mem>>) src(%arg13 : memref<16x256xf32, #tpu.memory_space<vmem_shared>>) dst(%arg14 : memref<16x256xf32, #tpu.memory_space<vmem>>)
        tpu.yield
      }) : () -> ()
      %get3A = arith.constant 0 : i32
      %get3A_18 = arith.index_cast %get3A : i32 to index
      %get3A_19 = arith.constant 128 : index
      %get3A_20 = tpu.vector_load %arg14[%get3A_18, %get3A_19] {strides = array<i32>} : memref<16x256xf32, #tpu.memory_space<vmem>>, vector<16xf32>,
      %get3A_21 = arith.constant 1 : i32
      %get3A_22 = arith.index_cast %get3A_21 : i32 to index
      %get3A_23 = arith.constant 128 : index
      %get3A_24 = tpu.vector_load %arg14[%get3A_22, %get3A_23] {strides = array<i32>} : memref<16x256xf32, #tpu.memory_space<vmem>>, vector<16xf32>,
      %add3A = arith.addf %get3A_20, %get3A_24 : vector<16xf32>
      %get3A_25 = arith.constant 2 : i32
      %get3A_26 = arith.index_cast %get3A_25 : i32 to index
      %get3A_27 = arith.constant 128 : index
      %get3A_28 = tpu.vector_load %arg14[%get3A_26, %get3A_27] {strides = array<i32>} : memref<16x256xf32, #tpu.memory_space<vmem>>, vector<16xf32>,
      %add3A_29 = arith.addf %add3A, %get3A_28 : vector<16xf32>
      %get3A_30 = arith.constant 3 : i32
      %get3A_31 = arith.index_cast %get3A_30 : i32 to index
      %get3A_32 = arith.constant 128 : index
      %get3A_33 = tpu.vector_load %arg14[%get3A_31, %get3A_32] {strides = array<i32>} : memref<16x256xf32, #tpu.memory_space<vmem>>, vector<16xf32>,
      %add3A_34 = arith.addf %add3A_29, %get3A_33 : vector<16xf32>
      %get3A_35 = arith.constant 4 : i32
      %get3A_36 = arith.index_cast %get3A_35 : i32 to index
      %get3A_37 = arith.constant 128 : index
      %get3A_38 = tpu.vector_load %arg14[%get3A_36, %get3A_37] {strides = array<i32>} : memref<16x256xf32, #tpu.memory_space<vmem>>, vector<16xf32>,
      %add3A_39 = arith.addf %add3A_34, %get3A_38 : vector<16xf32>
      %get3A_40 = arith.constant 5 : i32
      %get3A_41 = arith.index_cast %get3A_40 : i32 to index
      %get3A_42 = arith.constant 128 : index
      %get3A_43 = tpu.vector_load %arg14[%get3A_41, %get3A_42] {strides = array<i32>} : memref<16x256xf32, #tpu.memory_space<vmem>>, vector<16xf32>,
      %add3A_44 = arith.addf %add3A_39, %get3A_43 : vector<16xf32>
      %get3A_45 = arith.constant 6 : i32
      %get3A_46 = arith.index_cast %get3A_45 : i32 to index
      %get3A_47 = arith.constant 128 : index
      %get3A_48 = tpu.vector_load %arg14[%get3A_46, %get3A_47] {strides = array<i32>} : memref<16x256xf32, #tpu.memory_space<vmem>>, vector<16xf32>,
      %add3A_49 = arith.addf %add3A_44, %get3A_48 : vector<16xf32>
      %get3A_50 = arith.constant 7 : i32
      %get3A_51 = arith.index_cast %get3A_50 : i32 to index
      %get3A_52 = arith.constant 128 : index
      %get3A_53 = tpu.vector_load %arg14[%get3A_51, %get3A_52] {strides = array<i32>} : memref<16x256xf32, #tpu.memory_space<vmem>>, vector<16xf32>,
      %add3A_54 = arith.addf %add3A_49, %get3A_53 : vector<16xf32>
      %get3A_55 = arith.constant 8 : i32
      %get3A_56 = arith.index_cast %get3A_55 : i32 to index
      %get3A_57 = arith.constant 128 : index
      %get3A_58 = tpu.vector_load %arg14[%get3A_56, %get3A_57] {strides = array<i32>} : memref<16x256xf32, #tpu.memory_space<vmem>>, vector<16xf32>,
      %add3A_59 = arith.addf %add3A_54, %get3A_58 : vector<16xf32>
      %get3A_60 = arith.constant 9 : i32
      %get3A_61 = arith.index_cast %get3A_60 : i32 to index
      %get3A_62 = arith.constant 128 : index
      %get3A_63 = tpu.vector_load %arg14[%get3A_61, %get3A_62] {strides = array<i32>} : memref<16x256xf32, #tpu.memory_space<vmem>>, vector<16xf32>,
      %add3A_64 = arith.addf %add3A_59, %get3A_63 : vector<16xf32>
      %get3A_65 = arith.constant 10 : i32
      %get3A_66 = arith.index_cast %get3A_65 : i32 to index
      %get3A_67 = arith.constant 128 : index
      %get3A_68 = tpu.vector_load %arg14[%get3A_66, %get3A_67] {strides = array<i32>} : memref<16x256xf32, #tpu.memory_space<vmem>>, vector<16xf32>,
      %add3A_69 = arith.addf %add3A_64, %get3A_68 : vector<16xf32>
      %get3A_70 = arith.constant 11 : i32
      %get3A_71 = arith.index_cast %get3A_70 : i32 to index
      %get3A_72 = arith.constant 128 : index
      %get3A_73 = tpu.vector_load %arg14[%get3A_71, %get3A_72] {strides = array<i32>} : memref<16x256xf32, #tpu.memory_space<vmem>>, vector<16xf32>,
      %add3A_74 = arith.addf %add3A_69, %get3A_73 : vector<16xf32>
      %get3A_75 = arith.constant 12 : i32
      %get3A_76 = arith.index_cast %get3A_75 : i32 to index
      %get3A_77 = arith.constant 128 : index
      %get3A_78 = tpu.vector_load %arg14[%get3A_76, %get3A_77] {strides = array<i32>} : memref<16x256xf32, #tpu.memory_space<vmem>>, vector<16xf32>,
      %add3A_79 = arith.addf %add3A_74, %get3A_78 : vector<16xf32>
      %get3A_80 = arith.constant 13 : i32
      %get3A_81 = arith.index_cast %get3A_80 : i32 to index
      %get3A_82 = arith.constant 128 : index
      %get3A_83 = tpu.vector_load %arg14[%get3A_81, %get3A_82] {strides = array<i32>} : memref<16x256xf32, #tpu.memory_space<vmem>>, vector<16xf32>,
      %add3A_84 = arith.addf %add3A_79, %get3A_83 : vector<16xf32>
      %get3A_85 = arith.constant 14 : i32
      %get3A_86 = arith.index_cast %get3A_85 : i32 to index
      %get3A_87 = arith.constant 128 : index
      %get3A_88 = tpu.vector_load %arg14[%get3A_86, %get3A_87] {strides = array<i32>} : memref<16x256xf32, #tpu.memory_space<vmem>>, vector<16xf32>,
      %add3A_89 = arith.addf %add3A_84, %get3A_88 : vector<16xf32>
      %get3A_90 = arith.constant 15 : i32
      %get3A_91 = arith.index_cast %get3A_90 : i32 to index
      %get3A_92 = arith.constant 128 : index
      %get3A_93 = tpu.vector_load %arg14[%get3A_91, %get3A_92] {strides = array<i32>} : memref<16x256xf32, #tpu.memory_space<vmem>>, vector<16xf32>,
      %add3A_94 = arith.addf %add3A_89, %get3A_93 : vector<16xf32>
      %gt3A = arith.constant 0.000000e+00 : f32
      %gt3A_95 = vector.broadcast %gt3A : f32 to vector<16xf32>
      %gt3A_96 = arith.cmpf ogt, %add3A_94, %gt3A_95 : vector<16xf32>
      %add3A_97 = arith.constant 0 : i32
      %add3A_98 = vector.broadcast %add3A_97 : i32 to vector<16xi32>
      %add3A_99 = arith.addi %iota3A, %add3A_98 : vector<16xi32>
      %jit3A = arith.constant 1.000000e+00 : f32
      %jit3A_100 = arith.constant 0.000000e+00 : f32
      %broadcast_in_dim3A_101 = vector.broadcast %jit3A : f32 to vector<16xf32>
      %broadcast_in_dim3A_102 = vector.broadcast %jit3A_100 : f32 to vector<16xf32>
      %select_n3A = arith.select %gt3A_96, %broadcast_in_dim3A_101, %broadcast_in_dim3A_102 : vector<16xi1>, vector<16xf32>
      %broadcast_in_dim3A_103 = arith.constant true
      %broadcast_in_dim3A_104 = vector.broadcast %broadcast_in_dim3A_103 : i1 to vector<16xi1>
      %masked_cumsum3A = tpu.scan <sum>, %select_n3A masked %broadcast_in_dim3A_104 : vector<16xf32>, vector<16xi1> -> vector<16xf32>
      %add3A_105 = arith.constant 0.000000e+00 : f32
      %add3A_106 = vector.broadcast %add3A_105 : f32 to vector<16xf32>
      %add3A_107 = arith.addf %masked_cumsum3A, %add3A_106 : vector<16xf32>
      %reduce_max3A = arith.constant true
      %reduce_max3A_108 = vector.broadcast %reduce_max3A : i1 to vector<16xi1>
      %reduce_max3A_109 = tpu.scan <max>, %add3A_107 masked %reduce_max3A_108 : vector<16xf32>, vector<16xi1> -> vector<16xf32>
      %reduce_max3A_110 = vector.extract %reduce_max3A_109[15] : f32 from vector<16xf32>
      %sub3A = arith.constant 1.000000e+00 : f32
      %sub3A_111 = vector.broadcast %sub3A : f32 to vector<16xf32>
      %sub3A_112 = arith.subf %add3A_107, %sub3A_111 : vector<16xf32>
      %convert_element_type3A_113 = arith.fptosi %sub3A_112 : vector<16xf32> to vector<16xi32>
      %jit3A_114 = arith.constant -1 : i32
      %broadcast_in_dim3A_115 = vector.broadcast %jit3A_114 : i32 to vector<16xi32>
      %select_n3A_116 = arith.select %gt3A_96, %add3A_99, %broadcast_in_dim3A_115 : vector<16xi1>, vector<16xi32>
      %reduce_max3A_117 = arith.constant true
      %reduce_max3A_118 = vector.broadcast %reduce_max3A_117 : i1 to vector<16xi1>
      %reduce_max3A_119 = arith.constant -2147483648 : i32
      %reduce_max3A_120 = vector.broadcast %reduce_max3A_119 : i32 to vector<16xi32>
      %reduce_max3A_121 = arith.xori %select_n3A_116, %reduce_max3A_120 : vector<16xi32>
      %reduce_max3A_122 = tpu.scan <max>, %reduce_max3A_121 masked %reduce_max3A_118 : vector<16xi32>, vector<16xi1> -> vector<16xi32>
      %reduce_max3A_123 = arith.xori %reduce_max3A_122, %reduce_max3A_120 : vector<16xi32>
      %reduce_max3A_124 = vector.extract %reduce_max3A_123[15] : i32 from vector<16xi32>
      %max3A = arith.constant 0 : i32
      %max3A_125 = arith.maxsi %max3A, %reduce_max3A_124 : i32
      %get3A_126 = arith.constant 0 : i32
      %get3A_127 = arith.index_cast %get3A_126 : i32 to index
      %get3A_128 = arith.constant 144 : index
      %get3A_129 = tpu.vector_load %arg14[%get3A_127, %get3A_128] {strides = array<i32>} : memref<16x256xf32, #tpu.memory_space<vmem>>, vector<16xf32>,
      %get3A_130 = arith.constant 1 : i32
      %get3A_131 = arith.index_cast %get3A_130 : i32 to index
      %get3A_132 = arith.constant 144 : index
      %get3A_133 = tpu.vector_load %arg14[%get3A_131, %get3A_132] {strides = array<i32>} : memref<16x256xf32, #tpu.memory_space<vmem>>, vector<16xf32>,
      %add3A_134 = arith.addf %get3A_129, %get3A_133 : vector<16xf32>
      %get3A_135 = arith.constant 2 : i32
      %get3A_136 = arith.index_cast %get3A_135 : i32 to index
      %get3A_137 = arith.constant 144 : index
      %get3A_138 = tpu.vector_load %arg14[%get3A_136, %get3A_137] {strides = array<i32>} : memref<16x256xf32, #tpu.memory_space<vmem>>, vector<16xf32>,
      %add3A_139 = arith.addf %add3A_134, %get3A_138 : vector<16xf32>
      %get3A_140 = arith.constant 3 : i32
      %get3A_141 = arith.index_cast %get3A_140 : i32 to index
      %get3A_142 = arith.constant 144 : index
      %get3A_143 = tpu.vector_load %arg14[%get3A_141, %get3A_142] {strides = array<i32>} : memref<16x256xf32, #tpu.memory_space<vmem>>, vector<16xf32>,
      %add3A_144 = arith.addf %add3A_139, %get3A_143 : vector<16xf32>
      %get3A_145 = arith.constant 4 : i32
      %get3A_146 = arith.index_cast %get3A_145 : i32 to index
      %get3A_147 = arith.constant 144 : index
      %get3A_148 = tpu.vector_load %arg14[%get3A_146, %get3A_147] {strides = array<i32>} : memref<16x256xf32, #tpu.memory_space<vmem>>, vector<16xf32>,
      %add3A_149 = arith.addf %add3A_144, %get3A_148 : vector<16xf32>
      %get3A_150 = arith.constant 5 : i32
      %get3A_151 = arith.index_cast %get3A_150 : i32 to index
      %get3A_152 = arith.constant 144 : index
      %get3A_153 = tpu.vector_load %arg14[%get3A_151, %get3A_152] {strides = array<i32>} : memref<16x256xf32, #tpu.memory_space<vmem>>, vector<16xf32>,
      %add3A_154 = arith.addf %add3A_149, %get3A_153 : vector<16xf32>
      %get3A_155 = arith.constant 6 : i32
      %get3A_156 = arith.index_cast %get3A_155 : i32 to index
      %get3A_157 = arith.constant 144 : index
      %get3A_158 = tpu.vector_load %arg14[%get3A_156, %get3A_157] {strides = array<i32>} : memref<16x256xf32, #tpu.memory_space<vmem>>, vector<16xf32>,
      %add3A_159 = arith.addf %add3A_154, %get3A_158 : vector<16xf32>
      %get3A_160 = arith.constant 7 : i32
      %get3A_161 = arith.index_cast %get3A_160 : i32 to index
      %get3A_162 = arith.constant 144 : index
      %get3A_163 = tpu.vector_load %arg14[%get3A_161, %get3A_162] {strides = array<i32>} : memref<16x256xf32, #tpu.memory_space<vmem>>, vector<16xf32>,
      %add3A_164 = arith.addf %add3A_159, %get3A_163 : vector<16xf32>
      %get3A_165 = arith.constant 8 : i32
      %get3A_166 = arith.index_cast %get3A_165 : i32 to index
      %get3A_167 = arith.constant 144 : index
      %get3A_168 = tpu.vector_load %arg14[%get3A_166, %get3A_167] {strides = array<i32>} : memref<16x256xf32, #tpu.memory_space<vmem>>, vector<16xf32>,
      %add3A_169 = arith.addf %add3A_164, %get3A_168 : vector<16xf32>
      %get3A_170 = arith.constant 9 : i32
      %get3A_171 = arith.index_cast %get3A_170 : i32 to index
      %get3A_172 = arith.constant 144 : index
      %get3A_173 = tpu.vector_load %arg14[%get3A_171, %get3A_172] {strides = array<i32>} : memref<16x256xf32, #tpu.memory_space<vmem>>, vector<16xf32>,
      %add3A_174 = arith.addf %add3A_169, %get3A_173 : vector<16xf32>
      %get3A_175 = arith.constant 10 : i32
      %get3A_176 = arith.index_cast %get3A_175 : i32 to index
      %get3A_177 = arith.constant 144 : index
      %get3A_178 = tpu.vector_load %arg14[%get3A_176, %get3A_177] {strides = array<i32>} : memref<16x256xf32, #tpu.memory_space<vmem>>, vector<16xf32>,
      %add3A_179 = arith.addf %add3A_174, %get3A_178 : vector<16xf32>
      %get3A_180 = arith.constant 11 : i32
      %get3A_181 = arith.index_cast %get3A_180 : i32 to index
      %get3A_182 = arith.constant 144 : index
      %get3A_183 = tpu.vector_load %arg14[%get3A_181, %get3A_182] {strides = array<i32>} : memref<16x256xf32, #tpu.memory_space<vmem>>, vector<16xf32>,
      %add3A_184 = arith.addf %add3A_179, %get3A_183 : vector<16xf32>
      %get3A_185 = arith.constant 12 : i32
      %get3A_186 = arith.index_cast %get3A_185 : i32 to index
      %get3A_187 = arith.constant 144 : index
      %get3A_188 = tpu.vector_load %arg14[%get3A_186, %get3A_187] {strides = array<i32>} : memref<16x256xf32, #tpu.memory_space<vmem>>, vector<16xf32>,
      %add3A_189 = arith.addf %add3A_184, %get3A_188 : vector<16xf32>
      %get3A_190 = arith.constant 13 : i32
      %get3A_191 = arith.index_cast %get3A_190 : i32 to index
      %get3A_192 = arith.constant 144 : index
      %get3A_193 = tpu.vector_load %arg14[%get3A_191, %get3A_192] {strides = array<i32>} : memref<16x256xf32, #tpu.memory_space<vmem>>, vector<16xf32>,
      %add3A_194 = arith.addf %add3A_189, %get3A_193 : vector<16xf32>
      %get3A_195 = arith.constant 14 : i32
      %get3A_196 = arith.index_cast %get3A_195 : i32 to index
      %get3A_197 = arith.constant 144 : index
      %get3A_198 = tpu.vector_load %arg14[%get3A_196, %get3A_197] {strides = array<i32>} : memref<16x256xf32, #tpu.memory_space<vmem>>, vector<16xf32>,
      %add3A_199 = arith.addf %add3A_194, %get3A_198 : vector<16xf32>
      %get3A_200 = arith.constant 15 : i32
      %get3A_201 = arith.index_cast %get3A_200 : i32 to index
      %get3A_202 = arith.constant 144 : index
      %get3A_203 = tpu.vector_load %arg14[%get3A_201, %get3A_202] {strides = array<i32>} : memref<16x256xf32, #tpu.memory_space<vmem>>, vector<16xf32>,
      %add3A_204 = arith.addf %add3A_199, %get3A_203 : vector<16xf32>
      %gt3A_205 = arith.constant 0.000000e+00 : f32
      %gt3A_206 = vector.broadcast %gt3A_205 : f32 to vector<16xf32>
      %gt3A_207 = arith.cmpf ogt, %add3A_204, %gt3A_206 : vector<16xf32>
      %add3A_208 = arith.constant 16 : i32
      %add3A_209 = vector.broadcast %add3A_208 : i32 to vector<16xi32>
      %add3A_210 = arith.addi %iota3A, %add3A_209 : vector<16xi32>
      %jit3A_211 = arith.constant 1.000000e+00 : f32
      %jit3A_212 = arith.constant 0.000000e+00 : f32
      %broadcast_in_dim3A_213 = vector.broadcast %jit3A_211 : f32 to vector<16xf32>
      %broadcast_in_dim3A_214 = vector.broadcast %jit3A_212 : f32 to vector<16xf32>
      %select_n3A_215 = arith.select %gt3A_207, %broadcast_in_dim3A_213, %broadcast_in_dim3A_214 : vector<16xi1>, vector<16xf32>
      %broadcast_in_dim3A_216 = arith.constant true
      %broadcast_in_dim3A_217 = vector.broadcast %broadcast_in_dim3A_216 : i1 to vector<16xi1>
      %masked_cumsum3A_218 = tpu.scan <sum>, %select_n3A_215 masked %broadcast_in_dim3A_217 : vector<16xf32>, vector<16xi1> -> vector<16xf32>
      %add3A_219 = vector.broadcast %reduce_max3A_110 : f32 to vector<16xf32>
      %add3A_220 = arith.addf %masked_cumsum3A_218, %add3A_219 : vector<16xf32>
      %reduce_max3A_221 = arith.constant true
      %reduce_max3A_222 = vector.broadcast %reduce_max3A_221 : i1 to vector<16xi1>
      %reduce_max3A_223 = tpu.scan <max>, %add3A_220 masked %reduce_max3A_222 : vector<16xf32>, vector<16xi1> -> vector<16xf32>
      %reduce_max3A_224 = vector.extract %reduce_max3A_223[15] : f32 from vector<16xf32>
      %sub3A_225 = arith.constant 1.000000e+00 : f32
      %sub3A_226 = vector.broadcast %sub3A_225 : f32 to vector<16xf32>
      %sub3A_227 = arith.subf %add3A_220, %sub3A_226 : vector<16xf32>
      %convert_element_type3A_228 = arith.fptosi %sub3A_227 : vector<16xf32> to vector<16xi32>
      %jit3A_229 = arith.constant -1 : i32
      %broadcast_in_dim3A_230 = vector.broadcast %jit3A_229 : i32 to vector<16xi32>
      %select_n3A_231 = arith.select %gt3A_207, %add3A_210, %broadcast_in_dim3A_230 : vector<16xi1>, vector<16xi32>
      %reduce_max3A_232 = arith.constant true
      %reduce_max3A_233 = vector.broadcast %reduce_max3A_232 : i1 to vector<16xi1>
      %reduce_max3A_234 = arith.constant -2147483648 : i32
      %reduce_max3A_235 = vector.broadcast %reduce_max3A_234 : i32 to vector<16xi32>
      %reduce_max3A_236 = arith.xori %select_n3A_231, %reduce_max3A_235 : vector<16xi32>
      %reduce_max3A_237 = tpu.scan <max>, %reduce_max3A_236 masked %reduce_max3A_233 : vector<16xi32>, vector<16xi1> -> vector<16xi32>
      %reduce_max3A_238 = arith.xori %reduce_max3A_237, %reduce_max3A_235 : vector<16xi32>
      %reduce_max3A_239 = vector.extract %reduce_max3A_238[15] : i32 from vector<16xi32>
      %max3A_240 = arith.maxsi %max3A_125, %reduce_max3A_239 : i32
      %get3A_241 = arith.constant 0 : i32
      %get3A_242 = arith.index_cast %get3A_241 : i32 to index
      %get3A_243 = arith.constant 160 : index
      %get3A_244 = tpu.vector_load %arg14[%get3A_242, %get3A_243] {strides = array<i32>} : memref<16x256xf32, #tpu.memory_space<vmem>>, vector<16xf32>,
      %get3A_245 = arith.constant 1 : i32
      %get3A_246 = arith.index_cast %get3A_245 : i32 to index
      %get3A_247 = arith.constant 160 : index
      %get3A_248 = tpu.vector_load %arg14[%get3A_246, %get3A_247] {strides = array<i32>} : memref<16x256xf32, #tpu.memory_space<vmem>>, vector<16xf32>,
      %add3A_249 = arith.addf %get3A_244, %get3A_248 : vector<16xf32>
      %get3A_250 = arith.constant 2 : i32
      %get3A_251 = arith.index_cast %get3A_250 : i32 to index
      %get3A_252 = arith.constant 160 : index
      %get3A_253 = tpu.vector_load %arg14[%get3A_251, %get3A_252] {strides = array<i32>} : memref<16x256xf32, #tpu.memory_space<vmem>>, vector<16xf32>,
      %add3A_254 = arith.addf %add3A_249, %get3A_253 : vector<16xf32>
      %get3A_255 = arith.constant 3 : i32
      %get3A_256 = arith.index_cast %get3A_255 : i32 to index
      %get3A_257 = arith.constant 160 : index
      %get3A_258 = tpu.vector_load %arg14[%get3A_256, %get3A_257] {strides = array<i32>} : memref<16x256xf32, #tpu.memory_space<vmem>>, vector<16xf32>,
      %add3A_259 = arith.addf %add3A_254, %get3A_258 : vector<16xf32>
      %get3A_260 = arith.constant 4 : i32
      %get3A_261 = arith.index_cast %get3A_260 : i32 to index
      %get3A_262 = arith.constant 160 : index
      %get3A_263 = tpu.vector_load %arg14[%get3A_261, %get3A_262] {strides = array<i32>} : memref<16x256xf32, #tpu.memory_space<vmem>>, vector<16xf32>,
      %add3A_264 = arith.addf %add3A_259, %get3A_263 : vector<16xf32>
      %get3A_265 = arith.constant 5 : i32
      %get3A_266 = arith.index_cast %get3A_265 : i32 to index
      %get3A_267 = arith.constant 160 : index
      %get3A_268 = tpu.vector_load %arg14[%get3A_266, %get3A_267] {strides = array<i32>} : memref<16x256xf32, #tpu.memory_space<vmem>>, vector<16xf32>,
      %add3A_269 = arith.addf %add3A_264, %get3A_268 : vector<16xf32>
      %get3A_270 = arith.constant 6 : i32
      %get3A_271 = arith.index_cast %get3A_270 : i32 to index
      %get3A_272 = arith.constant 160 : index
      %get3A_273 = tpu.vector_load %arg14[%get3A_271, %get3A_272] {strides = array<i32>} : memref<16x256xf32, #tpu.memory_space<vmem>>, vector<16xf32>,
      %add3A_274 = arith.addf %add3A_269, %get3A_273 : vector<16xf32>
      %get3A_275 = arith.constant 7 : i32
      %get3A_276 = arith.index_cast %get3A_275 : i32 to index
      %get3A_277 = arith.constant 160 : index
      %get3A_278 = tpu.vector_load %arg14[%get3A_276, %get3A_277] {strides = array<i32>} : memref<16x256xf32, #tpu.memory_space<vmem>>, vector<16xf32>,
      %add3A_279 = arith.addf %add3A_274, %get3A_278 : vector<16xf32>
      %get3A_280 = arith.constant 8 : i32
      %get3A_281 = arith.index_cast %get3A_280 : i32 to index
      %get3A_282 = arith.constant 160 : index
      %get3A_283 = tpu.vector_load %arg14[%get3A_281, %get3A_282] {strides = array<i32>} : memref<16x256xf32, #tpu.memory_space<vmem>>, vector<16xf32>,
      %add3A_284 = arith.addf %add3A_279, %get3A_283 : vector<16xf32>
      %get3A_285 = arith.constant 9 : i32
      %get3A_286 = arith.index_cast %get3A_285 : i32 to index
      %get3A_287 = arith.constant 160 : index
      %get3A_288 = tpu.vector_load %arg14[%get3A_286, %get3A_287] {strides = array<i32>} : memref<16x256xf32, #tpu.memory_space<vmem>>, vector<16xf32>,
      %add3A_289 = arith.addf %add3A_284, %get3A_288 : vector<16xf32>
      %get3A_290 = arith.constant 10 : i32
      %get3A_291 = arith.index_cast %get3A_290 : i32 to index
      %get3A_292 = arith.constant 160 : index
      %get3A_293 = tpu.vector_load %arg14[%get3A_291, %get3A_292] {strides = array<i32>} : memref<16x256xf32, #tpu.memory_space<vmem>>, vector<16xf32>,
      %add3A_294 = arith.addf %add3A_289, %get3A_293 : vector<16xf32>
      %get3A_295 = arith.constant 11 : i32
      %get3A_296 = arith.index_cast %get3A_295 : i32 to index
      %get3A_297 = arith.constant 160 : index
      %get3A_298 = tpu.vector_load %arg14[%get3A_296, %get3A_297] {strides = array<i32>} : memref<16x256xf32, #tpu.memory_space<vmem>>, vector<16xf32>,
      %add3A_299 = arith.addf %add3A_294, %get3A_298 : vector<16xf32>
      %get3A_300 = arith.constant 12 : i32
      %get3A_301 = arith.index_cast %get3A_300 : i32 to index
      %get3A_302 = arith.constant 160 : index
      %get3A_303 = tpu.vector_load %arg14[%get3A_301, %get3A_302] {strides = array<i32>} : memref<16x256xf32, #tpu.memory_space<vmem>>, vector<16xf32>,
      %add3A_304 = arith.addf %add3A_299, %get3A_303 : vector<16xf32>
      %get3A_305 = arith.constant 13 : i32
      %get3A_306 = arith.index_cast %get3A_305 : i32 to index
      %get3A_307 = arith.constant 160 : index
      %get3A_308 = tpu.vector_load %arg14[%get3A_306, %get3A_307] {strides = array<i32>} : memref<16x256xf32, #tpu.memory_space<vmem>>, vector<16xf32>,
      %add3A_309 = arith.addf %add3A_304, %get3A_308 : vector<16xf32>
      %get3A_310 = arith.constant 14 : i32
      %get3A_311 = arith.index_cast %get3A_310 : i32 to index
      %get3A_312 = arith.constant 160 : index
      %get3A_313 = tpu.vector_load %arg14[%get3A_311, %get3A_312] {strides = array<i32>} : memref<16x256xf32, #tpu.memory_space<vmem>>, vector<16xf32>,
      %add3A_314 = arith.addf %add3A_309, %get3A_313 : vector<16xf32>
      %get3A_315 = arith.constant 15 : i32
      %get3A_316 = arith.index_cast %get3A_315 : i32 to index
      %get3A_317 = arith.constant 160 : index
      %get3A_318 = tpu.vector_load %arg14[%get3A_316, %get3A_317] {strides = array<i32>} : memref<16x256xf32, #tpu.memory_space<vmem>>, vector<16xf32>,
      %add3A_319 = arith.addf %add3A_314, %get3A_318 : vector<16xf32>
      %gt3A_320 = arith.constant 0.000000e+00 : f32
      %gt3A_321 = vector.broadcast %gt3A_320 : f32 to vector<16xf32>
      %gt3A_322 = arith.cmpf ogt, %add3A_319, %gt3A_321 : vector<16xf32>
      %add3A_323 = arith.constant 32 : i32
      %add3A_324 = vector.broadcast %add3A_323 : i32 to vector<16xi32>
      %add3A_325 = arith.addi %iota3A, %add3A_324 : vector<16xi32>
      %jit3A_326 = arith.constant 1.000000e+00 : f32
      %jit3A_327 = arith.constant 0.000000e+00 : f32
      %broadcast_in_dim3A_328 = vector.broadcast %jit3A_326 : f32 to vector<16xf32>
      %broadcast_in_dim3A_329 = vector.broadcast %jit3A_327 : f32 to vector<16xf32>
      %select_n3A_330 = arith.select %gt3A_322, %broadcast_in_dim3A_328, %broadcast_in_dim3A_329 : vector<16xi1>, vector<16xf32>
      %broadcast_in_dim3A_331 = arith.constant true
      %broadcast_in_dim3A_332 = vector.broadcast %broadcast_in_dim3A_331 : i1 to vector<16xi1>
      %masked_cumsum3A_333 = tpu.scan <sum>, %select_n3A_330 masked %broadcast_in_dim3A_332 : vector<16xf32>, vector<16xi1> -> vector<16xf32>
      %add3A_334 = vector.broadcast %reduce_max3A_224 : f32 to vector<16xf32>
      %add3A_335 = arith.addf %masked_cumsum3A_333, %add3A_334 : vector<16xf32>
      %reduce_max3A_336 = arith.constant true
      %reduce_max3A_337 = vector.broadcast %reduce_max3A_336 : i1 to vector<16xi1>
      %reduce_max3A_338 = tpu.scan <max>, %add3A_335 masked %reduce_max3A_337 : vector<16xf32>, vector<16xi1> -> vector<16xf32>
      %reduce_max3A_339 = vector.extract %reduce_max3A_338[15] : f32 from vector<16xf32>
      %sub3A_340 = arith.constant 1.000000e+00 : f32
      %sub3A_341 = vector.broadcast %sub3A_340 : f32 to vector<16xf32>
      %sub3A_342 = arith.subf %add3A_335, %sub3A_341 : vector<16xf32>
      %convert_element_type3A_343 = arith.fptosi %sub3A_342 : vector<16xf32> to vector<16xi32>
      %jit3A_344 = arith.constant -1 : i32
      %broadcast_in_dim3A_345 = vector.broadcast %jit3A_344 : i32 to vector<16xi32>
      %select_n3A_346 = arith.select %gt3A_322, %add3A_325, %broadcast_in_dim3A_345 : vector<16xi1>, vector<16xi32>
      %reduce_max3A_347 = arith.constant true
      %reduce_max3A_348 = vector.broadcast %reduce_max3A_347 : i1 to vector<16xi1>
      %reduce_max3A_349 = arith.constant -2147483648 : i32
      %reduce_max3A_350 = vector.broadcast %reduce_max3A_349 : i32 to vector<16xi32>
      %reduce_max3A_351 = arith.xori %select_n3A_346, %reduce_max3A_350 : vector<16xi32>
      %reduce_max3A_352 = tpu.scan <max>, %reduce_max3A_351 masked %reduce_max3A_348 : vector<16xi32>, vector<16xi1> -> vector<16xi32>
      %reduce_max3A_353 = arith.xori %reduce_max3A_352, %reduce_max3A_350 : vector<16xi32>
      %reduce_max3A_354 = vector.extract %reduce_max3A_353[15] : i32 from vector<16xi32>
      %max3A_355 = arith.maxsi %max3A_240, %reduce_max3A_354 : i32
      %get3A_356 = arith.constant 0 : i32
      %get3A_357 = arith.index_cast %get3A_356 : i32 to index
      %get3A_358 = arith.constant 176 : index
      %get3A_359 = tpu.vector_load %arg14[%get3A_357, %get3A_358] {strides = array<i32>} : memref<16x256xf32, #tpu.memory_space<vmem>>, vector<16xf32>,
      %get3A_360 = arith.constant 1 : i32
      %get3A_361 = arith.index_cast %get3A_360 : i32 to index
      %get3A_362 = arith.constant 176 : index
      %get3A_363 = tpu.vector_load %arg14[%get3A_361, %get3A_362] {strides = array<i32>} : memref<16x256xf32, #tpu.memory_space<vmem>>, vector<16xf32>,
      %add3A_364 = arith.addf %get3A_359, %get3A_363 : vector<16xf32>
      %get3A_365 = arith.constant 2 : i32
      %get3A_366 = arith.index_cast %get3A_365 : i32 to index
      %get3A_367 = arith.constant 176 : index
      %get3A_368 = tpu.vector_load %arg14[%get3A_366, %get3A_367] {strides = array<i32>} : memref<16x256xf32, #tpu.memory_space<vmem>>, vector<16xf32>,
      %add3A_369 = arith.addf %add3A_364, %get3A_368 : vector<16xf32>
      %get3A_370 = arith.constant 3 : i32
      %get3A_371 = arith.index_cast %get3A_370 : i32 to index
      %get3A_372 = arith.constant 176 : index
      %get3A_373 = tpu.vector_load %arg14[%get3A_371, %get3A_372] {strides = array<i32>} : memref<16x256xf32, #tpu.memory_space<vmem>>, vector<16xf32>,
      %add3A_374 = arith.addf %add3A_369, %get3A_373 : vector<16xf32>
      %get3A_375 = arith.constant 4 : i32
      %get3A_376 = arith.index_cast %get3A_375 : i32 to index
      %get3A_377 = arith.constant 176 : index
      %get3A_378 = tpu.vector_load %arg14[%get3A_376, %get3A_377] {strides = array<i32>} : memref<16x256xf32, #tpu.memory_space<vmem>>, vector<16xf32>,
      %add3A_379 = arith.addf %add3A_374, %get3A_378 : vector<16xf32>
      %get3A_380 = arith.constant 5 : i32
      %get3A_381 = arith.index_cast %get3A_380 : i32 to index
      %get3A_382 = arith.constant 176 : index
      %get3A_383 = tpu.vector_load %arg14[%get3A_381, %get3A_382] {strides = array<i32>} : memref<16x256xf32, #tpu.memory_space<vmem>>, vector<16xf32>,
      %add3A_384 = arith.addf %add3A_379, %get3A_383 : vector<16xf32>
      %get3A_385 = arith.constant 6 : i32
      %get3A_386 = arith.index_cast %get3A_385 : i32 to index
      %get3A_387 = arith.constant 176 : index
      %get3A_388 = tpu.vector_load %arg14[%get3A_386, %get3A_387] {strides = array<i32>} : memref<16x256xf32, #tpu.memory_space<vmem>>, vector<16xf32>,
      %add3A_389 = arith.addf %add3A_384, %get3A_388 : vector<16xf32>
      %get3A_390 = arith.constant 7 : i32
      %get3A_391 = arith.index_cast %get3A_390 : i32 to index
      %get3A_392 = arith.constant 176 : index
      %get3A_393 = tpu.vector_load %arg14[%get3A_391, %get3A_392] {strides = array<i32>} : memref<16x256xf32, #tpu.memory_space<vmem>>, vector<16xf32>,
      %add3A_394 = arith.addf %add3A_389, %get3A_393 : vector<16xf32>
      %get3A_395 = arith.constant 8 : i32
      %get3A_396 = arith.index_cast %get3A_395 : i32 to index
      %get3A_397 = arith.constant 176 : index
      %get3A_398 = tpu.vector_load %arg14[%get3A_396, %get3A_397] {strides = array<i32>} : memref<16x256xf32, #tpu.memory_space<vmem>>, vector<16xf32>,
      %add3A_399 = arith.addf %add3A_394, %get3A_398 : vector<16xf32>
      %get3A_400 = arith.constant 9 : i32
      %get3A_401 = arith.index_cast %get3A_400 : i32 to index
      %get3A_402 = arith.constant 176 : index
      %get3A_403 = tpu.vector_load %arg14[%get3A_401, %get3A_402] {strides = array<i32>} : memref<16x256xf32, #tpu.memory_space<vmem>>, vector<16xf32>,
      %add3A_404 = arith.addf %add3A_399, %get3A_403 : vector<16xf32>
      %get3A_405 = arith.constant 10 : i32
      %get3A_406 = arith.index_cast %get3A_405 : i32 to index
      %get3A_407 = arith.constant 176 : index
      %get3A_408 = tpu.vector_load %arg14[%get3A_406, %get3A_407] {strides = array<i32>} : memref<16x256xf32, #tpu.memory_space<vmem>>, vector<16xf32>,
      %add3A_409 = arith.addf %add3A_404, %get3A_408 : vector<16xf32>
      %get3A_410 = arith.constant 11 : i32
      %get3A_411 = arith.index_cast %get3A_410 : i32 to index
      %get3A_412 = arith.constant 176 : index
      %get3A_413 = tpu.vector_load %arg14[%get3A_411, %get3A_412] {strides = array<i32>} : memref<16x256xf32, #tpu.memory_space<vmem>>, vector<16xf32>,
      %add3A_414 = arith.addf %add3A_409, %get3A_413 : vector<16xf32>
      %get3A_415 = arith.constant 12 : i32
      %get3A_416 = arith.index_cast %get3A_415 : i32 to index
      %get3A_417 = arith.constant 176 : index
      %get3A_418 = tpu.vector_load %arg14[%get3A_416, %get3A_417] {strides = array<i32>} : memref<16x256xf32, #tpu.memory_space<vmem>>, vector<16xf32>,
      %add3A_419 = arith.addf %add3A_414, %get3A_418 : vector<16xf32>
      %get3A_420 = arith.constant 13 : i32
      %get3A_421 = arith.index_cast %get3A_420 : i32 to index
      %get3A_422 = arith.constant 176 : index
      %get3A_423 = tpu.vector_load %arg14[%get3A_421, %get3A_422] {strides = array<i32>} : memref<16x256xf32, #tpu.memory_space<vmem>>, vector<16xf32>,
      %add3A_424 = arith.addf %add3A_419, %get3A_423 : vector<16xf32>
      %get3A_425 = arith.constant 14 : i32
      %get3A_426 = arith.index_cast %get3A_425 : i32 to index
      %get3A_427 = arith.constant 176 : index
      %get3A_428 = tpu.vector_load %arg14[%get3A_426, %get3A_427] {strides = array<i32>} : memref<16x256xf32, #tpu.memory_space<vmem>>, vector<16xf32>,
      %add3A_429 = arith.addf %add3A_424, %get3A_428 : vector<16xf32>
      %get3A_430 = arith.constant 15 : i32
      %get3A_431 = arith.index_cast %get3A_430 : i32 to index
      %get3A_432 = arith.constant 176 : index
      %get3A_433 = tpu.vector_load %arg14[%get3A_431, %get3A_432] {strides = array<i32>} : memref<16x256xf32, #tpu.memory_space<vmem>>, vector<16xf32>,
      %add3A_434 = arith.addf %add3A_429, %get3A_433 : vector<16xf32>
      %gt3A_435 = arith.constant 0.000000e+00 : f32
      %gt3A_436 = vector.broadcast %gt3A_435 : f32 to vector<16xf32>
      %gt3A_437 = arith.cmpf ogt, %add3A_434, %gt3A_436 : vector<16xf32>
      %add3A_438 = arith.constant 48 : i32
      %add3A_439 = vector.broadcast %add3A_438 : i32 to vector<16xi32>
      %add3A_440 = arith.addi %iota3A, %add3A_439 : vector<16xi32>
      %jit3A_441 = arith.constant 1.000000e+00 : f32
      %jit3A_442 = arith.constant 0.000000e+00 : f32
      %broadcast_in_dim3A_443 = vector.broadcast %jit3A_441 : f32 to vector<16xf32>
      %broadcast_in_dim3A_444 = vector.broadcast %jit3A_442 : f32 to vector<16xf32>
      %select_n3A_445 = arith.select %gt3A_437, %broadcast_in_dim3A_443, %broadcast_in_dim3A_444 : vector<16xi1>, vector<16xf32>
      %broadcast_in_dim3A_446 = arith.constant true
      %broadcast_in_dim3A_447 = vector.broadcast %broadcast_in_dim3A_446 : i1 to vector<16xi1>
      %masked_cumsum3A_448 = tpu.scan <sum>, %select_n3A_445 masked %broadcast_in_dim3A_447 : vector<16xf32>, vector<16xi1> -> vector<16xf32>
      %add3A_449 = vector.broadcast %reduce_max3A_339 : f32 to vector<16xf32>
      %add3A_450 = arith.addf %masked_cumsum3A_448, %add3A_449 : vector<16xf32>
      %reduce_max3A_451 = arith.constant true
      %reduce_max3A_452 = vector.broadcast %reduce_max3A_451 : i1 to vector<16xi1>
      %reduce_max3A_453 = tpu.scan <max>, %add3A_450 masked %reduce_max3A_452 : vector<16xf32>, vector<16xi1> -> vector<16xf32>
      %reduce_max3A_454 = vector.extract %reduce_max3A_453[15] : f32 from vector<16xf32>
      %sub3A_455 = arith.constant 1.000000e+00 : f32
      %sub3A_456 = vector.broadcast %sub3A_455 : f32 to vector<16xf32>
      %sub3A_457 = arith.subf %add3A_450, %sub3A_456 : vector<16xf32>
      %convert_element_type3A_458 = arith.fptosi %sub3A_457 : vector<16xf32> to vector<16xi32>
      %jit3A_459 = arith.constant -1 : i32
      %broadcast_in_dim3A_460 = vector.broadcast %jit3A_459 : i32 to vector<16xi32>
      %select_n3A_461 = arith.select %gt3A_437, %add3A_440, %broadcast_in_dim3A_460 : vector<16xi1>, vector<16xi32>
      %reduce_max3A_462 = arith.constant true
      %reduce_max3A_463 = vector.broadcast %reduce_max3A_462 : i1 to vector<16xi1>
      %reduce_max3A_464 = arith.constant -2147483648 : i32
      %reduce_max3A_465 = vector.broadcast %reduce_max3A_464 : i32 to vector<16xi32>
      %reduce_max3A_466 = arith.xori %select_n3A_461, %reduce_max3A_465 : vector<16xi32>
      %reduce_max3A_467 = tpu.scan <max>, %reduce_max3A_466 masked %reduce_max3A_463 : vector<16xi32>, vector<16xi1> -> vector<16xi32>
      %reduce_max3A_468 = arith.xori %reduce_max3A_467, %reduce_max3A_465 : vector<16xi32>
      %reduce_max3A_469 = vector.extract %reduce_max3A_468[15] : i32 from vector<16xi32>
      %max3A_470 = arith.maxsi %max3A_355, %reduce_max3A_469 : i32
      %max3A_471 = arith.constant 0 : i32
      %max3A_472 = arith.maxsi %max3A_470, %max3A_471 : i32
      %broadcast_in_dim3A_473 = arith.constant 0 : i32
      %broadcast_in_dim3A_474 = vector.broadcast %broadcast_in_dim3A_473 : i32 to vector<16xi32>
      %add3A_475 = vector.broadcast %max3A_472 : i32 to vector<16xi32>
      %add3A_476 = arith.addi %broadcast_in_dim3A_474, %add3A_475 : vector<16xi32>
      %swap3A = arith.constant 0 : index
      %swap3A_477 = tpu.vector_load %arg15[%swap3A] {strides = array<i32>} : memref<64xi32, #tpu.memory_space<vmem>>, vector<16xi32>,
      tpu.vector_store %arg15[%swap3A], %add3A_476 {strides = array<i32>} : memref<64xi32, #tpu.memory_space<vmem>>, vector<16xi32>,
      %broadcast_in_dim3A_478 = arith.constant 0 : i32
      %broadcast_in_dim3A_479 = vector.broadcast %broadcast_in_dim3A_478 : i32 to vector<16xi32>
      %add3A_480 = vector.broadcast %max3A_472 : i32 to vector<16xi32>
      %add3A_481 = arith.addi %broadcast_in_dim3A_479, %add3A_480 : vector<16xi32>
      %swap3A_482 = arith.constant 16 : index
      %swap3A_483 = tpu.vector_load %arg15[%swap3A_482] {strides = array<i32>} : memref<64xi32, #tpu.memory_space<vmem>>, vector<16xi32>,
      tpu.vector_store %arg15[%swap3A_482], %add3A_481 {strides = array<i32>} : memref<64xi32, #tpu.memory_space<vmem>>, vector<16xi32>,
      %broadcast_in_dim3A_484 = arith.constant 0 : i32
      %broadcast_in_dim3A_485 = vector.broadcast %broadcast_in_dim3A_484 : i32 to vector<16xi32>
      %add3A_486 = vector.broadcast %max3A_472 : i32 to vector<16xi32>
      %add3A_487 = arith.addi %broadcast_in_dim3A_485, %add3A_486 : vector<16xi32>
      %swap3A_488 = arith.constant 32 : index
      %swap3A_489 = tpu.vector_load %arg15[%swap3A_488] {strides = array<i32>} : memref<64xi32, #tpu.memory_space<vmem>>, vector<16xi32>,
      tpu.vector_store %arg15[%swap3A_488], %add3A_487 {strides = array<i32>} : memref<64xi32, #tpu.memory_space<vmem>>, vector<16xi32>,
      %broadcast_in_dim3A_490 = arith.constant 0 : i32
      %broadcast_in_dim3A_491 = vector.broadcast %broadcast_in_dim3A_490 : i32 to vector<16xi32>
      %add3A_492 = vector.broadcast %max3A_472 : i32 to vector<16xi32>
      %add3A_493 = arith.addi %broadcast_in_dim3A_491, %add3A_492 : vector<16xi32>
      %swap3A_494 = arith.constant 48 : index
      %swap3A_495 = tpu.vector_load %arg15[%swap3A_494] {strides = array<i32>} : memref<64xi32, #tpu.memory_space<vmem>>, vector<16xi32>,
      tpu.vector_store %arg15[%swap3A_494], %add3A_493 {strides = array<i32>} : memref<64xi32, #tpu.memory_space<vmem>>, vector<16xi32>,
      %add3A_496 = arith.constant 0 : i32
      %add3A_497 = vector.broadcast %add3A_496 : i32 to vector<16xi32>
      %add3A_498 = arith.addi %iota3A, %add3A_497 : vector<16xi32>
      tpu.vector_store_idx %arg15[%convert_element_type3A_113], %add3A_498 masked %gt3A_96 : memref<64xi32, #tpu.memory_space<vmem>>[vector<16xi32>], vector<16xi32>, vector<16xi1>
      %add3A_499 = arith.constant 16 : i32
      %add3A_500 = vector.broadcast %add3A_499 : i32 to vector<16xi32>
      %add3A_501 = arith.addi %iota3A, %add3A_500 : vector<16xi32>
      tpu.vector_store_idx %arg15[%convert_element_type3A_228], %add3A_501 masked %gt3A_207 : memref<64xi32, #tpu.memory_space<vmem>>[vector<16xi32>], vector<16xi32>, vector<16xi1>
      %add3A_502 = arith.constant 32 : i32
      %add3A_503 = vector.broadcast %add3A_502 : i32 to vector<16xi32>
      %add3A_504 = arith.addi %iota3A, %add3A_503 : vector<16xi32>
      tpu.vector_store_idx %arg15[%convert_element_type3A_343], %add3A_504 masked %gt3A_322 : memref<64xi32, #tpu.memory_space<vmem>>[vector<16xi32>], vector<16xi32>, vector<16xi1>
      %add3A_505 = arith.constant 48 : i32
      %add3A_506 = vector.broadcast %add3A_505 : i32 to vector<16xi32>
      %add3A_507 = arith.addi %iota3A, %add3A_506 : vector<16xi32>
      tpu.vector_store_idx %arg15[%convert_element_type3A_458], %add3A_507 masked %gt3A_437 : memref<64xi32, #tpu.memory_space<vmem>>[vector<16xi32>], vector<16xi32>, vector<16xi1>
      "tpu.region"() ({
        %run_scoped3A = tpu.sem_alloc : memref<!tpu.dma_semaphore, #tpu.memory_space<semaphore_mem>>
        tpu.enqueue_dma source(%arg15 : memref<64xi32, #tpu.memory_space<vmem>>) target(%arg6 : memref<64xi32, #tpu.memory_space<hbm>>) target_semaphore(%run_scoped3A : memref<!tpu.dma_semaphore, #tpu.memory_space<semaphore_mem>>)
        tpu.wait_dma2 semaphore(%run_scoped3A : memref<!tpu.dma_semaphore, #tpu.memory_space<semaphore_mem>>) src(%arg15 : memref<64xi32, #tpu.memory_space<vmem>>) dst(%arg6 : memref<64xi32, #tpu.memory_space<hbm>>)
        tpu.yield
      }) : () -> ()
    } else {
    }
    return
  }
}

module attributes {stable_mosaic.version = 14 : i64} {
  func.func @_logits_body(%arg0: memref<32x1024xf32, #tpu.memory_space<vmem>>, %arg1: memref<64x1024xf32, #tpu.memory_space<vmem>>, %arg2: memref<64x1024xf32, #tpu.memory_space<vmem>>, %arg3: memref<32x1xi32, #tpu.memory_space<vmem>>, %arg4: memref<1x32xi32, #tpu.memory_space<vmem>>, %arg5: memref<1x64xf32, #tpu.memory_space<vmem>>, %arg6: memref<1x64xf32, #tpu.memory_space<vmem>>, %arg7: memref<32x64xf32, #tpu.memory_space<vmem>>, %arg8: memref<32x256xf32, #tpu.memory_space<vmem>>, %arg9: memref<2x128xf32, #tpu.memory_space<vmem>>) attributes {dimension_semantics = [], scalar_prefetch = 0 : i64, scratch_operands = 0 : i64, tpu.core_type = #tpu.core_type<tc>} {
    %get3A = arith.constant 0 : index
    %get3A_0 = arith.constant 0 : index
    %get3A_1 = vector.load %arg0[%get3A, %get3A_0] : memref<32x1024xf32, #tpu.memory_space<vmem>>, vector<32x1024xf32>
    %get3A_2 = arith.constant 0 : index
    %get3A_3 = arith.constant 0 : index
    %get3A_4 = vector.load %arg1[%get3A_2, %get3A_3] : memref<64x1024xf32, #tpu.memory_space<vmem>>, vector<64x1024xf32>
    %dot_general3A = arith.constant dense<0.000000e+00> : vector<32x64xf32>
    %dot_general3A_5 = tpu.matmul %get3A_1, %get3A_4, %dot_general3A {dimension_numbers = #tpu.dot_dimension_numbers<[1], [1], [0], [0], [0, 0, 1, 0], [], []>, transpose_lhs_hint = false} : vector<32x1024xf32>, vector<64x1024xf32>, vector<32x64xf32> -> vector<32x64xf32>
    %get3A_6 = arith.constant 0 : index
    %get3A_7 = arith.constant 0 : index
    %get3A_8 = vector.load %arg2[%get3A_6, %get3A_7] : memref<64x1024xf32, #tpu.memory_space<vmem>>, vector<64x1024xf32>
    %dot_general3A_9 = arith.constant dense<0.000000e+00> : vector<32x64xf32>
    %dot_general3A_10 = tpu.matmul %get3A_1, %get3A_8, %dot_general3A_9 {dimension_numbers = #tpu.dot_dimension_numbers<[1], [1], [0], [0], [0, 0, 1, 0], [], []>, transpose_lhs_hint = false} : vector<32x1024xf32>, vector<64x1024xf32>, vector<32x64xf32> -> vector<32x64xf32>
    %get3A_11 = arith.constant 0 : index
    %get3A_12 = arith.constant 0 : index
    %get3A_13 = vector.load %arg3[%get3A_11, %get3A_12] : memref<32x1xi32, #tpu.memory_space<vmem>>, vector<32x1xi32>
    %ne3A = arith.constant 0 : i32
    %ne3A_14 = vector.broadcast %ne3A : i32 to vector<32x1xi32>
    %ne3A_15 = arith.cmpi ne, %get3A_13, %ne3A_14 : vector<32x1xi32>
    %broadcast_in_dim3A = vector.shape_cast %ne3A_15 : vector<32x1xi1> to vector<32x1xi1>
    %broadcast_in_dim3A_16 = vector.broadcast %broadcast_in_dim3A : vector<32x1xi1> to vector<32x64xi1>
    %select_n3A = arith.select %broadcast_in_dim3A_16, %dot_general3A_10, %dot_general3A_5 : vector<32x64xi1>, vector<32x64xf32>
    %swap3A = arith.constant 0 : index
    %swap3A_17 = arith.constant 0 : index
    %swap3A_18 = vector.load %arg7[%swap3A, %swap3A_17] : memref<32x64xf32, #tpu.memory_space<vmem>>, vector<32x64xf32>
    tpu.vector_store %arg7[%swap3A, %swap3A_17], %select_n3A {strides = array<i32>} : memref<32x64xf32, #tpu.memory_space<vmem>>, vector<32x64xf32>,
    %broadcast_in_dim3A_19 = arith.constant 0.000000e+00 : f32
    %broadcast_in_dim3A_20 = vector.broadcast %broadcast_in_dim3A_19 : f32 to vector<32x256xf32>
    %swap3A_21 = arith.constant 0 : index
    %swap3A_22 = arith.constant 0 : index
    %swap3A_23 = vector.load %arg8[%swap3A_21, %swap3A_22] : memref<32x256xf32, #tpu.memory_space<vmem>>, vector<32x256xf32>
    tpu.vector_store %arg8[%swap3A_21, %swap3A_22], %broadcast_in_dim3A_20 {strides = array<i32>} : memref<32x256xf32, #tpu.memory_space<vmem>>, vector<32x256xf32>,
    %swap3A_24 = arith.constant 0 : index
    %swap3A_25 = arith.constant 0 : index
    %swap3A_26 = vector.load %arg8[%swap3A_24, %swap3A_25] : memref<32x256xf32, #tpu.memory_space<vmem>>, vector<32x64xf32>
    tpu.vector_store %arg8[%swap3A_24, %swap3A_25], %dot_general3A_5 {strides = array<i32>} : memref<32x256xf32, #tpu.memory_space<vmem>>, vector<32x64xf32>,
    %swap3A_27 = arith.constant 0 : index
    %swap3A_28 = arith.constant 128 : index
    %swap3A_29 = vector.load %arg8[%swap3A_27, %swap3A_28] : memref<32x256xf32, #tpu.memory_space<vmem>>, vector<32x64xf32>
    tpu.vector_store %arg8[%swap3A_27, %swap3A_28], %dot_general3A_10 {strides = array<i32>} : memref<32x256xf32, #tpu.memory_space<vmem>>, vector<32x64xf32>,
    %broadcast_in_dim3A_30 = arith.constant 0.000000e+00 : f32
    %broadcast_in_dim3A_31 = vector.broadcast %broadcast_in_dim3A_30 : f32 to vector<2x128xf32>
    %swap3A_32 = arith.constant 0 : index
    %swap3A_33 = arith.constant 0 : index
    %swap3A_34 = vector.load %arg9[%swap3A_32, %swap3A_33] : memref<2x128xf32, #tpu.memory_space<vmem>>, vector<2x128xf32>
    tpu.vector_store %arg9[%swap3A_32, %swap3A_33], %broadcast_in_dim3A_31 {strides = array<i32>} : memref<2x128xf32, #tpu.memory_space<vmem>>, vector<2x128xf32>,
    %get3A_35 = arith.constant 0 : index
    %get3A_36 = arith.constant 0 : index
    %get3A_37 = vector.load %arg4[%get3A_35, %get3A_36] : memref<1x32xi32, #tpu.memory_space<vmem>>, vector<1x32xi32>
    %convert_element_type3A = arith.sitofp %get3A_37 : vector<1x32xi32> to vector<1x32xf32>
    %swap3A_38 = arith.constant 0 : index
    %swap3A_39 = arith.constant 0 : index
    %swap3A_40 = vector.load %arg9[%swap3A_38, %swap3A_39] : memref<2x128xf32, #tpu.memory_space<vmem>>, vector<1x32xf32>
    tpu.vector_store %arg9[%swap3A_38, %swap3A_39], %convert_element_type3A {strides = array<i32>} : memref<2x128xf32, #tpu.memory_space<vmem>>, vector<1x32xf32>,
    %get3A_41 = arith.constant 0 : index
    %get3A_42 = arith.constant 0 : index
    %get3A_43 = vector.load %arg5[%get3A_41, %get3A_42] : memref<1x64xf32, #tpu.memory_space<vmem>>, vector<1x64xf32>
    %swap3A_44 = arith.constant 0 : index
    %swap3A_45 = arith.constant 32 : index
    %swap3A_46 = vector.load %arg9[%swap3A_44, %swap3A_45] : memref<2x128xf32, #tpu.memory_space<vmem>>, vector<1x64xf32>
    tpu.vector_store %arg9[%swap3A_44, %swap3A_45], %get3A_43 {strides = array<i32>} : memref<2x128xf32, #tpu.memory_space<vmem>>, vector<1x64xf32>,
    %get3A_47 = arith.constant 0 : index
    %get3A_48 = arith.constant 0 : index
    %get3A_49 = vector.load %arg6[%get3A_47, %get3A_48] : memref<1x64xf32, #tpu.memory_space<vmem>>, vector<1x64xf32>
    %swap3A_50 = arith.constant 1 : index
    %swap3A_51 = arith.constant 0 : index
    %swap3A_52 = vector.load %arg9[%swap3A_50, %swap3A_51] : memref<2x128xf32, #tpu.memory_space<vmem>>, vector<1x64xf32>
    tpu.vector_store %arg9[%swap3A_50, %swap3A_51], %get3A_49 {strides = array<i32>} : memref<2x128xf32, #tpu.memory_space<vmem>>, vector<1x64xf32>,
    return
  }
}

module attributes {stable_mosaic.version = 14 : i64} {
  func.func @_shared_body(%arg0: i32, %arg1: memref<32x1024xf32, #tpu.memory_space<vmem>>, %arg2: memref<512x1024xf32, #tpu.memory_space<vmem>>, %arg3: memref<512x1024xf32, #tpu.memory_space<vmem>>, %arg4: memref<1024x512xf32, #tpu.memory_space<vmem>>, %arg5: memref<32x1024xf32, #tpu.memory_space<vmem>>) attributes {dimension_semantics = [#tpu.dimension_semantics<arbitrary>], iteration_bounds = array<i64: 4>, scalar_prefetch = 0 : i64, scratch_operands = 0 : i64, tpu.core_type = #tpu.core_type<tc>, window_params = [{pipeline_mode = #tpu.pipeline_mode<synchronous>, transform_indices = @transform_0, window_bounds = array<i64: 32, 1024>}, {transform_indices = @transform_1, window_bounds = array<i64: 512, 1024>}, {transform_indices = @transform_2, window_bounds = array<i64: 512, 1024>}, {transform_indices = @transform_3, window_bounds = array<i64: 1024, 512>}, {pipeline_mode = #tpu.pipeline_mode<synchronous>, transform_indices = @transform_4, window_bounds = array<i64: 32, 1024>}]} {
    %eq3A = arith.constant 0 : i32
    %eq3A_0 = arith.cmpi eq, %arg0, %eq3A : i32
    %convert_element_type3A = arith.extui %eq3A_0 : i1 to i32
    %cond3A = arith.constant 0 : i32
    %cond3A_1 = arith.cmpi ne, %convert_element_type3A, %cond3A : i32
    scf.if %cond3A_1 {
      %broadcast_in_dim3A = arith.constant 0.000000e+00 : f32
      %broadcast_in_dim3A_29 = vector.broadcast %broadcast_in_dim3A : f32 to vector<32x1024xf32>
      %swap3A_30 = arith.constant 0 : index
      %swap3A_31 = arith.constant 0 : index
      %swap3A_32 = vector.load %arg5[%swap3A_30, %swap3A_31] : memref<32x1024xf32, #tpu.memory_space<vmem>>, vector<32x1024xf32>
      tpu.vector_store %arg5[%swap3A_30, %swap3A_31], %broadcast_in_dim3A_29 {strides = array<i32>} : memref<32x1024xf32, #tpu.memory_space<vmem>>, vector<32x1024xf32>,
    } else {
    }
    %get3A = arith.constant 0 : index
    %get3A_2 = arith.constant 0 : index
    %get3A_3 = vector.load %arg1[%get3A, %get3A_2] : memref<32x1024xf32, #tpu.memory_space<vmem>>, vector<32x1024xf32>
    %get3A_4 = arith.constant 0 : index
    %get3A_5 = arith.constant 0 : index
    %get3A_6 = vector.load %arg2[%get3A_4, %get3A_5] : memref<512x1024xf32, #tpu.memory_space<vmem>>, vector<512x1024xf32>
    %dot_general3A = arith.constant dense<0.000000e+00> : vector<32x512xf32>
    %dot_general3A_7 = tpu.matmul %get3A_3, %get3A_6, %dot_general3A {dimension_numbers = #tpu.dot_dimension_numbers<[1], [1], [0], [0], [0, 0, 1, 0], [], []>, transpose_lhs_hint = false} : vector<32x1024xf32>, vector<512x1024xf32>, vector<32x512xf32> -> vector<32x512xf32>
    %get3A_8 = arith.constant 0 : index
    %get3A_9 = arith.constant 0 : index
    %get3A_10 = vector.load %arg3[%get3A_8, %get3A_9] : memref<512x1024xf32, #tpu.memory_space<vmem>>, vector<512x1024xf32>
    %dot_general3A_11 = arith.constant dense<0.000000e+00> : vector<32x512xf32>
    %dot_general3A_12 = tpu.matmul %get3A_3, %get3A_10, %dot_general3A_11 {dimension_numbers = #tpu.dot_dimension_numbers<[1], [1], [0], [0], [0, 0, 1, 0], [], []>, transpose_lhs_hint = false} : vector<32x1024xf32>, vector<512x1024xf32>, vector<32x512xf32> -> vector<32x512xf32>
    %logistic3A = arith.negf %dot_general3A_7 : vector<32x512xf32>
    %logistic3A_13 = math.exp %logistic3A : vector<32x512xf32>
    %logistic3A_14 = arith.constant 1.000000e+00 : f32
    %logistic3A_15 = vector.broadcast %logistic3A_14 : f32 to vector<32x512xf32>
    %logistic3A_16 = arith.addf %logistic3A_15, %logistic3A_13 : vector<32x512xf32>
    %logistic3A_17 = arith.divf %logistic3A_15, %logistic3A_16 : vector<32x512xf32>
    %mul3A = arith.mulf %dot_general3A_7, %logistic3A_17 : vector<32x512xf32>
    %mul3A_18 = arith.mulf %mul3A, %dot_general3A_12 : vector<32x512xf32>
    %get3A_19 = arith.constant 0 : index
    %get3A_20 = arith.constant 0 : index
    %get3A_21 = vector.load %arg5[%get3A_19, %get3A_20] : memref<32x1024xf32, #tpu.memory_space<vmem>>, vector<32x1024xf32>
    %get3A_22 = arith.constant 0 : index
    %get3A_23 = arith.constant 0 : index
    %get3A_24 = vector.load %arg4[%get3A_22, %get3A_23] : memref<1024x512xf32, #tpu.memory_space<vmem>>, vector<1024x512xf32>
    %dot_general3A_25 = arith.constant dense<0.000000e+00> : vector<32x1024xf32>
    %dot_general3A_26 = tpu.matmul %mul3A_18, %get3A_24, %dot_general3A_25 {dimension_numbers = #tpu.dot_dimension_numbers<[1], [1], [0], [0], [0, 0, 1, 0], [], []>, transpose_lhs_hint = false} : vector<32x512xf32>, vector<1024x512xf32>, vector<32x1024xf32> -> vector<32x1024xf32>
    %add3A = arith.addf %get3A_21, %dot_general3A_26 : vector<32x1024xf32>
    %swap3A = arith.constant 0 : index
    %swap3A_27 = arith.constant 0 : index
    %swap3A_28 = vector.load %arg5[%swap3A, %swap3A_27] : memref<32x1024xf32, #tpu.memory_space<vmem>>, vector<32x1024xf32>
    tpu.vector_store %arg5[%swap3A, %swap3A_27], %add3A {strides = array<i32>} : memref<32x1024xf32, #tpu.memory_space<vmem>>, vector<32x1024xf32>,
    return
  }
  func.func @transform_0(%arg0: i32) -> (i32, i32) {
    %c0_i32 = arith.constant 0 : i32
    %c0_i32_0 = arith.constant 0 : i32
    %c0_i32_1 = arith.constant 0 : i32
    return %c0_i32, %c0_i32_0 : i32, i32
  }
  func.func @transform_1(%arg0: i32) -> (i32, i32) {
    %c0_i32 = arith.constant 0 : i32
    %c0_i32_0 = arith.constant 0 : i32
    return %arg0, %c0_i32 : i32, i32
  }
  func.func @transform_2(%arg0: i32) -> (i32, i32) {
    %c0_i32 = arith.constant 0 : i32
    %c0_i32_0 = arith.constant 0 : i32
    return %arg0, %c0_i32 : i32, i32
  }
  func.func @transform_3(%arg0: i32) -> (i32, i32) {
    %c0_i32 = arith.constant 0 : i32
    %c0_i32_0 = arith.constant 0 : i32
    return %c0_i32, %arg0 : i32, i32
  }
  func.func @transform_4(%arg0: i32) -> (i32, i32) {
    %c0_i32 = arith.constant 0 : i32
    %c0_i32_0 = arith.constant 0 : i32
    %c0_i32_1 = arith.constant 0 : i32
    return %c0_i32, %c0_i32_0 : i32, i32
  }
}

module attributes {stable_mosaic.version = 14 : i64} {
  func.func @_expert_body(%arg0: i32, %arg1: memref<64xi32, #tpu.memory_space<smem>>, %arg2: memref<32x1024xf32, #tpu.memory_space<vmem>>, %arg3: memref<1x1024x1024xf32, #tpu.memory_space<vmem>>, %arg4: memref<1x1024x1024xf32, #tpu.memory_space<vmem>>, %arg5: memref<1x1024x1024xf32, #tpu.memory_space<vmem>>, %arg6: memref<32x256xf32, #tpu.memory_space<vmem>>, %arg7: memref<32x1024xf32, #tpu.memory_space<vmem>>, %arg8: memref<32x1024xf32, #tpu.memory_space<vmem>>) attributes {dimension_semantics = [#tpu.dimension_semantics<arbitrary>], iteration_bounds = array<i64: 64>, scalar_prefetch = 1 : i64, scratch_operands = 0 : i64, tpu.core_type = #tpu.core_type<tc>, window_params = [{pipeline_mode = #tpu.pipeline_mode<synchronous>, transform_indices = @transform_0, window_bounds = array<i64: 32, 1024>}, {transform_indices = @transform_1, window_bounds = array<i64: 1, 1024, 1024>}, {transform_indices = @transform_2, window_bounds = array<i64: 1, 1024, 1024>}, {transform_indices = @transform_3, window_bounds = array<i64: 1, 1024, 1024>}, {pipeline_mode = #tpu.pipeline_mode<synchronous>, transform_indices = @transform_4, window_bounds = array<i64: 32, 256>}, {pipeline_mode = #tpu.pipeline_mode<synchronous>, transform_indices = @transform_5, window_bounds = array<i64: 32, 1024>}, {pipeline_mode = #tpu.pipeline_mode<synchronous>, transform_indices = @transform_6, window_bounds = array<i64: 32, 1024>}]} {
    %get3A = arith.index_cast %arg0 : i32 to index
    %get3A_0 = memref.load %arg1[%get3A] : memref<64xi32, #tpu.memory_space<smem>>
    %sub3A = arith.constant 1 : i32
    %sub3A_1 = arith.subi %arg0, %sub3A : i32
    %max3A = arith.constant 0 : i32
    %max3A_2 = arith.maxsi %sub3A_1, %max3A : i32
    %get3A_3 = arith.index_cast %max3A_2 : i32 to index
    %get3A_4 = memref.load %arg1[%get3A_3] : memref<64xi32, #tpu.memory_space<smem>>
    %eq3A = arith.constant 0 : i32
    %eq3A_5 = arith.cmpi eq, %arg0, %eq3A : i32
    %ne3A = arith.cmpi ne, %get3A_0, %get3A_4 : i32
    %or3A = arith.ori %eq3A_5, %ne3A : i1
    %eq3A_6 = arith.constant 0 : i32
    %eq3A_7 = arith.cmpi eq, %arg0, %eq3A_6 : i32
    %convert_element_type3A = arith.extui %eq3A_7 : i1 to i32
    %cond3A = arith.constant 0 : i32
    %cond3A_8 = arith.cmpi ne, %convert_element_type3A, %cond3A : i32
    scf.if %cond3A_8 {
      %get3A_12 = arith.constant 0 : index
      %get3A_13 = arith.constant 0 : index
      %get3A_14 = vector.load %arg7[%get3A_12, %get3A_13] : memref<32x1024xf32, #tpu.memory_space<vmem>>, vector<32x1024xf32>
      %swap3A = arith.constant 0 : index
      %swap3A_15 = arith.constant 0 : index
      %swap3A_16 = vector.load %arg8[%swap3A, %swap3A_15] : memref<32x1024xf32, #tpu.memory_space<vmem>>, vector<32x1024xf32>
      tpu.vector_store %arg8[%swap3A, %swap3A_15], %get3A_14 {strides = array<i32>} : memref<32x1024xf32, #tpu.memory_space<vmem>>, vector<32x1024xf32>,
    } else {
    }
    %convert_element_type3A_9 = arith.extui %or3A : i1 to i32
    %cond3A_10 = arith.constant 0 : i32
    %cond3A_11 = arith.cmpi ne, %convert_element_type3A_9, %cond3A_10 : i32
    scf.if %cond3A_11 {
      %get3A_12 = arith.constant 0 : index
      %get3A_13 = arith.constant 0 : index
      %get3A_14 = vector.load %arg2[%get3A_12, %get3A_13] : memref<32x1024xf32, #tpu.memory_space<vmem>>, vector<32x1024xf32>
      %get3A_15 = arith.constant 0 : index
      %get3A_16 = arith.constant 0 : index
      %get3A_17 = arith.constant 0 : index
      %get3A_18 = vector.load %arg3[%get3A_15, %get3A_16, %get3A_17] : memref<1x1024x1024xf32, #tpu.memory_space<vmem>>, vector<1x1024x1024xf32>
      %get3A_19 = vector.shape_cast %get3A_18 : vector<1x1024x1024xf32> to vector<1024x1024xf32>
      %dot_general3A = arith.constant dense<0.000000e+00> : vector<32x1024xf32>
      %dot_general3A_20 = tpu.matmul %get3A_14, %get3A_19, %dot_general3A {dimension_numbers = #tpu.dot_dimension_numbers<[1], [0], [0], [1], [0, 0, 1, 1], [], []>, transpose_lhs_hint = false} : vector<32x1024xf32>, vector<1024x1024xf32>, vector<32x1024xf32> -> vector<32x1024xf32>
      %get3A_21 = arith.constant 0 : index
      %get3A_22 = arith.constant 0 : index
      %get3A_23 = arith.constant 0 : index
      %get3A_24 = vector.load %arg4[%get3A_21, %get3A_22, %get3A_23] : memref<1x1024x1024xf32, #tpu.memory_space<vmem>>, vector<1x1024x1024xf32>
      %get3A_25 = vector.shape_cast %get3A_24 : vector<1x1024x1024xf32> to vector<1024x1024xf32>
      %dot_general3A_26 = arith.constant dense<0.000000e+00> : vector<32x1024xf32>
      %dot_general3A_27 = tpu.matmul %get3A_14, %get3A_25, %dot_general3A_26 {dimension_numbers = #tpu.dot_dimension_numbers<[1], [0], [0], [1], [0, 0, 1, 1], [], []>, transpose_lhs_hint = false} : vector<32x1024xf32>, vector<1024x1024xf32>, vector<32x1024xf32> -> vector<32x1024xf32>
      %logistic3A = arith.negf %dot_general3A_20 : vector<32x1024xf32>
      %logistic3A_28 = math.exp %logistic3A : vector<32x1024xf32>
      %logistic3A_29 = arith.constant 1.000000e+00 : f32
      %logistic3A_30 = vector.broadcast %logistic3A_29 : f32 to vector<32x1024xf32>
      %logistic3A_31 = arith.addf %logistic3A_30, %logistic3A_28 : vector<32x1024xf32>
      %logistic3A_32 = arith.divf %logistic3A_30, %logistic3A_31 : vector<32x1024xf32>
      %mul3A = arith.mulf %dot_general3A_20, %logistic3A_32 : vector<32x1024xf32>
      %mul3A_33 = arith.mulf %mul3A, %dot_general3A_27 : vector<32x1024xf32>
      %get3A_34 = arith.constant 0 : index
      %get3A_35 = arith.constant 0 : index
      %get3A_36 = arith.constant 0 : index
      %get3A_37 = vector.load %arg5[%get3A_34, %get3A_35, %get3A_36] : memref<1x1024x1024xf32, #tpu.memory_space<vmem>>, vector<1x1024x1024xf32>
      %get3A_38 = vector.shape_cast %get3A_37 : vector<1x1024x1024xf32> to vector<1024x1024xf32>
      %dot_general3A_39 = arith.constant dense<0.000000e+00> : vector<32x1024xf32>
      %dot_general3A_40 = tpu.matmul %mul3A_33, %get3A_38, %dot_general3A_39 {dimension_numbers = #tpu.dot_dimension_numbers<[1], [0], [0], [1], [0, 0, 1, 1], [], []>, transpose_lhs_hint = false} : vector<32x1024xf32>, vector<1024x1024xf32>, vector<32x1024xf32> -> vector<32x1024xf32>
      %iota3A = tpu.iota {dimensions = array<i32: 1>} : vector<32x256xi32>
      %add3A = arith.constant 0 : i32
      %add3A_41 = arith.addi %get3A_0, %add3A : i32
      %eq3A_42 = vector.broadcast %add3A_41 : i32 to vector<32x256xi32>
      %eq3A_43 = arith.cmpi eq, %iota3A, %eq3A_42 : vector<32x256xi32>
      %get3A_44 = arith.constant 0 : index
      %get3A_45 = arith.constant 0 : index
      %get3A_46 = vector.load %arg6[%get3A_44, %get3A_45] : memref<32x256xf32, #tpu.memory_space<vmem>>, vector<32x256xf32>
      %jit3A = arith.constant 0.000000e+00 : f32
      %broadcast_in_dim3A = vector.broadcast %jit3A : f32 to vector<32x256xf32>
      %select_n3A = arith.select %eq3A_43, %get3A_46, %broadcast_in_dim3A : vector<32x256xi1>, vector<32x256xf32>
      %reduce_sum3A = arith.constant dense<0.000000e+00> : vector<32xf32>
      %reduce_sum3A_47 = vector.multi_reduction <add>, %select_n3A, %reduce_sum3A [1] : vector<32x256xf32> to vector<32xf32>
      %broadcast_in_dim3A_48 = vector.shape_cast %reduce_sum3A_47 : vector<32xf32> to vector<32x1xf32>
      %get3A_49 = arith.constant 0 : index
      %get3A_50 = arith.constant 0 : index
      %get3A_51 = vector.load %arg8[%get3A_49, %get3A_50] : memref<32x1024xf32, #tpu.memory_space<vmem>>, vector<32x1024xf32>
      %mul3A_52 = vector.broadcast %broadcast_in_dim3A_48 : vector<32x1xf32> to vector<32x1024xf32>
      %mul3A_53 = arith.mulf %dot_general3A_40, %mul3A_52 : vector<32x1024xf32>
      %add3A_54 = arith.addf %get3A_51, %mul3A_53 : vector<32x1024xf32>
      %swap3A = arith.constant 0 : index
      %swap3A_55 = arith.constant 0 : index
      %swap3A_56 = vector.load %arg8[%swap3A, %swap3A_55] : memref<32x1024xf32, #tpu.memory_space<vmem>>, vector<32x1024xf32>
      tpu.vector_store %arg8[%swap3A, %swap3A_55], %add3A_54 {strides = array<i32>} : memref<32x1024xf32, #tpu.memory_space<vmem>>, vector<32x1024xf32>,
    } else {
    }
    return
  }
  func.func @transform_0(%arg0: i32, %arg1: memref<64xi32, #tpu.memory_space<smem>>) -> (i32, i32) {
    %c0_i32 = arith.constant 0 : i32
    %c0_i32_0 = arith.constant 0 : i32
    %c0_i32_1 = arith.constant 0 : i32
    return %c0_i32, %c0_i32_0 : i32, i32
  }
  func.func @transform_1(%arg0: i32, %arg1: memref<64xi32, #tpu.memory_space<smem>>) -> (i32, i32, i32) {
    %get3A = arith.index_cast %arg0 : i32 to index
    %get3A_0 = memref.load %arg1[%get3A] : memref<64xi32, #tpu.memory_space<smem>>
    %c0_i32 = arith.constant 0 : i32
    %c0_i32_1 = arith.constant 0 : i32
    %c0_i32_2 = arith.constant 0 : i32
    return %get3A_0, %c0_i32, %c0_i32_1 : i32, i32, i32
  }
  func.func @transform_2(%arg0: i32, %arg1: memref<64xi32, #tpu.memory_space<smem>>) -> (i32, i32, i32) {
    %get3A = arith.index_cast %arg0 : i32 to index
    %get3A_0 = memref.load %arg1[%get3A] : memref<64xi32, #tpu.memory_space<smem>>
    %c0_i32 = arith.constant 0 : i32
    %c1_i32 = arith.constant 1 : i32
    %c0_i32_1 = arith.constant 0 : i32
    return %get3A_0, %c0_i32, %c1_i32 : i32, i32, i32
  }
  func.func @transform_3(%arg0: i32, %arg1: memref<64xi32, #tpu.memory_space<smem>>) -> (i32, i32, i32) {
    %get3A = arith.index_cast %arg0 : i32 to index
    %get3A_0 = memref.load %arg1[%get3A] : memref<64xi32, #tpu.memory_space<smem>>
    %c0_i32 = arith.constant 0 : i32
    %c0_i32_1 = arith.constant 0 : i32
    %c0_i32_2 = arith.constant 0 : i32
    return %get3A_0, %c0_i32, %c0_i32_1 : i32, i32, i32
  }
  func.func @transform_4(%arg0: i32, %arg1: memref<64xi32, #tpu.memory_space<smem>>) -> (i32, i32) {
    %c0_i32 = arith.constant 0 : i32
    %c0_i32_0 = arith.constant 0 : i32
    %c0_i32_1 = arith.constant 0 : i32
    return %c0_i32, %c0_i32_0 : i32, i32
  }
  func.func @transform_5(%arg0: i32, %arg1: memref<64xi32, #tpu.memory_space<smem>>) -> (i32, i32) {
    %c0_i32 = arith.constant 0 : i32
    %c0_i32_0 = arith.constant 0 : i32
    %c0_i32_1 = arith.constant 0 : i32
    return %c0_i32, %c0_i32_0 : i32, i32
  }
  func.func @transform_6(%arg0: i32, %arg1: memref<64xi32, #tpu.memory_space<smem>>) -> (i32, i32) {
    %c0_i32 = arith.constant 0 : i32
    %c0_i32_0 = arith.constant 0 : i32
    %c0_i32_1 = arith.constant 0 : i32
    return %c0_i32, %c0_i32_0 : i32, i32
  }
}

module attributes {stable_mosaic.version = 14 : i64} {
  func.func @_expert_body(%arg0: i32, %arg1: memref<64xi32, #tpu.memory_space<smem>>, %arg2: memref<32x1024xf32, #tpu.memory_space<vmem>>, %arg3: memref<1x1024x512xf32, #tpu.memory_space<vmem>>, %arg4: memref<1x1024x512xf32, #tpu.memory_space<vmem>>, %arg5: memref<1x512x1024xf32, #tpu.memory_space<vmem>>, %arg6: memref<32x256xf32, #tpu.memory_space<vmem>>, %arg7: memref<32x1024xf32, #tpu.memory_space<vmem>>, %arg8: memref<32x1024xf32, #tpu.memory_space<vmem>>) attributes {dimension_semantics = [#tpu.dimension_semantics<arbitrary>], iteration_bounds = array<i64: 64>, scalar_prefetch = 1 : i64, scratch_operands = 0 : i64, tpu.core_type = #tpu.core_type<tc>, window_params = [{pipeline_mode = #tpu.pipeline_mode<synchronous>, transform_indices = @transform_0, window_bounds = array<i64: 32, 1024>}, {transform_indices = @transform_1, window_bounds = array<i64: 1, 1024, 512>}, {transform_indices = @transform_2, window_bounds = array<i64: 1, 1024, 512>}, {transform_indices = @transform_3, window_bounds = array<i64: 1, 512, 1024>}, {pipeline_mode = #tpu.pipeline_mode<synchronous>, transform_indices = @transform_4, window_bounds = array<i64: 32, 256>}, {pipeline_mode = #tpu.pipeline_mode<synchronous>, transform_indices = @transform_5, window_bounds = array<i64: 32, 1024>}, {pipeline_mode = #tpu.pipeline_mode<synchronous>, transform_indices = @transform_6, window_bounds = array<i64: 32, 1024>}]} {
    %get3A = arith.index_cast %arg0 : i32 to index
    %get3A_0 = memref.load %arg1[%get3A] : memref<64xi32, #tpu.memory_space<smem>>
    %sub3A = arith.constant 1 : i32
    %sub3A_1 = arith.subi %arg0, %sub3A : i32
    %max3A = arith.constant 0 : i32
    %max3A_2 = arith.maxsi %sub3A_1, %max3A : i32
    %get3A_3 = arith.index_cast %max3A_2 : i32 to index
    %get3A_4 = memref.load %arg1[%get3A_3] : memref<64xi32, #tpu.memory_space<smem>>
    %eq3A = arith.constant 0 : i32
    %eq3A_5 = arith.cmpi eq, %arg0, %eq3A : i32
    %ne3A = arith.cmpi ne, %get3A_0, %get3A_4 : i32
    %or3A = arith.ori %eq3A_5, %ne3A : i1
    %eq3A_6 = arith.constant 0 : i32
    %eq3A_7 = arith.cmpi eq, %arg0, %eq3A_6 : i32
    %convert_element_type3A = arith.extui %eq3A_7 : i1 to i32
    %cond3A = arith.constant 0 : i32
    %cond3A_8 = arith.cmpi ne, %convert_element_type3A, %cond3A : i32
    scf.if %cond3A_8 {
      %get3A_12 = arith.constant 0 : index
      %get3A_13 = arith.constant 0 : index
      %get3A_14 = vector.load %arg7[%get3A_12, %get3A_13] : memref<32x1024xf32, #tpu.memory_space<vmem>>, vector<32x1024xf32>
      %swap3A = arith.constant 0 : index
      %swap3A_15 = arith.constant 0 : index
      %swap3A_16 = vector.load %arg8[%swap3A, %swap3A_15] : memref<32x1024xf32, #tpu.memory_space<vmem>>, vector<32x1024xf32>
      tpu.vector_store %arg8[%swap3A, %swap3A_15], %get3A_14 {strides = array<i32>} : memref<32x1024xf32, #tpu.memory_space<vmem>>, vector<32x1024xf32>,
    } else {
    }
    %convert_element_type3A_9 = arith.extui %or3A : i1 to i32
    %cond3A_10 = arith.constant 0 : i32
    %cond3A_11 = arith.cmpi ne, %convert_element_type3A_9, %cond3A_10 : i32
    scf.if %cond3A_11 {
      %get3A_12 = arith.constant 0 : index
      %get3A_13 = arith.constant 0 : index
      %get3A_14 = vector.load %arg2[%get3A_12, %get3A_13] : memref<32x1024xf32, #tpu.memory_space<vmem>>, vector<32x1024xf32>
      %get3A_15 = arith.constant 0 : index
      %get3A_16 = arith.constant 0 : index
      %get3A_17 = arith.constant 0 : index
      %get3A_18 = vector.load %arg3[%get3A_15, %get3A_16, %get3A_17] : memref<1x1024x512xf32, #tpu.memory_space<vmem>>, vector<1x1024x512xf32>
      %get3A_19 = vector.shape_cast %get3A_18 : vector<1x1024x512xf32> to vector<1024x512xf32>
      %dot_general3A = arith.constant dense<0.000000e+00> : vector<32x512xf32>
      %dot_general3A_20 = tpu.matmul %get3A_14, %get3A_19, %dot_general3A {dimension_numbers = #tpu.dot_dimension_numbers<[1], [0], [0], [1], [0, 0, 1, 1], [], []>, transpose_lhs_hint = false} : vector<32x1024xf32>, vector<1024x512xf32>, vector<32x512xf32> -> vector<32x512xf32>
      %get3A_21 = arith.constant 0 : index
      %get3A_22 = arith.constant 0 : index
      %get3A_23 = arith.constant 0 : index
      %get3A_24 = vector.load %arg4[%get3A_21, %get3A_22, %get3A_23] : memref<1x1024x512xf32, #tpu.memory_space<vmem>>, vector<1x1024x512xf32>
      %get3A_25 = vector.shape_cast %get3A_24 : vector<1x1024x512xf32> to vector<1024x512xf32>
      %dot_general3A_26 = arith.constant dense<0.000000e+00> : vector<32x512xf32>
      %dot_general3A_27 = tpu.matmul %get3A_14, %get3A_25, %dot_general3A_26 {dimension_numbers = #tpu.dot_dimension_numbers<[1], [0], [0], [1], [0, 0, 1, 1], [], []>, transpose_lhs_hint = false} : vector<32x1024xf32>, vector<1024x512xf32>, vector<32x512xf32> -> vector<32x512xf32>
      %logistic3A = arith.negf %dot_general3A_20 : vector<32x512xf32>
      %logistic3A_28 = math.exp %logistic3A : vector<32x512xf32>
      %logistic3A_29 = arith.constant 1.000000e+00 : f32
      %logistic3A_30 = vector.broadcast %logistic3A_29 : f32 to vector<32x512xf32>
      %logistic3A_31 = arith.addf %logistic3A_30, %logistic3A_28 : vector<32x512xf32>
      %logistic3A_32 = arith.divf %logistic3A_30, %logistic3A_31 : vector<32x512xf32>
      %mul3A = arith.mulf %dot_general3A_20, %logistic3A_32 : vector<32x512xf32>
      %mul3A_33 = arith.mulf %mul3A, %dot_general3A_27 : vector<32x512xf32>
      %get3A_34 = arith.constant 0 : index
      %get3A_35 = arith.constant 0 : index
      %get3A_36 = arith.constant 0 : index
      %get3A_37 = vector.load %arg5[%get3A_34, %get3A_35, %get3A_36] : memref<1x512x1024xf32, #tpu.memory_space<vmem>>, vector<1x512x1024xf32>
      %get3A_38 = vector.shape_cast %get3A_37 : vector<1x512x1024xf32> to vector<512x1024xf32>
      %dot_general3A_39 = arith.constant dense<0.000000e+00> : vector<32x1024xf32>
      %dot_general3A_40 = tpu.matmul %mul3A_33, %get3A_38, %dot_general3A_39 {dimension_numbers = #tpu.dot_dimension_numbers<[1], [0], [0], [1], [0, 0, 1, 1], [], []>, transpose_lhs_hint = false} : vector<32x512xf32>, vector<512x1024xf32>, vector<32x1024xf32> -> vector<32x1024xf32>
      %iota3A = tpu.iota {dimensions = array<i32: 1>} : vector<32x256xi32>
      %add3A = arith.constant 128 : i32
      %add3A_41 = arith.addi %get3A_0, %add3A : i32
      %eq3A_42 = vector.broadcast %add3A_41 : i32 to vector<32x256xi32>
      %eq3A_43 = arith.cmpi eq, %iota3A, %eq3A_42 : vector<32x256xi32>
      %get3A_44 = arith.constant 0 : index
      %get3A_45 = arith.constant 0 : index
      %get3A_46 = vector.load %arg6[%get3A_44, %get3A_45] : memref<32x256xf32, #tpu.memory_space<vmem>>, vector<32x256xf32>
      %jit3A = arith.constant 0.000000e+00 : f32
      %broadcast_in_dim3A = vector.broadcast %jit3A : f32 to vector<32x256xf32>
      %select_n3A = arith.select %eq3A_43, %get3A_46, %broadcast_in_dim3A : vector<32x256xi1>, vector<32x256xf32>
      %reduce_sum3A = arith.constant dense<0.000000e+00> : vector<32xf32>
      %reduce_sum3A_47 = vector.multi_reduction <add>, %select_n3A, %reduce_sum3A [1] : vector<32x256xf32> to vector<32xf32>
      %broadcast_in_dim3A_48 = vector.shape_cast %reduce_sum3A_47 : vector<32xf32> to vector<32x1xf32>
      %get3A_49 = arith.constant 0 : index
      %get3A_50 = arith.constant 0 : index
      %get3A_51 = vector.load %arg8[%get3A_49, %get3A_50] : memref<32x1024xf32, #tpu.memory_space<vmem>>, vector<32x1024xf32>
      %mul3A_52 = vector.broadcast %broadcast_in_dim3A_48 : vector<32x1xf32> to vector<32x1024xf32>
      %mul3A_53 = arith.mulf %dot_general3A_40, %mul3A_52 : vector<32x1024xf32>
      %add3A_54 = arith.addf %get3A_51, %mul3A_53 : vector<32x1024xf32>
      %swap3A = arith.constant 0 : index
      %swap3A_55 = arith.constant 0 : index
      %swap3A_56 = vector.load %arg8[%swap3A, %swap3A_55] : memref<32x1024xf32, #tpu.memory_space<vmem>>, vector<32x1024xf32>
      tpu.vector_store %arg8[%swap3A, %swap3A_55], %add3A_54 {strides = array<i32>} : memref<32x1024xf32, #tpu.memory_space<vmem>>, vector<32x1024xf32>,
    } else {
    }
    return
  }
  func.func @transform_0(%arg0: i32, %arg1: memref<64xi32, #tpu.memory_space<smem>>) -> (i32, i32) {
    %c0_i32 = arith.constant 0 : i32
    %c0_i32_0 = arith.constant 0 : i32
    %c0_i32_1 = arith.constant 0 : i32
    return %c0_i32, %c0_i32_0 : i32, i32
  }
  func.func @transform_1(%arg0: i32, %arg1: memref<64xi32, #tpu.memory_space<smem>>) -> (i32, i32, i32) {
    %get3A = arith.index_cast %arg0 : i32 to index
    %get3A_0 = memref.load %arg1[%get3A] : memref<64xi32, #tpu.memory_space<smem>>
    %c0_i32 = arith.constant 0 : i32
    %c0_i32_1 = arith.constant 0 : i32
    %c0_i32_2 = arith.constant 0 : i32
    return %get3A_0, %c0_i32, %c0_i32_1 : i32, i32, i32
  }
  func.func @transform_2(%arg0: i32, %arg1: memref<64xi32, #tpu.memory_space<smem>>) -> (i32, i32, i32) {
    %get3A = arith.index_cast %arg0 : i32 to index
    %get3A_0 = memref.load %arg1[%get3A] : memref<64xi32, #tpu.memory_space<smem>>
    %c0_i32 = arith.constant 0 : i32
    %c1_i32 = arith.constant 1 : i32
    %c0_i32_1 = arith.constant 0 : i32
    return %get3A_0, %c0_i32, %c1_i32 : i32, i32, i32
  }
  func.func @transform_3(%arg0: i32, %arg1: memref<64xi32, #tpu.memory_space<smem>>) -> (i32, i32, i32) {
    %get3A = arith.index_cast %arg0 : i32 to index
    %get3A_0 = memref.load %arg1[%get3A] : memref<64xi32, #tpu.memory_space<smem>>
    %c0_i32 = arith.constant 0 : i32
    %c0_i32_1 = arith.constant 0 : i32
    %c0_i32_2 = arith.constant 0 : i32
    return %get3A_0, %c0_i32, %c0_i32_1 : i32, i32, i32
  }
  func.func @transform_4(%arg0: i32, %arg1: memref<64xi32, #tpu.memory_space<smem>>) -> (i32, i32) {
    %c0_i32 = arith.constant 0 : i32
    %c0_i32_0 = arith.constant 0 : i32
    %c0_i32_1 = arith.constant 0 : i32
    return %c0_i32, %c0_i32_0 : i32, i32
  }
  func.func @transform_5(%arg0: i32, %arg1: memref<64xi32, #tpu.memory_space<smem>>) -> (i32, i32) {
    %c0_i32 = arith.constant 0 : i32
    %c0_i32_0 = arith.constant 0 : i32
    %c0_i32_1 = arith.constant 0 : i32
    return %c0_i32, %c0_i32_0 : i32, i32
  }
  func.func @transform_6(%arg0: i32, %arg1: memref<64xi32, #tpu.memory_space<smem>>) -> (i32, i32) {
    %c0_i32 = arith.constant 0 : i32
    %c0_i32_0 = arith.constant 0 : i32
    %c0_i32_1 = arith.constant 0 : i32
    return %c0_i32, %c0_i32_0 : i32, i32
  }
}

</mosaic_0001>

<sc_bundles>
// kernel: kernel.7.cloned.1.call-start
scs
__scs_entry_jumppad:
0x0: {  	(pc) =	sbr.rel $0x88, $3  }
0x1: {  	(tag) =	ssettag $0x0;
	lr =	simm.s32 $0x1  }
0x2: {  	[smem:$0x3F94] =	sst lr;
	_ =	strace $0xD0000000  }
0x3: {  	_ = 	snop  }
0x4: {  	_ = 	snop  }
0x5: {  	_ = 	snop  }
0x6: {  	_ = 	snop  }
0x7: {  	_ = 	snop  }
__scs_overlays_trampoline_lowered:
0x8: {  	[smem:$0x3FA3] =	sst s0  }
0x9: {  	[smem:$0x3FA4] =	sst s1  }
0xa: {  	[smem:$0x3FA5] =	sst s2  }
0xb: {  	[smem:$0x3FA6] =	sst s3  }
0xc: {  	[smem:$0x3FA7] =	sst s4  }
0xd: {  	[smem:$0x3FA8] =	sst s5  }
0xe: {  	[smem:$0x3FA9] =	sst s6  }
0xf: {  	[smem:$0x3FAA] =	sst s7  }
0x10: {  	[smem:$0x3FAB] =	sst s8  }
0x11: {  	[smem:$0x3FAC] =	sst s9;
	s0 =	simm.s32 @!p0 $0x0  }
0x12: {  	s1 =	sld [smem:$0x3F92];
	s0 =	simm.s32 @p0 $0x1  }
0x13: {  	[smem:$0x3FAD] =	sst s0;
	s0 =	simm.s32 @!p1 $0x0  }
0x14: {  	s2 =	sld [smem:$0x3F91];
	s0 =	simm.s32 @p1 $0x1  }
0x15: {  	[smem:$0x3FAE] =	sst s0;
	s0 =	simm.s32 @!p2 $0x0  }
0x16: {  	s3 =	sld [smem:$0x3FDB];
	s0 =	simm.s32 @p2 $0x1  }
0x17: {  	s4 =	simm.s32 $0x1BF5;
	[smem:$0x3FB0] =	sst s0  }
0x18: {  	s0 =	sld [smem:$0x3F93];
	_ =	swait.ge [sflag:s4], $0x0  }
0x19: {  	s7 =	sld [smem:$0x3F94]  }
0x1a: {  	s8 =	sadd.s32 $0xFFFFE003, lr  }
0x1b: {  	s9 =	sadd.s32 $0xFFFFFEF7, lr;
	s5 =	simm.s32 $0xFFFFFFFF;
	p2 =	slt.u32 s8, $0xFFFFF086  }
0x1c: {  	p1 =	slt.u32 s9, $0xF7A;
	s5 =	simm.s32 @!p2 $0x0  }
0x1d: {  	s5 =	simm.s32 @p1 $0x1;
	p0 =	seq.s32 s7, s2  }
0x1e: {  	s7 =	smul.u32 @!p0 $0xF7A, s2;
	p2 =	seq.s32 @!p0 s5, $0x0  }
0x1f: {  	s9 =	smul.u32 $0xF7A, s1;
	s8 =	simm.s32 @!p0 $0x1BF5;
	p2 =	por !p2, p0  }
0x20: {  	[sflag:s8] =	ssyncset.s32 @!p0 $0xFFFFF086;
	s6 =	sadd.s32 @!p0 s3, s7;
	s7 =	simm.s32 @!p0 $0x108  }
0x21: {  	s3 =	sadd.s32 s3, s9;
	s6 =	sadd.s32 @!p0 $0x88, s6;
	s7 =	simm.s32 @p2 $0x1082  }
0x22: {  	[simem:s7], [sflag:s8] =	dma.local @!p0 [hbm:s6], $0xF7A  }
0x23: {  	s9 =	sor.u32 $0xD0000000, s2;
	s6 =	simm.s32 $0x108;
	_ =	swait.ge @!p0 [sflag:s8], $0x0  }
0x24: {  	s3 =	sadd.s32 $0x88, s3;
	s6 =	simm.s32 @!p1 $0x1082;
	[sflag:s4] =	ssyncset.s32 $0xFFFFF086  }
0x25: {  	[simem:s6], [sflag:s4] =	dma.local [hbm:s3], $0xF7A  }
0x26: {  	[smem:$0x3F94] =	sst s1;
	(tag) =	ssettag s2;
	_ =	strace s9  }
0x27: {  	s1 =	sld [smem:$0x3FA4]  }
0x28: {  	s2 =	sld [smem:$0x3FA5]  }
0x29: {  	s4 =	sld [smem:$0x3FA7]  }
0x2a: {  	p0 =	seq.s32 s5, $0x0;
	s5 =	sld [smem:$0x3FA8]  }
0x2b: {  	s6 =	sld [smem:$0x3FA9]  }
0x2c: {  	s7 =	sld [smem:$0x3FAA]  }
0x2d: {  	s3 =	simm.s32 $0x108;
	s8 =	sld [smem:$0x3FAB]  }
0x2e: {  	s3 =	simm.s32 @!p0 $0x1082;
	s9 =	sld [smem:$0x3FAC]  }
0x2f: {  	lr =	sadd.s32 s0, s3;
	s0 =	sld [smem:$0x3FA3]  }
0x30: {  	s3 =	sld [smem:$0x3FA6]  }
0x31: {  	[smem:$0x3FAF] =	sst s10  }
0x32: {  	s10 =	sld [smem:$0x3FAD];
	_ =	sdelay $0x3  }
0x33: {  	p0 =	seq.s32 s10, $0x1;
	s10 =	sld [smem:$0x3FAF];
	_ =	sdelay $0x3  }
0x34: {  	[smem:$0x3FAF] =	sst s10  }
0x35: {  	s10 =	sld [smem:$0x3FAE];
	_ =	sdelay $0x3  }
0x36: {  	p1 =	seq.s32 s10, $0x1;
	s10 =	sld [smem:$0x3FAF];
	_ =	sdelay $0x3  }
0x37: {  	[smem:$0x3FAF] =	sst s10  }
0x38: {  	s10 =	sld [smem:$0x3FB0]  }
0x39: {  	_ = 	snop;
	(pc) =	sbr.ind lr, $3  }
0x3a: {  	_ = 	snop  }
0x3b: {  	_ = 	snop  }
0x3c: {  	p2 =	seq.s32 s10, $0x1;
	s10 =	sld [smem:$0x3FAF]  }
0x3d: {  	_ =	shalt  }
0x3e: {  	_ =	shalt  }
0x3f: {  	_ =	shalt  }
0x40: {  	_ =	shalt  }
0x41: {  	_ =	shalt  }
0x42: {  	_ =	shalt  }
0x43: {  	_ =	shalt  }
0x44: {  	_ =	shalt  }
0x45: {  	_ =	shalt  }
0x46: {  	_ =	shalt  }
0x47: {  	_ =	shalt  }
0x48: {  	_ =	shalt  }
0x49: {  	_ =	shalt  }
0x4a: {  	_ =	shalt  }
0x4b: {  	_ =	shalt  }
0x4c: {  	_ =	shalt  }
0x4d: {  	_ =	shalt  }
0x4e: {  	_ =	shalt  }
0x4f: {  	_ =	shalt  }
0x50: {  	_ =	shalt  }
0x51: {  	_ =	shalt  }
0x52: {  	_ =	shalt  }
0x53: {  	_ =	shalt  }
0x54: {  	_ =	shalt  }
0x55: {  	_ =	shalt  }
0x56: {  	_ =	shalt  }
0x57: {  	_ =	shalt  }
0x58: {  	_ =	shalt  }
0x59: {  	_ =	shalt  }
0x5a: {  	_ =	shalt  }
0x5b: {  	_ =	shalt  }
0x5c: {  	_ =	shalt  }
0x5d: {  	_ =	shalt  }
0x5e: {  	_ =	shalt  }
0x5f: {  	_ =	shalt  }
0x60: {  	_ =	shalt  }
0x61: {  	_ =	shalt  }
0x62: {  	_ =	shalt  }
0x63: {  	_ =	shalt  }
0x64: {  	_ =	shalt  }
0x65: {  	_ =	shalt  }
0x66: {  	_ =	shalt  }
0x67: {  	_ =	shalt  }
0x68: {  	_ =	shalt  }
0x69: {  	_ =	shalt  }
0x6a: {  	_ =	shalt  }
0x6b: {  	_ =	shalt  }
0x6c: {  	_ =	shalt  }
0x6d: {  	_ =	shalt  }
0x6e: {  	_ =	shalt  }
0x6f: {  	_ =	shalt  }
0x70: {  	_ =	shalt  }
0x71: {  	_ =	shalt  }
0x72: {  	_ =	shalt  }
0x73: {  	_ =	shalt  }
0x74: {  	_ =	shalt  }
0x75: {  	_ =	shalt  }
0x76: {  	_ =	shalt  }
0x77: {  	_ =	shalt  }
0x78: {  	_ =	shalt  }
0x79: {  	_ =	shalt  }
0x7a: {  	_ =	shalt  }
0x7b: {  	_ =	shalt  }
0x7c: {  	_ =	shalt  }
0x7d: {  	_ =	shalt  }
0x7e: {  	_ =	shalt  }
0x7f: {  	_ =	shalt  }
0x80: {  	_ =	shalt  }
0x81: {  	_ =	shalt  }
0x82: {  	_ =	shalt  }
0x83: {  	_ =	shalt  }
0x84: {  	_ =	shalt  }
0x85: {  	_ =	shalt  }
0x86: {  	_ =	shalt  }
0x87: {  	_ =	shalt  }
.Lfunc_end0:
.L_simem_size_0:
called_computation_lowered:
.L_overlay_start_0:
0x88: {  	s2 =	sld [smem:$0x3FD9]  }
0x89: {  	s3 =	sld [smem:$0x3FFE];
	_ =	sdelay $0x1  }
0x8a: {  	s1 =	srdreg.scid  }
0x8b: {  	s0 =	sand.u32 $0x1, s1  }
0x8c: {  	s14 =	sshll.u32 s0, $0xA;
	s2 =	sadd.s32 s3, s2  }
0x8d: {  	s2 =	sadd.s32 s2, s14  }
0x8e: {  	[smem:$0x3FBB] =	sst s2  }
0x8f: {  	_ = 	snop  }
0x90: {  	s2 =	sld [smem:$0x3FD0];
	_ =	sdelay $0x2  }
0x91: {  	s15 =	simm.s32 $0xA;
	s4 =	simm.s32 $0x10  }
0x92: {  	[smem:s4], [sflag:s15] =	dma.local [hbm:s2], $0x1  }
0x93: {  	_ =	swait.eq [sflag:s15], $0x1  }
0x94: {  	[sflag:s15] =	ssyncset.done $0x0  }
0x95: {  	[sflag:s15] =	ssyncadd.s32 $0xFFFFFFFF  }
0x96: {  	s16 =	sld [smem:$0x10];
	(tm) =	ssettm $0x1  }
0x97: {  	s17 =	sld [smem:$0x3FFB];
	_ =	sdelay $0x3  }
0x98: {  	_ =	strace s17  }
0x99: {  	s3 =	sld [smem:$0x3FFC];
	_ =	sdelay $0x3  }
0x9a: {  	_ =	strace s3  }
0x9b: {  	s3 =	sld [smem:$0x3FFD];
	_ =	sdelay $0x3  }
0x9c: {  	_ =	strace s3  }
0x9d: {  	_ =	strace $0x8FFFFFFF  }
0x9e: {  	s18 =	sld [smem:$0x3FDB];
	_ =	sdelay $0x1  }
0x9f: {  	s19 =	simm.s32 $_scs_section_size  }
0xa0: {  	s5 =	simm.s32 $_size__tile_overlayer_lowered;
	s6 =	simm.s32 $_tile_overlayer_lowered  }
0xa1: {  	s22 =	simm.s32 $0x1BFF;
	s21 =	sshll.u32 s6, $0x1;
	s3 =	sadd.s32 s19, s18  }
0xa2: {  	s7 =	simm.s32 $0x0;
	s20 =	sshll.u32 s5, $0x1;
	s5 =	sadd.s32 s21, s3  }
0xa3: {  	[timem:s7], [sflag:s22] =	dma.local [hbm:s5], s20  }
0xa4: {  	_ =	swait.ge [sflag:s22], s20  }
0xa5: {  	s4 =	ssub.s32 $0x0, s20;
	[sflag:s22] =	ssyncset.done $0x0  }
0xa6: {  	[sflag:s22] =	ssyncadd.s32 s4;
	_ =	sdelay $0x1  }
0xa7: {  	s23 =	simm.s32 $0x1B8B  }
0xa8: {  	_ =	swait.ge [sflag:s23], $0x1  }
0xa9: {  	[sflag:s23] =	ssyncset.done $0x0  }
0xaa: {  	s25 =	simm.s32 $0x1B8E;
	s24 =	sld [smem:$0x3FFE];
	[sflag:s23] =	ssyncadd.s32 $0xFFFFFFFF  }
0xab: {  	s26 =	simm.s32 $execute0_lowered;
	[smem:$0x3FD2] =	sst s25  }
0xac: {  	s5 =	sshll.u32 s26, $0x1;
	_ =	strace $0x80000046;
	[dreg:$0x1] =	wrdreg $0xFFFFFFFF  }
0xad: {  	s28 =	simm.s32 $_size_execute0_lowered;
	s3 =	sadd.s32 s3, s5;
	[dreg:$0x0] =	wrdreg $0x0  }
0xae: {  	s5 =	sshll.u32 s28, $0x1;
	[dreg:$0x2] =	wrdreg s3  }
0xaf: {  	[dreg:$0x3] =	wrdreg s5  }
0xb0: {  	[dreg:$0x4] =	wrdreg $0xC0  }
0xb1: {  	_ =	task [dreg:s7], $0x5FFFF  }
0xb2: {  	[dreg:$0x1] =	wrdreg $0xFFFFFFFF  }
0xb3: {  	[dreg:$0x0] =	wrdreg $0x60  }
0xb4: {  	[dreg:$0x2] =	wrdreg s16  }
0xb5: {  	[dreg:$0x3] =	wrdreg s24  }
0xb6: {  	[dreg:$0x4] =	wrdreg $0x6000  }
0xb7: {  	[dreg:$0x5] =	wrdreg $0x9  }
0xb8: {  	_ =	task.clear_ibuf [dreg:s7], $0x6FFFF;
	_ =	strace $0x90000046  }
0xb9: {  	s29 =	simm.s32 $0x9;
	_ =	strace $0x80000048  }
0xba: {  	_ =	swait.ge [sflag:s29], $0x1  }
0xbb: {  	[sflag:s29] =	ssyncadd.s32 $0xFFFFFFFF  }
0xbc: {  	_ =	strace $0x90000048  }
0xbd: {  	_ =	sfence  }
0xbe: {  	s30 =	sld [smem:$0x0];
	_ =	sdelay $0x2  }
0xbf: {  	s31 =	sshll.u32 s1, $0xD;
	s1 =	sshrl.u32 s1, $0x2  }
0xc0: {  	s3 =	sand.u32 $0x4000, s31;
	s1 =	sadd.s32 s1, s30  }
0xc1: {  	s0 =	sor.u32 s3, s0;
	s1 =	sshll.u32 s1, $0x11  }
0xc2: {  	s0 =	sor.u32 s1, s0  }
0xc3: {  	s0 =	sadd.s32 $0x8F2B, s0  }
0xc4: {  	[sflag:s0] =	ssyncadd.remote.s32 $0x1  }
0xc5: {  	_ =	sfence.sel $0xFFFF  }
0xc6: {  	[dreg:$0x0] =	wrdreg $0xFFFFFFFF;
	(pc) =	sbr.abs _section_cstart, $3  }
0xc7: {  	[dreg:$0x1] =	wrdreg $0xFFFFFFFF  }
0xc8: {  	_ =	task.clear_ibuf [dreg:s7], $0x2FFFF;
	_ =	strace $0x9FFFFFFF  }
0xc9: {  	(tm) =	ssettm $0x7FFFFFFF  }
tec
execute0_lowered:
.L_overlay_start_1:
0x0: {  	(tag) =	ssettag $0x1  }
0x1: {  	s0 =	rddreg [dreg:$0x0]  }
0x2: {  	s6 =	rddreg [dreg:$0x1]  }
0x3: {  	s1 =	rddreg [dreg:$0x2];
	s2 =	simm.s32 $0x0;
	s3 =	stileid.u32  }
0x4: {  	s5 =	srdreg.scid;
	s16 =	simm.s32 $0x400;
	s18 =	simm.s32 $0x200  }
0x5: {  	s19 =	simm.s32 $0x300;
	s20 =	simm.s32 $0x700;
	s21 =	simm.s32 $0x1700  }
0x6: {  	[smem:$0x7FF] =	sst s2;
	s4 =	sadd.s32 $0x2000, s6;
	s10 =	sadd.s32 $0x2200, s6  }
0x7: {  	s7 =	sshll.u32 s3, $0x8;
	s8 =	sshll.u32 s3, $0x7;
	s13 =	sand.u32 $0x1, s5  }
0x8: {  	s5 =	sadd.s32 $0x2600, s6;
	s6 =	sadd.s32 $0x2800, s6;
	p1 =	seq.s32 s3, $0x1  }
0x9: {  	_ =	strace $0x80000047;
	s7 =	sand.u32 $0x800, s7;
	s8 =	sand.u32 $0x380, s8  }
0xa: {  	s9 =	ssub.s32 $0x2, s13;
	p0 =	seq.s32 s13, $0x0;
	s31 =	sor.u32 s3, s13  }
0xb: {  	s11 =	sor.u32 s8, s7;
	s30 =	sshrl.u32 s9, $0x1;
	p0 =	por !p0, !p1  }
.Ltmp0:
0xc: {  	v0 =	vlaneseq.u32;
	p1 =	sne.s32 s13, $0x0;
	p2 =	sne.s32 s31, $0x0;
	(pc) =	sbr.rel .LBB2_1-.Ltmp0, $4  }
0xd: {  	v3 =	vimm.f32 $0.0e+00;
	v1 =	vmov s3;
	v2 =	vor.u32 $0x80000010, v0;
	s12 =	sshrl.u32 s11, $0x3;
	s14 =	ssub.s32 s9, s30;
	s11 =	sadd.s32 s11, s1  }
0xe: {  	v4 =	vor.u32 $0x80000020, v0;
	vm0 =	veq.s32 v1, v0;
	v1 =	vimm.s32 $0x0;
	p0 =	por !p0, !p0;
	s15 =	sor.u32 $0x200, s12;
	s7 =	sadd.s32 s0, s12  }
0xf: {  	v5 =	vor.u32 $0x80000030, v0;
	v6 =	vor.u32 $0x10, v0;
	v1 =	vsel vm0, $0xFFFFFFFF, v1;
	s9 =	sadd.s32 s10, s12;
	s12 =	smax.u32 s14, $0x1;
	s14 =	simm.s32 $0x1  }
0x10: {  	v7 =	vor.u32 $0x20, v0;
	v8 =	vor.u32 $0x30, v0;
	[tilespmem:$0x1FFF0] =	vst v1;
	v1 =	vor.u32 $0x80000000, v0;
	s8 =	sadd.s32 s0, s15;
	s10 =	sadd.s32 s10, s15;
	s15 =	simm.s32 $0x80  }
.LBB2_7:
0x11: {  	s12 =	sadd.s32 $0xFFFFFFFF, s12  }
0x12: {  	p3 =	sne.s32 s12, $0x0  }
.Ltmp1:
0x13: {  	_ = 	snop;
	(pc) =	sbr.rel @!p3 .LBB2_8-.Ltmp1, $1  }
0x14: {  	_ =	sdelay $0x3  }
.LBB2_1:
.Ltmp2:
0x15: {  	(pc) =	sbr.rel @p1 .LBB2_3-.Ltmp2, $1  }
0x16: {  	_ =	sdelay $0x3  }
0x17: {  	s0 =	simm.s32 $0x500  }
0x18: {  	[tilespmem:s0], [sflag:$0x1] =	stream.linear.gather [hbm4b:s4+s2], $0x100, $0x38;
	[tilespmem:$0x1780] =	vst v63  }
0x19: {  	_ =	swait.ge [sflag:s14], $0x100  }
0x1a: {  	[sflag:s14] =	ssyncset.done $0x0  }
0x1b: {  	[sflag:s14] =	ssyncadd.s32 $0xFFFFFF00  }
0x1c: {  	[tilespmem:s2], [sflag:$0x1] =	stream.strided.gather [hbm4b:s7+s15], $0x100, s16, s15, $0x38;
	[tilespmem:$0x1780] =	vst v63  }
0x1d: {  	_ =	swait.ge [sflag:s14], $0x100  }
0x1e: {  	[sflag:s14] =	ssyncset.done $0x0  }
0x1f: {  	s23 =	simm.s32 $0x100;
	[sflag:s14] =	ssyncadd.s32 $0xFFFFFF00  }
0x20: {  	[tilespmem:s23], [sflag:$0x1] =	stream.strided.gather [hbm4b:s8+s15], $0x100, s16, s15, $0x38;
	[tilespmem:$0x1780] =	vst v63  }
0x21: {  	_ =	swait.ge [sflag:s14], $0x100  }
0x22: {  	[sflag:s14] =	ssyncset.done $0x0  }
0x23: {  	v10 =	vld [tilespmem:$0x1FFF0];
	[sflag:s14] =	ssyncadd.s32 $0xFFFFFF00  }
0x24: {  	v9 =	vld [tilespmem:$0x500];
	_ =	sdelay $0x3  }
0x25: {  	vm9 =	vnez.u8 v10  }
0x26: {  	v9 =	vnsel vm9, $0x0, v9  }
0x27: {  	(xrf2) =	vadd.scan.msk.f32 $0xffff, v9;
	_ =	sdelay $0x9  }
0x28: {  	v9, _, _ =	vpop (xrf2)  }
0x29: {  	(v2sf) =	vpush v9, $0xF;
	_ =	sdelay $0xb  }
0x2a: {  	v11 =	vld [tilespmem:$0x10]  }
0x2b: {  	v12 =	vld [tilespmem:$0x90]  }
0x2c: {  	v13 =	vld [tilespmem:$0x20]  }
0x2d: {  	v10 =	vld [tilespmem:$0x80];
	s24 =	spop (v2sf)  }
0x2e: {  	v9 =	vld [tilespmem:$0x0];
	p3 =	seq.f32 s24, $0.0e+00  }
0x2f: {  	s23 =	simm.f32 $1.000000000e+00;
	v14 =	vld [tilespmem:$0xA0]  }
0x30: {  	v15 =	vld [tilespmem:$0x30];
	s23 =	simm.s32 @!p3 $0x0  }
0x31: {  	v16 =	vld [tilespmem:$0xB0];
	s22 =	ssub.f32 $1.000000000e+00, s23;
	_ =	sdelay $0x1  }
0x32: {  	v9 =	vmul.f32 s23, v9;
	v10 =	vmul.f32 s22, v10  }
0x33: {  	v11 =	vmul.f32 s23, v11;
	v12 =	vmul.f32 s22, v12  }
0x34: {  	v41 =	vmul.f32 s22, v14;
	v9 =	vadd.f32 v10, v9;
	v10 =	vmul.f32 s23, v13  }
0x35: {  	v42 =	vmul.f32 s23, v15;
	v43 =	vmul.f32 s22, v16;
	v11 =	vadd.f32 v12, v11  }
0x36: {  	v10 =	vadd.f32 v41, v10;
	(xrf0) =	vmax.scan.msk.f32 $0xffff, v9  }
0x37: {  	v12 =	vadd.f32 v43, v42;
	(xrf0) =	vmax.scan.msk.f32 $0xffff, v11  }
0x38: {  	(xrf0) =	vmax.scan.msk.f32 $0xffff, v10  }
0x39: {  	(xrf0) =	vmax.scan.msk.f32 $0xffff, v12;
	_ =	sdelay $0x2  }
0x3a: {  	v44, _, _ =	vpop (xrf0)  }
0x3b: {  	(v2sf) =	vpush v44, $0xF;
	v45, _, _ =	vpop (xrf0)  }
0x3c: {  	(v2sf) =	vpush v45, $0xF;
	v46, _, _ =	vpop (xrf0)  }
0x3d: {  	(v2sf) =	vpush v46, $0xF;
	v47, _, _ =	vpop (xrf0)  }
0x3e: {  	(v2sf) =	vpush v47, $0xF;
	_ =	sdelay $0xb  }
0x3f: {  	s25 =	spop (v2sf)  }
0x40: {  	s24 =	spop (v2sf)  }
0x41: {  	s0 =	smax.f32 s25, s24;
	s26 =	spop (v2sf)  }
0x42: {  	s0 =	smax.f32 s0, s26;
	s28 =	spop (v2sf)  }
0x43: {  	s0 =	smax.f32 s0, s28  }
0x44: {  	v48 =	vmov s0  }
0x45: {  	v9 =	vsub.f32 v9, v48  }
0x46: {  	v11 =	vsub.f32 v11, v48  }
0x47: {  	v9 =	vmul.f32 $1.442695020e+00, v9  }
0x48: {  	v10 =	vsub.f32 v10, v48;
	v11 =	vmul.f32 $1.442695020e+00, v11  }
0x49: {  	(erf) = vpow2.f32 v9  }
0x4a: {  	v9 =	vmul.f32 $1.442695020e+00, v10;
	v10 =	vsub.f32 v12, v48;
	(erf) = vpow2.f32 v11;
	_ =	sdelay $0x1  }
0x4b: {  	(erf) = vpow2.f32 v9;
	v9 =	vmul.f32 $1.442695020e+00, v10;
	_ =	sdelay $0x1  }
0x4c: {  	(erf) = vpow2.f32 v9;
	_ =	sdelay $0x3  }
0x4d: {  	v9 =	vpop (erf)  }
0x4e: {  	v10 =	vpop (erf);
	(xrf2) =	vadd.scan.msk.f32 $0xffff, v9  }
0x4f: {  	(xrf2) =	vadd.scan.msk.f32 $0xffff, v10  }
0x50: {  	v49 =	vpop (erf)  }
0x51: {  	(xrf2) =	vadd.scan.msk.f32 $0xffff, v49  }
0x52: {  	v50 =	vpop (erf)  }
0x53: {  	(xrf2) =	vadd.scan.msk.f32 $0xffff, v50;
	_ =	sdelay $0x4  }
0x54: {  	v11, _, _ =	vpop (xrf2)  }
0x55: {  	(v2sf) =	vpush v11, $0xF;
	v11, _, _ =	vpop (xrf2)  }
0x56: {  	(v2sf) =	vpush v11, $0xF  }
0x57: {  	v11, _, _ =	vpop (xrf2)  }
0x58: {  	(v2sf) =	vpush v11, $0xF  }
0x59: {  	v11, _, _ =	vpop (xrf2)  }
0x5a: {  	(v2sf) =	vpush v11, $0xF;
	_ =	sdelay $0x9  }
0x5b: {  	s29 =	spop (v2sf)  }
0x5c: {  	s30 =	spop (v2sf)  }
0x5d: {  	s0 =	sadd.f32 s30, s29  }
0x5e: {  	s31 =	spop (v2sf)  }
0x5f: {  	s0 =	sadd.f32 s0, s31  }
0x60: {  	s3 =	spop (v2sf)  }
0x61: {  	s0 =	sadd.f32 s0, s3;
	_ =	sdelay $0x1  }
0x62: {  	v11 =	vmov s0  }
0x63: {  	v11 =	vadd.f32 $0.0e+00, v11;
	_ =	sdelay $0x1  }
0x64: {  	v11 =	vbroadcast v11, $0x0  }
0x65: {  	v51 =	vld [tilespmem:$0x520]  }
0x66: {  	v52 =	vld [tilespmem:$0x580];
	(erf) = vrcp.f32 v11  }
0x67: {  	v17 =	vld [tilespmem:$0x540]  }
0x68: {  	v19 =	vld [tilespmem:$0x550]  }
0x69: {  	v53 =	vld [tilespmem:$0x590]  }
0x6a: {  	v11 =	vld [tilespmem:$0x530]  }
0x6b: {  	v18 =	vld [tilespmem:$0x5A0]  }
0x6c: {  	v20 =	vld [tilespmem:$0x5B0]  }
0x6d: {  	v17 =	vmul.f32 s23, v17;
	v19 =	vmul.f32 s23, v19  }
0x6e: {  	v15 =	vmul.f32 s22, v52;
	v12 =	vmul.f32 s23, v51  }
0x6f: {  	v16 =	vmul.f32 s22, v53;
	v21 =	vmul.f32 s23, v11;
	v22 =	vpop (erf)  }
0x70: {  	v18 =	vmul.f32 s22, v18;
	v15 =	vadd.f32 v15, v12;
	v11 =	vmul.f32 v22, v9  }
0x71: {  	v20 =	vmul.f32 s22, v20;
	v16 =	vadd.f32 v16, v21;
	v54 =	vmul.f32 v22, v10  }
0x72: {  	v17 =	vadd.f32 v18, v17;
	v9 =	vmul.f32 v22, v49;
	v55 =	vadd.f32 v11, v15  }
0x73: {  	v56 =	vadd.f32 v20, v19;
	v10 =	vmul.f32 v22, v50;
	v57 =	vadd.f32 v54, v16  }
0x74: {  	v58 =	vadd.f32 v9, v17;
	(xrf0) =	vmax.scan.msk.f32 $0xffff, v55  }
0x75: {  	v15 =	vadd.f32 v10, v56;
	(xrf0) =	vmax.scan.msk.f32 $0xffff, v57  }
0x76: {  	(xrf0) =	vmax.scan.msk.f32 $0xffff, v58  }
0x77: {  	(xrf0) =	vmax.scan.msk.f32 $0xffff, v15;
	_ =	sdelay $0x2  }
0x78: {  	v59, _, _ =	vpop (xrf0)  }
0x79: {  	(v2sf) =	vpush v59, $0xF;
	v60, _, _ =	vpop (xrf0)  }
0x7a: {  	(v2sf) =	vpush v60, $0xF;
	v61, _, _ =	vpop (xrf0)  }
0x7b: {  	(v2sf) =	vpush v61, $0xF;
	v62, _, _ =	vpop (xrf0)  }
0x7c: {  	(v2sf) =	vpush v62, $0xF;
	_ =	sdelay $0xb  }
0x7d: {  	s13 =	spop (v2sf)  }
0x7e: {  	s17 =	spop (v2sf)  }
0x7f: {  	s0 =	smax.f32 s13, s17;
	s25 =	spop (v2sf)  }
0x80: {  	s0 =	smax.f32 s0, s25;
	s26 =	spop (v2sf)  }
0x81: {  	s0 =	smax.f32 s0, s26  }
0x82: {  	vm0 =	veq.f32 v55, s0  }
0x83: {  	vm15 =	veq.f32 v57, s0;
	v63 =	vnsel vm0, $0x80100000, v1  }
0x84: {  	v20 =	vnsel vm15, $0x80100000, v2;
	(xrf0) =	vmin.scan.msk.u32 $0xffff, v63  }
0x85: {  	vm4 =	veq.f32 v58, s0;
	(xrf0) =	vmin.scan.msk.u32 $0xffff, v20  }
0x86: {  	v21 =	vnsel vm4, $0x80100000, v4  }
0x87: {  	vm5 =	veq.f32 v15, s0;
	(xrf0) =	vmin.scan.msk.u32 $0xffff, v21  }
0x88: {  	v22 =	vnsel vm5, $0x80100000, v5  }
0x89: {  	(xrf0) =	vmin.scan.msk.u32 $0xffff, v22  }
0x8a: {  	v23, _, _ =	vpop (xrf0)  }
0x8b: {  	(v2sf) =	vpush v23, $0xF;
	v24, _, _ =	vpop (xrf0)  }
0x8c: {  	(v2sf) =	vpush v24, $0xF  }
0x8d: {  	v25, _, _ =	vpop (xrf0)  }
0x8e: {  	(v2sf) =	vpush v25, $0xF  }
0x8f: {  	v26, _, _ =	vpop (xrf0)  }
0x90: {  	(v2sf) =	vpush v26, $0xF;
	_ =	sdelay $0x9  }
0x91: {  	s28 =	spop (v2sf)  }
0x92: {  	s29 =	spop (v2sf)  }
0x93: {  	s0 =	sxor.u32 $0x80000000, s28;
	s24 =	sxor.u32 $0x80000000, s29  }
0x94: {  	s25 =	spop (v2sf);
	p3 =	slt.s32 s0, s24  }
0x95: {  	s24 =	smov.u32 @p3 s0;
	s0 =	sxor.u32 $0x80000000, s25  }
0x96: {  	s30 =	spop (v2sf);
	p3 =	slt.s32 s24, s0  }
0x97: {  	s0 =	smov.u32 @p3 s24;
	s24 =	sxor.u32 $0x80000000, s30  }
0x98: {  	p3 =	slt.s32 s0, s24  }
0x99: {  	s24 =	smov.u32 @p3 s0  }
0x9a: {  	p3 =	slt.s32 s24, $0x100000  }
0x9b: {  	s24 =	simm.s32 @!p3 $0x100000  }
0x9c: {  	v27 =	vmov s24  }
0x9d: {  	vm4 =	veq.s32 v27, v0  }
0x9e: {  	vm3 =	veq.s32 v27, v6;
	v28 =	vnsel vm4, $0x0, v11  }
0x9f: {  	vm2 =	veq.s32 v27, v7;
	v29 =	vnsel vm3, $0x0, v54;
	(xrf2) =	vadd.scan.msk.f32 $0xffff, v28  }
0xa0: {  	vm1 =	veq.s32 v27, v8;
	v30 =	vnsel vm2, $0x0, v9;
	(xrf2) =	vadd.scan.msk.f32 $0xffff, v29  }
0xa1: {  	v17 =	vnsel vm1, $0x0, v10;
	(xrf2) =	vadd.scan.msk.f32 $0xffff, v30  }
0xa2: {  	(xrf2) =	vadd.scan.msk.f32 $0xffff, v17;
	_ =	sdelay $0x3  }
0xa3: {  	v13 =	vsel vm4, $0xF149F2CA, v55  }
0xa4: {  	v14 =	vsel vm3, $0xF149F2CA, v57;
	(xrf0) =	vmax.scan.msk.f32 $0xffff, v13  }
0xa5: {  	v16 =	vsel vm2, $0xF149F2CA, v58;
	(xrf0) =	vmax.scan.msk.f32 $0xffff, v14  }
0xa6: {  	v15 =	vsel vm1, $0xF149F2CA, v15;
	(xrf0) =	vmax.scan.msk.f32 $0xffff, v16;
	v31, _, _ =	vpop (xrf2)  }
0xa7: {  	(xrf0) =	vmax.scan.msk.f32 $0xffff, v15;
	(v2sf) =	vpush v31, $0xF;
	v32, _, _ =	vpop (xrf2)  }
0xa8: {  	(v2sf) =	vpush v32, $0xF;
	v33, _, _ =	vpop (xrf2)  }
0xa9: {  	(v2sf) =	vpush v33, $0xF;
	v34, _, _ =	vpop (xrf2)  }
0xaa: {  	v35, _, _ =	vpop (xrf0);
	(v2sf) =	vpush v34, $0xF  }
0xab: {  	v36, _, _ =	vpop (xrf0);
	(v2sf) =	vpush v35, $0xF  }
0xac: {  	v37, _, _ =	vpop (xrf0);
	(v2sf) =	vpush v36, $0xF  }
0xad: {  	v38, _, _ =	vpop (xrf0);
	(v2sf) =	vpush v37, $0xF  }
0xae: {  	(v2sf) =	vpush v38, $0xF;
	_ =	sdelay $0x7  }
0xaf: {  	s30 =	spop (v2sf)  }
0xb0: {  	s29 =	spop (v2sf)  }
0xb1: {  	s28 =	spop (v2sf)  }
0xb2: {  	s26 =	spop (v2sf)  }
0xb3: {  	s31 =	spop (v2sf)  }
0xb4: {  	s3 =	spop (v2sf)  }
0xb5: {  	s0 =	smax.f32 s31, s3;
	s13 =	spop (v2sf)  }
0xb6: {  	s0 =	smax.f32 s0, s13;
	s17 =	spop (v2sf)  }
0xb7: {  	s0 =	smax.f32 s0, s17  }
0xb8: {  	vm6 =	veq.f32 v13, s0  }
0xb9: {  	vm7 =	veq.f32 v14, s0;
	v13 =	vnsel vm6, $0x80100000, v1  }
0xba: {  	v39 =	vnsel vm7, $0x80100000, v2;
	(xrf0) =	vmin.scan.msk.u32 $0xffff, v13  }
0xbb: {  	vm8 =	veq.f32 v16, s0;
	(xrf0) =	vmin.scan.msk.u32 $0xffff, v39  }
0xbc: {  	v40 =	vnsel vm8, $0x80100000, v4  }
0xbd: {  	vm10 =	veq.f32 v15, s0;
	(xrf0) =	vmin.scan.msk.u32 $0xffff, v40  }
0xbe: {  	v41 =	vnsel vm10, $0x80100000, v5  }
0xbf: {  	(xrf0) =	vmin.scan.msk.u32 $0xffff, v41  }
0xc0: {  	v42, _, _ =	vpop (xrf0)  }
0xc1: {  	(v2sf) =	vpush v42, $0xF;
	v43, _, _ =	vpop (xrf0)  }
0xc2: {  	(v2sf) =	vpush v43, $0xF  }
0xc3: {  	v44, _, _ =	vpop (xrf0)  }
0xc4: {  	(v2sf) =	vpush v44, $0xF  }
0xc5: {  	v45, _, _ =	vpop (xrf0)  }
0xc6: {  	(v2sf) =	vpush v45, $0xF;
	_ =	sdelay $0x9  }
0xc7: {  	s25 =	spop (v2sf)  }
0xc8: {  	s31 =	spop (v2sf)  }
0xc9: {  	s0 =	sxor.u32 $0x80000000, s25;
	s24 =	sxor.u32 $0x80000000, s31  }
0xca: {  	s3 =	spop (v2sf);
	p3 =	slt.s32 s0, s24  }
0xcb: {  	s24 =	smov.u32 @p3 s0;
	s0 =	sxor.u32 $0x80000000, s3  }
0xcc: {  	s13 =	spop (v2sf);
	p3 =	slt.s32 s24, s0  }
0xcd: {  	s0 =	smov.u32 @p3 s24;
	s24 =	sxor.u32 $0x80000000, s13  }
0xce: {  	p3 =	slt.s32 s0, s24  }
0xcf: {  	s24 =	smov.u32 @p3 s0  }
0xd0: {  	p3 =	slt.s32 s24, $0x100000  }
0xd1: {  	s24 =	simm.s32 @!p3 $0x100000  }
0xd2: {  	v46 =	vmov s24  }
0xd3: {  	v47 =	vld [tilespmem:$0x510];
	vm8 =	veq.s32 v46, v0  }
0xd4: {  	vm7 =	veq.s32 v46, v6;
	v11 =	vnsel vm8, $0x0, v11  }
0xd5: {  	vm6 =	veq.s32 v46, v7;
	(xrf2) =	vadd.scan.msk.f32 $0xffff, v11;
	v11 =	vnsel vm7, $0x0, v54  }
0xd6: {  	vm5 =	veq.s32 v46, v8;
	v9 =	vnsel vm6, $0x0, v9;
	(xrf2) =	vadd.scan.msk.f32 $0xffff, v11  }
0xd7: {  	(xrf2) =	vadd.scan.msk.f32 $0xffff, v9;
	v9 =	vnsel vm5, $0x0, v10  }
0xd8: {  	(xrf2) =	vadd.scan.msk.f32 $0xffff, v9;
	v9 =	vnsel vm9, $0x0, v47  }
0xd9: {  	(xrf2) =	vadd.scan.msk.f32 $0xffff, v9;
	_ =	sdelay $0x5  }
0xda: {  	v9, _, _ =	vpop (xrf2)  }
0xdb: {  	(v2sf) =	vpush v9, $0xF;
	v9, _, _ =	vpop (xrf2)  }
0xdc: {  	(v2sf) =	vpush v9, $0xF;
	v9, _, _ =	vpop (xrf2)  }
0xdd: {  	(v2sf) =	vpush v9, $0xF;
	v9, _, _ =	vpop (xrf2)  }
0xde: {  	(v2sf) =	vpush v9, $0xF;
	v9, _, _ =	vpop (xrf2)  }
0xdf: {  	(v2sf) =	vpush v9, $0xF;
	_ =	sdelay $0xa  }
0xe0: {  	s17 =	spop (v2sf)  }
0xe1: {  	v52 =	vld [tilespmem:$0x1B0];
	s31 =	spop (v2sf)  }
0xe2: {  	v48 =	vld [tilespmem:$0x190];
	s3 =	spop (v2sf)  }
0xe3: {  	v49 =	vld [tilespmem:$0x120];
	s13 =	spop (v2sf)  }
0xe4: {  	v10 =	vld [tilespmem:$0x180];
	s25 =	spop (v2sf)  }
0xe5: {  	v9 =	vld [tilespmem:$0x100];
	p3 =	seq.f32 s25, $0.0e+00  }
0xe6: {  	s24 =	simm.f32 $1.000000000e+00;
	v11 =	vld [tilespmem:$0x110]  }
0xe7: {  	v50 =	vld [tilespmem:$0x1A0];
	s24 =	simm.s32 @!p3 $0x0  }
0xe8: {  	v51 =	vld [tilespmem:$0x130];
	s25 =	ssub.f32 $1.000000000e+00, s24;
	_ =	sdelay $0x1  }
0xe9: {  	v9 =	vmul.f32 s24, v9;
	v10 =	vmul.f32 s25, v10  }
0xea: {  	v11 =	vmul.f32 s24, v11;
	v12 =	vmul.f32 s25, v48  }
0xeb: {  	v53 =	vmul.f32 s25, v50;
	v9 =	vadd.f32 v10, v9;
	v10 =	vmul.f32 s24, v49  }
0xec: {  	v54 =	vmul.f32 s24, v51;
	v55 =	vmul.f32 s25, v52;
	v11 =	vadd.f32 v12, v11  }
0xed: {  	v10 =	vadd.f32 v53, v10;
	(xrf0) =	vmax.scan.msk.f32 $0xffff, v9  }
0xee: {  	v12 =	vadd.f32 v55, v54;
	(xrf0) =	vmax.scan.msk.f32 $0xffff, v11  }
0xef: {  	(xrf0) =	vmax.scan.msk.f32 $0xffff, v10  }
0xf0: {  	(xrf0) =	vmax.scan.msk.f32 $0xffff, v12;
	_ =	sdelay $0x2  }
0xf1: {  	v56, _, _ =	vpop (xrf0)  }
0xf2: {  	(v2sf) =	vpush v56, $0xF;
	v57, _, _ =	vpop (xrf0)  }
0xf3: {  	(v2sf) =	vpush v57, $0xF;
	v58, _, _ =	vpop (xrf0)  }
0xf4: {  	(v2sf) =	vpush v58, $0xF;
	v59, _, _ =	vpop (xrf0)  }
0xf5: {  	(v2sf) =	vpush v59, $0xF;
	_ =	sdelay $0x3  }
0xf6: {  	s30 =	sadd.f32 $0.0e+00, s30  }
0xf7: {  	s0 =	sadd.f32 $0.0e+00, s17  }
0xf8: {  	s29 =	sadd.f32 s30, s29  }
0xf9: {  	s0 =	sadd.f32 s0, s31  }
0xfa: {  	s28 =	sadd.f32 s29, s28  }
0xfb: {  	s0 =	sadd.f32 s0, s3  }
0xfc: {  	s26 =	sadd.f32 s28, s26  }
0xfd: {  	s28 =	sadd.f32 s0, s13  }
0xfe: {  	s29 =	spop (v2sf)  }
0xff: {  	s30 =	sadd.f32 s28, s26;
	s31 =	spop (v2sf)  }
0x100: {  	s0 =	smax.f32 s29, s31;
	s17 =	spop (v2sf)  }
0x101: {  	s0 =	smax.f32 s0, s17;
	s29 =	spop (v2sf)  }
0x102: {  	s0 =	smax.f32 s0, s29  }
0x103: {  	v60 =	vmov s30;
	v61 =	vmov s0  }
0x104: {  	v13 =	vmax.f32 v60, $9.999999960e-13;
	v9 =	vsub.f32 v9, v61  }
0x105: {  	v13 =	vbroadcast v13, $0x0;
	v11 =	vsub.f32 v11, v61  }
0x106: {  	v9 =	vmul.f32 $1.442695020e+00, v9  }
0x107: {  	(erf) = vrcp.f32 v13;
	v10 =	vsub.f32 v10, v61;
	v11 =	vmul.f32 $1.442695020e+00, v11  }
0x108: {  	(erf) = vpow2.f32 v9  }
0x109: {  	v9 =	vmul.f32 $1.442695020e+00, v10;
	v10 =	vsub.f32 v12, v61;
	(erf) = vpow2.f32 v11;
	_ =	sdelay $0x1  }
0x10a: {  	(erf) = vpow2.f32 v9;
	v9 =	vmul.f32 $1.442695020e+00, v10;
	_ =	sdelay $0x1  }
0x10b: {  	(erf) = vpow2.f32 v9;
	_ =	sdelay $0x2  }
0x10c: {  	v9 =	vpop (erf)  }
0x10d: {  	v10 =	vpop (erf)  }
0x10e: {  	v11 =	vpop (erf);
	(xrf2) =	vadd.scan.msk.f32 $0xffff, v10  }
0x10f: {  	(xrf2) =	vadd.scan.msk.f32 $0xffff, v11  }
0x110: {  	v62 =	vpop (erf)  }
0x111: {  	(xrf2) =	vadd.scan.msk.f32 $0xffff, v62  }
0x112: {  	v63 =	vpop (erf)  }
0x113: {  	(xrf2) =	vadd.scan.msk.f32 $0xffff, v63;
	_ =	sdelay $0x4  }
0x114: {  	v22, _, _ =	vpop (xrf2)  }
0x115: {  	(v2sf) =	vpush v22, $0xF;
	v23, _, _ =	vpop (xrf2)  }
0x116: {  	(v2sf) =	vpush v23, $0xF  }
0x117: {  	v24, _, _ =	vpop (xrf2)  }
0x118: {  	(v2sf) =	vpush v24, $0xF  }
0x119: {  	v25, _, _ =	vpop (xrf2)  }
0x11a: {  	(v2sf) =	vpush v25, $0xF;
	_ =	sdelay $0x9  }
0x11b: {  	s30 =	spop (v2sf)  }
0x11c: {  	s31 =	spop (v2sf)  }
0x11d: {  	s0 =	sadd.f32 s31, s30  }
0x11e: {  	s13 =	spop (v2sf)  }
0x11f: {  	s0 =	sadd.f32 s0, s13  }
0x120: {  	s17 =	spop (v2sf)  }
0x121: {  	s0 =	sadd.f32 s0, s17;
	_ =	sdelay $0x1  }
0x122: {  	v26 =	vmov s0  }
0x123: {  	v12 =	vadd.f32 $0.0e+00, v26;
	_ =	sdelay $0x1  }
0x124: {  	v12 =	vbroadcast v12, $0x0  }
0x125: {  	v27 =	vld [tilespmem:$0x520]  }
0x126: {  	v28 =	vld [tilespmem:$0x580];
	(erf) = vrcp.f32 v12  }
0x127: {  	v29 =	vld [tilespmem:$0x530]  }
0x128: {  	v31 =	vld [tilespmem:$0x540]  }
0x129: {  	v30 =	vld [tilespmem:$0x590]  }
0x12a: {  	v33 =	vld [tilespmem:$0x550]  }
0x12b: {  	v32 =	vld [tilespmem:$0x5A0]  }
0x12c: {  	v34 =	vld [tilespmem:$0x5B0]  }
0x12d: {  	v35 =	vmul.f32 s24, v29;
	v18 =	vmul.f32 s24, v31  }
0x12e: {  	v16 =	vmul.f32 s25, v28;
	v13 =	vmul.f32 s24, v27  }
0x12f: {  	v20 =	vmul.f32 s24, v33;
	v17 =	vmul.f32 s25, v30;
	v23 =	vpop (erf)  }
0x130: {  	v19 =	vmul.f32 s25, v32;
	v16 =	vadd.f32 v16, v13;
	v36 =	vmul.f32 v23, v10  }
0x131: {  	v21 =	vmul.f32 s25, v34;
	v17 =	vadd.f32 v17, v35;
	v37 =	vmul.f32 v23, v11  }
0x132: {  	v18 =	vadd.f32 v19, v18;
	v10 =	vmul.f32 v23, v62;
	v38 =	vadd.f32 v36, v16  }
0x133: {  	v39 =	vadd.f32 v21, v20;
	v11 =	vmul.f32 v23, v63;
	v40 =	vadd.f32 v37, v17  }
0x134: {  	v41 =	vadd.f32 v10, v18;
	(xrf0) =	vmax.scan.msk.f32 $0xffff, v38  }
0x135: {  	v16 =	vadd.f32 v11, v39;
	(xrf0) =	vmax.scan.msk.f32 $0xffff, v40  }
0x136: {  	(xrf0) =	vmax.scan.msk.f32 $0xffff, v41  }
0x137: {  	(xrf0) =	vmax.scan.msk.f32 $0xffff, v16;
	_ =	sdelay $0x2  }
0x138: {  	v42, _, _ =	vpop (xrf0)  }
0x139: {  	(v2sf) =	vpush v42, $0xF;
	v43, _, _ =	vpop (xrf0)  }
0x13a: {  	(v2sf) =	vpush v43, $0xF;
	v44, _, _ =	vpop (xrf0)  }
0x13b: {  	(v2sf) =	vpush v44, $0xF;
	v45, _, _ =	vpop (xrf0)  }
0x13c: {  	(v2sf) =	vpush v45, $0xF;
	_ =	sdelay $0xb  }
0x13d: {  	s29 =	spop (v2sf)  }
0x13e: {  	s30 =	spop (v2sf)  }
0x13f: {  	s0 =	smax.f32 s29, s30;
	s31 =	spop (v2sf)  }
0x140: {  	s0 =	smax.f32 s0, s31;
	s13 =	spop (v2sf)  }
0x141: {  	s0 =	smax.f32 s0, s13  }
0x142: {  	vm11 =	veq.f32 v38, s0  }
0x143: {  	vm12 =	veq.f32 v40, s0;
	v46 =	vnsel vm11, $0x80100000, v1  }
0x144: {  	v47 =	vnsel vm12, $0x80100000, v2;
	(xrf0) =	vmin.scan.msk.u32 $0xffff, v46  }
0x145: {  	vm13 =	veq.f32 v41, s0;
	(xrf0) =	vmin.scan.msk.u32 $0xffff, v47  }
0x146: {  	v48 =	vnsel vm13, $0x80100000, v4  }
0x147: {  	vm14 =	veq.f32 v16, s0;
	(xrf0) =	vmin.scan.msk.u32 $0xffff, v48  }
0x148: {  	v49 =	vnsel vm14, $0x80100000, v5  }
0x149: {  	(xrf0) =	vmin.scan.msk.u32 $0xffff, v49  }
0x14a: {  	v50, _, _ =	vpop (xrf0)  }
0x14b: {  	(v2sf) =	vpush v50, $0xF;
	v51, _, _ =	vpop (xrf0)  }
0x14c: {  	(v2sf) =	vpush v51, $0xF  }
0x14d: {  	v52, _, _ =	vpop (xrf0)  }
0x14e: {  	(v2sf) =	vpush v52, $0xF  }
0x14f: {  	v53, _, _ =	vpop (xrf0)  }
0x150: {  	(v2sf) =	vpush v53, $0xF;
	_ =	sdelay $0x9  }
0x151: {  	s17 =	spop (v2sf)  }
0x152: {  	s29 =	spop (v2sf)  }
0x153: {  	s0 =	sxor.u32 $0x80000000, s17;
	s3 =	sxor.u32 $0x80000000, s29  }
0x154: {  	s30 =	spop (v2sf);
	p3 =	slt.s32 s0, s3  }
0x155: {  	s3 =	smov.u32 @p3 s0;
	s0 =	sxor.u32 $0x80000000, s30  }
0x156: {  	s31 =	spop (v2sf);
	p3 =	slt.s32 s3, s0  }
0x157: {  	s0 =	smov.u32 @p3 s3;
	s3 =	sxor.u32 $0x80000000, s31  }
0x158: {  	p3 =	slt.s32 s0, s3  }
0x159: {  	s3 =	smov.u32 @p3 s0  }
0x15a: {  	p3 =	slt.s32 s3, $0x100000  }
0x15b: {  	s3 =	simm.s32 @!p3 $0x100000  }
0x15c: {  	v54 =	vmov s3  }
0x15d: {  	vm9 =	veq.s32 v54, v0  }
0x15e: {  	vm12 =	veq.s32 v54, v6;
	v55 =	vnsel vm9, $0x0, v36  }
0x15f: {  	vm11 =	veq.s32 v54, v7;
	v56 =	vnsel vm12, $0x0, v37;
	(xrf2) =	vadd.scan.msk.f32 $0xffff, v55  }
0x160: {  	vm10 =	veq.s32 v54, v8;
	v57 =	vnsel vm11, $0x0, v10;
	(xrf2) =	vadd.scan.msk.f32 $0xffff, v56  }
0x161: {  	v18 =	vnsel vm10, $0x0, v11;
	(xrf2) =	vadd.scan.msk.f32 $0xffff, v57  }
0x162: {  	(xrf2) =	vadd.scan.msk.f32 $0xffff, v18;
	_ =	sdelay $0x3  }
0x163: {  	v14 =	vsel vm9, $0xF149F2CA, v38  }
0x164: {  	v15 =	vsel vm12, $0xF149F2CA, v40;
	(xrf0) =	vmax.scan.msk.f32 $0xffff, v14  }
0x165: {  	v17 =	vsel vm11, $0xF149F2CA, v41;
	(xrf0) =	vmax.scan.msk.f32 $0xffff, v15  }
0x166: {  	v16 =	vsel vm10, $0xF149F2CA, v16;
	(xrf0) =	vmax.scan.msk.f32 $0xffff, v17;
	v58, _, _ =	vpop (xrf2)  }
0x167: {  	(xrf0) =	vmax.scan.msk.f32 $0xffff, v16;
	(v2sf) =	vpush v58, $0xF;
	v59, _, _ =	vpop (xrf2)  }
0x168: {  	(v2sf) =	vpush v59, $0xF;
	v60, _, _ =	vpop (xrf2)  }
0x169: {  	(v2sf) =	vpush v60, $0xF;
	v61, _, _ =	vpop (xrf2)  }
0x16a: {  	v62, _, _ =	vpop (xrf0);
	(v2sf) =	vpush v61, $0xF  }
0x16b: {  	v63, _, _ =	vpop (xrf0);
	(v2sf) =	vpush v62, $0xF  }
0x16c: {  	v21, _, _ =	vpop (xrf0);
	(v2sf) =	vpush v63, $0xF  }
0x16d: {  	v22, _, _ =	vpop (xrf0);
	(v2sf) =	vpush v21, $0xF  }
0x16e: {  	(v2sf) =	vpush v22, $0xF;
	_ =	sdelay $0x7  }
0x16f: {  	s0 =	spop (v2sf)  }
0x170: {  	s31 =	spop (v2sf)  }
0x171: {  	s30 =	spop (v2sf)  }
0x172: {  	s29 =	spop (v2sf)  }
0x173: {  	s13 =	spop (v2sf)  }
0x174: {  	s17 =	spop (v2sf)  }
0x175: {  	s3 =	smax.f32 s13, s17;
	s17 =	spop (v2sf)  }
0x176: {  	s3 =	smax.f32 s3, s17;
	s17 =	spop (v2sf)  }
0x177: {  	s3 =	smax.f32 s3, s17  }
0x178: {  	vm15 =	veq.f32 v14, s3  }
0x179: {  	vm13 =	veq.f32 v15, s3;
	v14 =	vnsel vm15, $0x80100000, v1  }
0x17a: {  	v23 =	vnsel vm13, $0x80100000, v2;
	(xrf0) =	vmin.scan.msk.u32 $0xffff, v14  }
0x17b: {  	vm14 =	veq.f32 v17, s3;
	(xrf0) =	vmin.scan.msk.u32 $0xffff, v23  }
0x17c: {  	v24 =	vnsel vm14, $0x80100000, v4  }
0x17d: {  	vm15 =	veq.f32 v16, s3;
	(xrf0) =	vmin.scan.msk.u32 $0xffff, v24  }
0x17e: {  	v25 =	vnsel vm15, $0x80100000, v5  }
0x17f: {  	(xrf0) =	vmin.scan.msk.u32 $0xffff, v25  }
0x180: {  	v26, _, _ =	vpop (xrf0)  }
0x181: {  	v27, _, _ =	vpop (xrf0);
	(v2sf) =	vpush v26, $0xF  }
0x182: {  	(v2sf) =	vpush v27, $0xF  }
0x183: {  	v28, _, _ =	vpop (xrf0)  }
0x184: {  	(v2sf) =	vpush v28, $0xF  }
0x185: {  	v29, _, _ =	vpop (xrf0)  }
0x186: {  	(v2sf) =	vpush v29, $0xF;
	_ =	sdelay $0x9  }
0x187: {  	s13 =	spop (v2sf)  }
0x188: {  	s17 =	spop (v2sf)  }
0x189: {  	s3 =	sxor.u32 $0x80000000, s13;
	s13 =	sxor.u32 $0x80000000, s17  }
0x18a: {  	s17 =	spop (v2sf);
	p3 =	slt.s32 s3, s13  }
0x18b: {  	s13 =	smov.u32 @p3 s3;
	s3 =	sxor.u32 $0x80000000, s17  }
0x18c: {  	s17 =	spop (v2sf);
	p3 =	slt.s32 s13, s3  }
0x18d: {  	s3 =	smov.u32 @p3 s13;
	s13 =	sxor.u32 $0x80000000, s17  }
0x18e: {  	p3 =	slt.s32 s3, s13  }
0x18f: {  	s13 =	smov.u32 @p3 s3  }
0x190: {  	p3 =	slt.s32 s13, $0x100000  }
0x191: {  	s13 =	simm.s32 @!p3 $0x100000  }
0x192: {  	v30 =	vmov s13  }
0x193: {  	vm13 =	veq.s32 v30, v0  }
0x194: {  	v12 =	vnsel vm13, $0x0, v36  }
0x195: {  	vm0 =	veq.s32 v30, v6;
	(xrf2) =	vadd.scan.msk.f32 $0xffff, v12  }
0x196: {  	v31 =	vnsel vm0, $0x0, v37  }
0x197: {  	vm15 =	veq.s32 v30, v7;
	(xrf2) =	vadd.scan.msk.f32 $0xffff, v31  }
0x198: {  	v10 =	vnsel vm15, $0x0, v10  }
0x199: {  	vm14 =	veq.s32 v30, v8;
	(xrf2) =	vadd.scan.msk.f32 $0xffff, v10  }
0x19a: {  	v10 =	vnsel vm14, $0x0, v11  }
0x19b: {  	(xrf2) =	vadd.scan.msk.f32 $0xffff, v10;
	_ =	sdelay $0x3  }
0x19c: {  	v10, _, _ =	vpop (xrf2)  }
0x19d: {  	(v2sf) =	vpush v10, $0xF  }
0x19e: {  	v10, _, _ =	vpop (xrf2)  }
0x19f: {  	(v2sf) =	vpush v10, $0xF  }
0x1a0: {  	v10, _, _ =	vpop (xrf2)  }
0x1a1: {  	(v2sf) =	vpush v10, $0xF  }
0x1a2: {  	v10, _, _ =	vpop (xrf2)  }
0x1a3: {  	(v2sf) =	vpush v10, $0xF;
	_ =	sdelay $0x8  }
0x1a4: {  	s0 =	sadd.f32 $0.0e+00, s0;
	s13 =	spop (v2sf)  }
0x1a5: {  	s3 =	sadd.f32 $0.0e+00, s13  }
0x1a6: {  	[tilespmem:$0x240] =	vst v3;
	s0 =	sadd.f32 s0, s31;
	s17 =	spop (v2sf)  }
0x1a7: {  	[tilespmem:$0x250] =	vst v3;
	s3 =	sadd.f32 s3, s17  }
0x1a8: {  	[tilespmem:$0x260] =	vst v3;
	s0 =	sadd.f32 s0, s30;
	s30 =	spop (v2sf)  }
0x1a9: {  	[tilespmem:$0x270] =	vst v3;
	s3 =	sadd.f32 s3, s30  }
0x1aa: {  	[tilespmem:$0x2C0] =	vst v3;
	s0 =	sadd.f32 s0, s29;
	s31 =	spop (v2sf)  }
0x1ab: {  	[tilespmem:$0x2D0] =	vst v3;
	s3 =	sadd.f32 s3, s31  }
0x1ac: {  	[tilespmem:$0x2E0] =	vst v3  }
0x1ad: {  	[tilespmem:$0x2F0] =	vst v3;
	s13 =	sadd.f32 s3, s0  }
0x1ae: {  	[tilespmem:$0x340] =	vst v3  }
0x1af: {  	[tilespmem:$0x350] =	vst v3;
	v10 =	vmov s13  }
0x1b0: {  	[tilespmem:$0x360] =	vst v3;
	v10 =	vmax.f32 v10, $9.999999960e-13  }
0x1b1: {  	[tilespmem:$0x370] =	vst v3;
	v10 =	vbroadcast v10, $0x0  }
0x1b2: {  	[tilespmem:$0x3C0] =	vst v3  }
0x1b3: {  	[tilespmem:$0x3D0] =	vst v3;
	(erf) = vrcp.f32 v10  }
0x1b4: {  	[tilespmem:$0x3E0] =	vst v3;
	v10 =	vmul.f32 s26, v9;
	v9 =	vmul.f32 s28, v9  }
0x1b5: {  	[tilespmem:$0x3F0] =	vst v3  }
0x1b6: {  	[tilespmem:$0x440] =	vst v3;
	v11 =	vnsel vm4, $0x0, v10;
	v32 =	vnsel vm8, $0x0, v9  }
0x1b7: {  	[tilespmem:$0x450] =	vst v3;
	v11 =	vadd.f32 v32, v11  }
0x1b8: {  	[tilespmem:$0x460] =	vst v3;
	v33 =	vnsel vm3, $0x0, v10  }
0x1b9: {  	[tilespmem:$0x470] =	vst v3;
	v34 =	vnsel vm7, $0x0, v9;
	v35 =	vmul.f32 s23, v11;
	v11 =	vmul.f32 s22, v11  }
0x1ba: {  	[tilespmem:$0x4C0] =	vst v3;
	v37 =	vnsel vm2, $0x0, v10;
	v38 =	vnsel vm6, $0x0, v9;
	v12 =	vadd.f32 v34, v33  }
0x1bb: {  	[tilespmem:$0x4D0] =	vst v3;
	v10 =	vnsel vm1, $0x0, v10;
	v14 =	vadd.f32 v38, v37  }
0x1bc: {  	[tilespmem:$0x4E0] =	vst v3;
	v9 =	vnsel vm5, $0x0, v9;
	v36 =	vmul.f32 s23, v12;
	v12 =	vmul.f32 s22, v12  }
0x1bd: {  	v9 =	vadd.f32 v9, v10;
	v42 =	vmul.f32 s23, v14;
	v43 =	vmul.f32 s22, v14;
	[tilespmem:$0x280] =	vst v11;
	v11 =	vpop (erf)  }
0x1be: {  	[tilespmem:$0x200] =	vst v35;
	v39 =	vmul.f32 s0, v11;
	v11 =	vmul.f32 s3, v11  }
0x1bf: {  	v46 =	vmul.f32 s23, v9;
	v9 =	vmul.f32 s22, v9;
	[tilespmem:$0x210] =	vst v36  }
0x1c0: {  	[tilespmem:$0x290] =	vst v12;
	v50 =	vld [tilespmem:$0x200];
	v40 =	vnsel vm12, $0x0, v39;
	v41 =	vnsel vm0, $0x0, v11;
	v44 =	vnsel vm11, $0x0, v39  }
0x1c1: {  	[tilespmem:$0x220] =	vst v42;
	v52 =	vld [tilespmem:$0x210];
	v45 =	vnsel vm15, $0x0, v11;
	v48 =	vnsel vm9, $0x0, v39;
	v10 =	vadd.f32 v41, v40  }
0x1c2: {  	[tilespmem:$0x230] =	vst v46;
	v55 =	vld [tilespmem:$0x220];
	v13 =	vnsel vm10, $0x0, v39;
	v49 =	vnsel vm14, $0x0, v11;
	v14 =	vadd.f32 v45, v44  }
0x1c3: {  	[tilespmem:$0x2A0] =	vst v43;
	v57 =	vld [tilespmem:$0x230];
	v11 =	vnsel vm13, $0x0, v11;
	v13 =	vadd.f32 v49, v13;
	v47 =	vmul.f32 s24, v10  }
0x1c4: {  	[tilespmem:$0x2B0] =	vst v9;
	v59 =	vld [tilespmem:$0x280];
	v11 =	vadd.f32 v11, v48;
	v51 =	vmul.f32 s24, v14  }
0x1c5: {  	v61 =	vld [tilespmem:$0x2A0];
	v54 =	vmul.f32 s24, v13;
	[tilespmem:$0x310] =	vst v47  }
0x1c6: {  	v62 =	vld [tilespmem:$0x2B0];
	v9 =	vmul.f32 s25, v11;
	[tilespmem:$0x320] =	vst v51  }
0x1c7: {  	v10 =	vmul.f32 s25, v10;
	[tilespmem:$0x330] =	vst v54;
	v53 =	vld [tilespmem:$0x310]  }
0x1c8: {  	v11 =	vmul.f32 s24, v11;
	[tilespmem:$0x380] =	vst v9;
	v56 =	vld [tilespmem:$0x320]  }
0x1c9: {  	v9 =	vmul.f32 s25, v14;
	[tilespmem:$0x390] =	vst v10;
	v58 =	vld [tilespmem:$0x330]  }
0x1ca: {  	v10 =	vmul.f32 s25, v13;
	[tilespmem:$0x300] =	vst v11;
	v60 =	vld [tilespmem:$0x390]  }
0x1cb: {  	v11 =	vadd.f32 v11, v50;
	[tilespmem:$0x3A0] =	vst v9;
	v9 =	vld [tilespmem:$0x380]  }
0x1cc: {  	[tilespmem:$0x3B0] =	vst v10;
	v10 =	vld [tilespmem:$0x290]  }
0x1cd: {  	[tilespmem:$0x400] =	vst v11;
	v11 =	vld [tilespmem:$0x3A0];
	v12 =	vadd.f32 v53, v52  }
0x1ce: {  	[tilespmem:$0x4F0] =	vst v3;
	v63 =	vld [tilespmem:$0x3B0];
	v17 =	vadd.f32 v56, v55  }
0x1cf: {  	v14 =	vadd.f32 v58, v57;
	[tilespmem:$0x410] =	vst v12  }
0x1d0: {  	v9 =	vadd.f32 v9, v59;
	[tilespmem:$0x420] =	vst v17  }
0x1d1: {  	v10 =	vadd.f32 v60, v10;
	[tilespmem:$0x430] =	vst v14  }
0x1d2: {  	[tilespmem:$0x480] =	vst v9;
	v9 =	vadd.f32 v11, v61  }
0x1d3: {  	[tilespmem:$0x490] =	vst v10;
	v10 =	vadd.f32 v63, v62  }
0x1d4: {  	[tilespmem:$0x4A0] =	vst v9  }
0x1d5: {  	[tilespmem:$0x4B0] =	vst v10  }
0x1d6: {  	[hbm4b:s9+s15] =	stream.strided.scatter [tilespmem:s18], [sflag:$0x1], $0x100, s16, s15, $0x38;
	[tilespmem:$0x1780] =	vst v63  }
0x1d7: {  	_ =	swait.ge [sflag:s14], $0x100  }
0x1d8: {  	[sflag:s14] =	ssyncset.done $0x0  }
0x1d9: {  	[sflag:s14] =	ssyncadd.s32 $0xFFFFFF00  }
0x1da: {  	[hbm4b:s10+s15] =	stream.strided.scatter [tilespmem:s19], [sflag:$0x1], $0x100, s16, s15, $0x38;
	[tilespmem:$0x1780] =	vst v63  }
0x1db: {  	_ =	swait.ge [sflag:s14], $0x100  }
0x1dc: {  	[sflag:s14] =	ssyncset.done $0x0  }
0x1dd: {  	[sflag:s14] =	ssyncadd.s32 $0xFFFFFF00  }
0x1de: {  	[spmem:s11] =	stream.strided.scatter [tilespmem:s16], [sflag:$0x1], $0x100, s16, s15, $0x38;
	[tilespmem:$0x1780] =	vst v63  }
0x1df: {  	_ =	swait.ge [sflag:s14], $0x100  }
0x1e0: {  	[sflag:s14] =	ssyncset.done $0x0  }
0x1e1: {  	[sflag:s14] =	ssyncadd.s32 $0xFFFFFF00  }
.LBB2_3:
.Ltmp3:
0x1e2: {  	(pc) =	sbr.rel @p2 .LBB2_5-.Ltmp3, $2  }
0x1e3: {  	_ =	sdelay $0x1  }
0x1e4: {  	[bflag:$0x0] =	sbarrier.arrive $0xFFFF;
	_ =	sdelay $0x1  }
0x1e5: {  	[tilespmem:s20], [sflag:$0x1] =	stream.linear.gather [spmem:s1], $0x1000, $0x38;
	[tilespmem:$0x1780] =	vst v63  }
0x1e6: {  	_ =	swait.ge [sflag:s14], $0x1000  }
0x1e7: {  	[sflag:s14] =	ssyncset.done $0x0  }
0x1e8: {  	[sflag:s14] =	ssyncadd.s32 $0xFFFFF000  }
0x1e9: {  	v9 =	vld [tilespmem:$0x700]  }
0x1ea: {  	v10 =	vld [tilespmem:$0x780]  }
0x1eb: {  	v11 =	vld [tilespmem:$0x800]  }
0x1ec: {  	v12 =	vld [tilespmem:$0x880]  }
0x1ed: {  	v13 =	vld [tilespmem:$0x900]  }
0x1ee: {  	v14 =	vld [tilespmem:$0x980]  }
0x1ef: {  	v15 =	vld [tilespmem:$0xA00]  }
0x1f0: {  	v16 =	vld [tilespmem:$0xA80]  }
0x1f1: {  	v17 =	vld [tilespmem:$0xF00]  }
0x1f2: {  	v18 =	vld [tilespmem:$0xF80]  }
0x1f3: {  	v19 =	vld [tilespmem:$0x1080];
	v9 =	vadd.f32 v10, v9  }
0x1f4: {  	v20 =	vld [tilespmem:$0x1180]  }
0x1f5: {  	v53 =	vld [tilespmem:$0x1200];
	v9 =	vadd.f32 v11, v9  }
0x1f6: {  	v21 =	vld [tilespmem:$0x710]  }
0x1f7: {  	v54 =	vld [tilespmem:$0x790];
	v9 =	vadd.f32 v12, v9  }
0x1f8: {  	v22 =	vld [tilespmem:$0x1280]  }
0x1f9: {  	v55 =	vld [tilespmem:$0x810];
	v9 =	vadd.f32 v13, v9  }
0x1fa: {  	v23 =	vld [tilespmem:$0x890]  }
0x1fb: {  	v56 =	vld [tilespmem:$0x910];
	v9 =	vadd.f32 v14, v9  }
0x1fc: {  	v57 =	vld [tilespmem:$0x990]  }
0x1fd: {  	v58 =	vld [tilespmem:$0xA10];
	v9 =	vadd.f32 v15, v9  }
0x1fe: {  	v59 =	vld [tilespmem:$0xA90];
	v13 =	vadd.f32 v54, v21  }
0x1ff: {  	v60 =	vld [tilespmem:$0xF10];
	v9 =	vadd.f32 v16, v9  }
0x200: {  	v10 =	vld [tilespmem:$0x1000];
	v13 =	vadd.f32 v55, v13  }
0x201: {  	v61 =	vld [tilespmem:$0xF90];
	v9 =	vadd.f32 v17, v9  }
0x202: {  	v62 =	vld [tilespmem:$0x720];
	v13 =	vadd.f32 v23, v13  }
0x203: {  	v63 =	vld [tilespmem:$0x7A0];
	v9 =	vadd.f32 v18, v9  }
0x204: {  	v11 =	vld [tilespmem:$0x1100];
	v13 =	vadd.f32 v56, v13  }
0x205: {  	v24 =	vld [tilespmem:$0x820];
	v9 =	vadd.f32 v10, v9  }
0x206: {  	v25 =	vld [tilespmem:$0x1090];
	v13 =	vadd.f32 v57, v13  }
0x207: {  	v26 =	vld [tilespmem:$0x8A0];
	v9 =	vadd.f32 v19, v9  }
0x208: {  	v27 =	vld [tilespmem:$0x1110];
	v13 =	vadd.f32 v58, v13  }
0x209: {  	v28 =	vld [tilespmem:$0x920];
	v9 =	vadd.f32 v11, v9;
	v11 =	vadd.f32 v63, v62  }
0x20a: {  	v29 =	vld [tilespmem:$0x1190];
	v13 =	vadd.f32 v59, v13  }
0x20b: {  	v10 =	vld [tilespmem:$0x1010];
	v9 =	vadd.f32 v20, v9;
	v11 =	vadd.f32 v24, v11  }
0x20c: {  	v30 =	vld [tilespmem:$0x9A0];
	v13 =	vadd.f32 v60, v13  }
0x20d: {  	v31 =	vld [tilespmem:$0x1210];
	v9 =	vadd.f32 v53, v9;
	v11 =	vadd.f32 v26, v11  }
0x20e: {  	v32 =	vld [tilespmem:$0xA20];
	v13 =	vadd.f32 v61, v13  }
0x20f: {  	v33 =	vld [tilespmem:$0x1290];
	v9 =	vadd.f32 v22, v9;
	v11 =	vadd.f32 v28, v11  }
0x210: {  	v34 =	vld [tilespmem:$0xAA0];
	v10 =	vadd.f32 v10, v13  }
0x211: {  	v36 =	vld [tilespmem:$0xFA0];
	vm1 =	vgt.f32 v9, $0.0e+00;
	v9 =	vadd.f32 v30, v11  }
0x212: {  	v10 =	vadd.f32 v25, v10;
	v11 =	vld [tilespmem:$0xF20]  }
0x213: {  	v37 =	vld [tilespmem:$0x730];
	v35 =	vsel vm1, $0x3F800000, v3;
	v9 =	vadd.f32 v32, v9  }
0x214: {  	v38 =	vld [tilespmem:$0x7B0];
	v10 =	vadd.f32 v27, v10;
	(xrf2) =	vadd.scan.msk.f32 $0xffff, v35  }
0x215: {  	v39 =	vld [tilespmem:$0x1020];
	v9 =	vadd.f32 v34, v9  }
0x216: {  	v40 =	vld [tilespmem:$0x830];
	v10 =	vadd.f32 v29, v10  }
0x217: {  	v41 =	vld [tilespmem:$0x8B0];
	v9 =	vadd.f32 v11, v9  }
0x218: {  	v10 =	vadd.f32 v31, v10;
	v11 =	vld [tilespmem:$0x10A0]  }
0x219: {  	v15 =	vadd.f32 v38, v37;
	v9 =	vadd.f32 v36, v9  }
0x21a: {  	v43 =	vld [tilespmem:$0x930];
	v10 =	vadd.f32 v33, v10  }
0x21b: {  	v42 =	vld [tilespmem:$0x1120];
	v15 =	vadd.f32 v40, v15;
	v9 =	vadd.f32 v39, v9  }
0x21c: {  	vm2 =	vgt.f32 v10, $0.0e+00;
	v10 =	vld [tilespmem:$0x9B0]  }
0x21d: {  	v44 =	vld [tilespmem:$0x11A0];
	v12 =	vadd.f32 v41, v15;
	v9 =	vadd.f32 v11, v9;
	v11 =	vsel vm2, $0x3F800000, v3  }
0x21e: {  	v45, _, _ =	vpop (xrf2);
	(xrf2) =	vadd.scan.msk.f32 $0xffff, v11;
	v11 =	vld [tilespmem:$0xA30]  }
0x21f: {  	v46 =	vld [tilespmem:$0x1220];
	v12 =	vadd.f32 v43, v12;
	v17 =	vadd.f32 $0.0e+00, v45  }
0x220: {  	v48 =	vld [tilespmem:$0xAB0];
	v9 =	vadd.f32 v42, v9  }
0x221: {  	v47 =	vld [tilespmem:$0x12A0];
	v10 =	vadd.f32 v10, v12;
	(xrf0) =	vmax.scan.msk.f32 $0xffff, v17  }
0x222: {  	v9 =	vadd.f32 v44, v9  }
0x223: {  	v49 =	vld [tilespmem:$0xF30];
	v10 =	vadd.f32 v11, v10  }
0x224: {  	v9 =	vadd.f32 v46, v9  }
0x225: {  	v11 =	vld [tilespmem:$0xFB0];
	v10 =	vadd.f32 v48, v10  }
0x226: {  	v9 =	vadd.f32 v47, v9  }
0x227: {  	v51 =	vld [tilespmem:$0x1030];
	v50, _, _ =	vpop (xrf0)  }
0x228: {  	v13 =	vbroadcast v50, $0xF;
	vm3 =	vgt.f32 v9, $0.0e+00;
	v9 =	vadd.f32 v49, v10  }
0x229: {  	v53 =	vld [tilespmem:$0x10B0];
	v52 =	vsel vm3, $0x3F800000, v3;
	v10, _, _ =	vpop (xrf2)  }
0x22a: {  	v54 =	vnsel vm1, $0x7FFFFFFF, v1;
	(xrf2) =	vadd.scan.msk.f32 $0xffff, v52;
	v9 =	vadd.f32 v11, v9;
	v10 =	vadd.f32 v10, v13  }
0x22b: {  	(xrf0) =	vmax.scan.msk.u32 $0xffff, v54;
	v11 =	vld [tilespmem:$0x1130]  }
0x22c: {  	v9 =	vadd.f32 v51, v9;
	(xrf0) =	vmax.scan.msk.f32 $0xffff, v10  }
0x22d: {  	v55 =	vld [tilespmem:$0x11B0]  }
0x22e: {  	v9 =	vadd.f32 v53, v9  }
0x22f: {  	v56 =	vld [tilespmem:$0x1230]  }
0x230: {  	v9 =	vadd.f32 v11, v9  }
0x231: {  	v57 =	vld [tilespmem:$0x12B0];
	v11, _, _ =	vpop (xrf0)  }
0x232: {  	v9 =	vadd.f32 v55, v9;
	v58, _, _ =	vpop (xrf0)  }
0x233: {  	v12 =	vbroadcast v58, $0xF  }
0x234: {  	v9 =	vadd.f32 v56, v9;
	v59, _, _ =	vpop (xrf2)  }
0x235: {  	v60 =	vnsel vm2, $0x7FFFFFFF, v2;
	v12 =	vadd.f32 v59, v12  }
0x236: {  	(xrf0) =	vmax.scan.msk.u32 $0xffff, v60;
	v9 =	vadd.f32 v57, v9  }
0x237: {  	v61 =	vnsel vm3, $0x7FFFFFFF, v4;
	(xrf0) =	vmax.scan.msk.f32 $0xffff, v12  }
0x238: {  	vm0 =	vgt.f32 v9, $0.0e+00;
	(xrf0) =	vmax.scan.msk.u32 $0xffff, v61  }
0x239: {  	v9 =	vnsel vm0, $0x7FFFFFFF, v5  }
0x23a: {  	(xrf0) =	vmax.scan.msk.u32 $0xffff, v9;
	_ =	sdelay $0x1  }
0x23b: {  	(v2sf) =	vpush v11, $0xF;
	v9, _, _ =	vpop (xrf0)  }
0x23c: {  	(v2sf) =	vpush v9, $0xF;
	v11, _, _ =	vpop (xrf0)  }
0x23d: {  	v9, _, _ =	vpop (xrf0)  }
0x23e: {  	(v2sf) =	vpush v9, $0xF  }
0x23f: {  	v9, _, _ =	vpop (xrf0)  }
0x240: {  	(v2sf) =	vpush v9, $0xF;
	_ =	sdelay $0x5  }
0x241: {  	v9 =	vsel vm0, $0x3F800000, v3  }
0x242: {  	(xrf2) =	vadd.scan.msk.f32 $0xffff, v9;
	_ =	sdelay $0x2  }
0x243: {  	s0 =	spop (v2sf)  }
0x244: {  	s3 =	spop (v2sf)  }
0x245: {  	s0 =	sxor.u32 $0x80000000, s0;
	s3 =	sxor.u32 $0x80000000, s3  }
0x246: {  	p3 =	sgt.s32 s0, s3;
	s13 =	spop (v2sf)  }
0x247: {  	s3 =	smov.u32 @p3 s0;
	s0 =	sxor.u32 $0x80000000, s13  }
0x248: {  	s31 =	spop (v2sf);
	p3 =	sgt.s32 s3, s0  }
0x249: {  	v9 =	vbroadcast v11, $0xF;
	s0 =	smov.u32 @p3 s3;
	s3 =	sxor.u32 $0x80000000, s31  }
0x24a: {  	v11 =	vadd.f32 $-1.000000000e+00, v17;
	v62, _, _ =	vpop (xrf2);
	p3 =	sgt.s32 s0, s3  }
0x24b: {  	v10 =	vadd.f32 $-1.000000000e+00, v10;
	v9 =	vadd.f32 v62, v9;
	s3 =	smov.u32 @p3 s0  }
0x24c: {  	v12 =	vadd.f32 $-1.000000000e+00, v12;
	v11 =	vtrunc.f32 v11;
	p3 =	sgt.s32 s3, $0x0  }
0x24d: {  	v10 =	vtrunc.f32 v10;
	v11 =	vcvt.f32.s32 v11;
	v9 =	vadd.f32 $-1.000000000e+00, v9;
	s3 =	simm.s32 @!p3 $0x0  }
0x24e: {  	v10 =	vcvt.f32.s32 v10;
	v12 =	vtrunc.f32 v12;
	v63 =	vmov s3  }
0x24f: {  	v12 =	vcvt.f32.s32 v12;
	v9 =	vtrunc.f32 v9;
	[tilespmem:$0x1700] =	vst v63  }
0x250: {  	v9 =	vcvt.f32.s32 v9;
	[tilespmem:$0x1710] =	vst v63  }
0x251: {  	[tilespmem:$0x1720] =	vst v63  }
0x252: {  	[tilespmem:$0x1730] =	vst v63  }
0x253: {  	[tilespmem:v11+s21+$0x0] =	vst.idx.msk vm1, v0  }
0x254: {  	[tilespmem:v10+s21+$0x0] =	vst.idx.msk vm2, v6  }
0x255: {  	[tilespmem:v12+s21+$0x0] =	vst.idx.msk vm3, v7  }
0x256: {  	[tilespmem:v9+s21+$0x0] =	vst.idx.msk vm0, v8  }
0x257: {  	[hbm4b:s5+s2] =	stream.linear.scatter [tilespmem:s21], [sflag:$0x1], $0x80, $0x38;
	[tilespmem:$0x1780] =	vst v63  }
0x258: {  	_ =	swait.ge [sflag:s14], $0x80  }
0x259: {  	[sflag:s14] =	ssyncset.done $0x0  }
0x25a: {  	[sflag:s14] =	ssyncadd.s32 $0xFFFFFF80  }
.LBB2_5:
.Ltmp4:
0x25b: {  	(pc) =	sbr.rel @!p0 .LBB2_7-.Ltmp4, $1  }
0x25c: {  	_ =	sdelay $0x3  }
0x25d: {  	[tilespmem:s20], [sflag:$0x1] =	stream.linear.gather [spmem:s1], $0x1000, $0x38;
	[tilespmem:$0x1780] =	vst v63  }
0x25e: {  	_ =	swait.ge [sflag:s14], $0x1000  }
0x25f: {  	[sflag:s14] =	ssyncset.done $0x0  }
0x260: {  	[sflag:s14] =	ssyncadd.s32 $0xFFFFF000  }
0x261: {  	v9 =	vld [tilespmem:$0xB00]  }
0x262: {  	v10 =	vld [tilespmem:$0xB80]  }
0x263: {  	v11 =	vld [tilespmem:$0xC00]  }
0x264: {  	v12 =	vld [tilespmem:$0xC80]  }
0x265: {  	v13 =	vld [tilespmem:$0xD00]  }
0x266: {  	v14 =	vld [tilespmem:$0xD80]  }
0x267: {  	v15 =	vld [tilespmem:$0xE00]  }
0x268: {  	v16 =	vld [tilespmem:$0xE80]  }
0x269: {  	v17 =	vld [tilespmem:$0x1300]  }
0x26a: {  	v18 =	vld [tilespmem:$0x1380]  }
0x26b: {  	v19 =	vld [tilespmem:$0x1480];
	v9 =	vadd.f32 v10, v9  }
0x26c: {  	v20 =	vld [tilespmem:$0x1580]  }
0x26d: {  	v53 =	vld [tilespmem:$0x1600];
	v9 =	vadd.f32 v11, v9  }
0x26e: {  	v21 =	vld [tilespmem:$0xB10]  }
0x26f: {  	v54 =	vld [tilespmem:$0xB90];
	v9 =	vadd.f32 v12, v9  }
0x270: {  	v22 =	vld [tilespmem:$0x1680]  }
0x271: {  	v55 =	vld [tilespmem:$0xC10];
	v9 =	vadd.f32 v13, v9  }
0x272: {  	v23 =	vld [tilespmem:$0xC90]  }
0x273: {  	v56 =	vld [tilespmem:$0xD10];
	v9 =	vadd.f32 v14, v9  }
0x274: {  	v57 =	vld [tilespmem:$0xD90]  }
0x275: {  	v58 =	vld [tilespmem:$0xE10];
	v9 =	vadd.f32 v15, v9  }
0x276: {  	v59 =	vld [tilespmem:$0xE90];
	v13 =	vadd.f32 v54, v21  }
0x277: {  	v60 =	vld [tilespmem:$0x1310];
	v9 =	vadd.f32 v16, v9  }
0x278: {  	v10 =	vld [tilespmem:$0x1400];
	v13 =	vadd.f32 v55, v13  }
0x279: {  	v61 =	vld [tilespmem:$0x1390];
	v9 =	vadd.f32 v17, v9  }
0x27a: {  	v62 =	vld [tilespmem:$0xB20];
	v13 =	vadd.f32 v23, v13  }
0x27b: {  	v63 =	vld [tilespmem:$0xBA0];
	v9 =	vadd.f32 v18, v9  }
0x27c: {  	v11 =	vld [tilespmem:$0x1500];
	v13 =	vadd.f32 v56, v13  }
0x27d: {  	v24 =	vld [tilespmem:$0xC20];
	v9 =	vadd.f32 v10, v9  }
0x27e: {  	v25 =	vld [tilespmem:$0x1490];
	v13 =	vadd.f32 v57, v13  }
0x27f: {  	v26 =	vld [tilespmem:$0xCA0];
	v9 =	vadd.f32 v19, v9  }
0x280: {  	v27 =	vld [tilespmem:$0x1510];
	v13 =	vadd.f32 v58, v13  }
0x281: {  	v28 =	vld [tilespmem:$0xD20];
	v9 =	vadd.f32 v11, v9;
	v11 =	vadd.f32 v63, v62  }
0x282: {  	v29 =	vld [tilespmem:$0x1590];
	v13 =	vadd.f32 v59, v13  }
0x283: {  	v10 =	vld [tilespmem:$0x1410];
	v9 =	vadd.f32 v20, v9;
	v11 =	vadd.f32 v24, v11  }
0x284: {  	v30 =	vld [tilespmem:$0xDA0];
	v13 =	vadd.f32 v60, v13  }
0x285: {  	v31 =	vld [tilespmem:$0x1610];
	v9 =	vadd.f32 v53, v9;
	v11 =	vadd.f32 v26, v11  }
0x286: {  	v32 =	vld [tilespmem:$0xE20];
	v13 =	vadd.f32 v61, v13  }
0x287: {  	v33 =	vld [tilespmem:$0x1690];
	v9 =	vadd.f32 v22, v9;
	v11 =	vadd.f32 v28, v11  }
0x288: {  	v34 =	vld [tilespmem:$0xEA0];
	v10 =	vadd.f32 v10, v13  }
0x289: {  	v36 =	vld [tilespmem:$0x13A0];
	vm1 =	vgt.f32 v9, $0.0e+00;
	v9 =	vadd.f32 v30, v11  }
0x28a: {  	v10 =	vadd.f32 v25, v10;
	v11 =	vld [tilespmem:$0x1320]  }
0x28b: {  	v37 =	vld [tilespmem:$0xB30];
	v35 =	vsel vm1, $0x3F800000, v3;
	v9 =	vadd.f32 v32, v9  }
0x28c: {  	v38 =	vld [tilespmem:$0xBB0];
	v10 =	vadd.f32 v27, v10;
	(xrf2) =	vadd.scan.msk.f32 $0xffff, v35  }
0x28d: {  	v39 =	vld [tilespmem:$0x1420];
	v9 =	vadd.f32 v34, v9  }
0x28e: {  	v40 =	vld [tilespmem:$0xC30];
	v10 =	vadd.f32 v29, v10  }
0x28f: {  	v41 =	vld [tilespmem:$0xCB0];
	v9 =	vadd.f32 v11, v9  }
0x290: {  	v10 =	vadd.f32 v31, v10;
	v11 =	vld [tilespmem:$0x14A0]  }
0x291: {  	v15 =	vadd.f32 v38, v37;
	v9 =	vadd.f32 v36, v9  }
0x292: {  	v43 =	vld [tilespmem:$0xD30];
	v10 =	vadd.f32 v33, v10  }
0x293: {  	v42 =	vld [tilespmem:$0x1520];
	v15 =	vadd.f32 v40, v15;
	v9 =	vadd.f32 v39, v9  }
0x294: {  	vm2 =	vgt.f32 v10, $0.0e+00;
	v10 =	vld [tilespmem:$0xDB0]  }
0x295: {  	v44 =	vld [tilespmem:$0x15A0];
	v12 =	vadd.f32 v41, v15;
	v9 =	vadd.f32 v11, v9;
	v11 =	vsel vm2, $0x3F800000, v3  }
0x296: {  	v45, _, _ =	vpop (xrf2);
	(xrf2) =	vadd.scan.msk.f32 $0xffff, v11;
	v11 =	vld [tilespmem:$0xE30]  }
0x297: {  	v46 =	vld [tilespmem:$0x1620];
	v12 =	vadd.f32 v43, v12;
	v17 =	vadd.f32 $0.0e+00, v45  }
0x298: {  	v48 =	vld [tilespmem:$0xEB0];
	v9 =	vadd.f32 v42, v9  }
0x299: {  	v47 =	vld [tilespmem:$0x16A0];
	v10 =	vadd.f32 v10, v12;
	(xrf0) =	vmax.scan.msk.f32 $0xffff, v17  }
0x29a: {  	v9 =	vadd.f32 v44, v9  }
0x29b: {  	v49 =	vld [tilespmem:$0x1330];
	v10 =	vadd.f32 v11, v10  }
0x29c: {  	v9 =	vadd.f32 v46, v9  }
0x29d: {  	v11 =	vld [tilespmem:$0x13B0];
	v10 =	vadd.f32 v48, v10  }
0x29e: {  	v9 =	vadd.f32 v47, v9  }
0x29f: {  	v51 =	vld [tilespmem:$0x1430];
	v50, _, _ =	vpop (xrf0)  }
0x2a0: {  	v13 =	vbroadcast v50, $0xF;
	vm3 =	vgt.f32 v9, $0.0e+00;
	v9 =	vadd.f32 v49, v10  }
0x2a1: {  	v53 =	vld [tilespmem:$0x14B0];
	v52 =	vsel vm3, $0x3F800000, v3;
	v10, _, _ =	vpop (xrf2)  }
0x2a2: {  	v54 =	vnsel vm1, $0x7FFFFFFF, v1;
	(xrf2) =	vadd.scan.msk.f32 $0xffff, v52;
	v9 =	vadd.f32 v11, v9;
	v10 =	vadd.f32 v10, v13  }
0x2a3: {  	(xrf0) =	vmax.scan.msk.u32 $0xffff, v54;
	v11 =	vld [tilespmem:$0x1530]  }
0x2a4: {  	v9 =	vadd.f32 v51, v9;
	(xrf0) =	vmax.scan.msk.f32 $0xffff, v10  }
0x2a5: {  	v55 =	vld [tilespmem:$0x15B0]  }
0x2a6: {  	v9 =	vadd.f32 v53, v9  }
0x2a7: {  	v56 =	vld [tilespmem:$0x1630]  }
0x2a8: {  	v9 =	vadd.f32 v11, v9  }
0x2a9: {  	v57 =	vld [tilespmem:$0x16B0];
	v11, _, _ =	vpop (xrf0)  }
0x2aa: {  	v9 =	vadd.f32 v55, v9;
	v58, _, _ =	vpop (xrf0)  }
0x2ab: {  	v12 =	vbroadcast v58, $0xF  }
0x2ac: {  	v9 =	vadd.f32 v56, v9;
	v59, _, _ =	vpop (xrf2)  }
0x2ad: {  	v60 =	vnsel vm2, $0x7FFFFFFF, v2;
	v12 =	vadd.f32 v59, v12  }
0x2ae: {  	(xrf0) =	vmax.scan.msk.u32 $0xffff, v60;
	v9 =	vadd.f32 v57, v9  }
0x2af: {  	v61 =	vnsel vm3, $0x7FFFFFFF, v4;
	(xrf0) =	vmax.scan.msk.f32 $0xffff, v12  }
0x2b0: {  	vm0 =	vgt.f32 v9, $0.0e+00;
	(xrf0) =	vmax.scan.msk.u32 $0xffff, v61  }
0x2b1: {  	v9 =	vnsel vm0, $0x7FFFFFFF, v5  }
0x2b2: {  	(xrf0) =	vmax.scan.msk.u32 $0xffff, v9;
	_ =	sdelay $0x1  }
0x2b3: {  	(v2sf) =	vpush v11, $0xF;
	v9, _, _ =	vpop (xrf0)  }
0x2b4: {  	(v2sf) =	vpush v9, $0xF;
	v11, _, _ =	vpop (xrf0)  }
0x2b5: {  	v9, _, _ =	vpop (xrf0)  }
0x2b6: {  	(v2sf) =	vpush v9, $0xF  }
0x2b7: {  	v9, _, _ =	vpop (xrf0)  }
0x2b8: {  	(v2sf) =	vpush v9, $0xF;
	_ =	sdelay $0x5  }
0x2b9: {  	v9 =	vsel vm0, $0x3F800000, v3  }
0x2ba: {  	(xrf2) =	vadd.scan.msk.f32 $0xffff, v9;
	_ =	sdelay $0x2  }
0x2bb: {  	s0 =	spop (v2sf)  }
0x2bc: {  	s3 =	spop (v2sf)  }
0x2bd: {  	s0 =	sxor.u32 $0x80000000, s0;
	s3 =	sxor.u32 $0x80000000, s3  }
0x2be: {  	p3 =	sgt.s32 s0, s3;
	s13 =	spop (v2sf)  }
0x2bf: {  	s3 =	smov.u32 @p3 s0;
	s0 =	sxor.u32 $0x80000000, s13  }
0x2c0: {  	s31 =	spop (v2sf);
	p3 =	sgt.s32 s3, s0  }
0x2c1: {  	v9 =	vbroadcast v11, $0xF;
	s0 =	smov.u32 @p3 s3;
	s3 =	sxor.u32 $0x80000000, s31  }
0x2c2: {  	v11 =	vadd.f32 $-1.000000000e+00, v17;
	v62, _, _ =	vpop (xrf2);
	p3 =	sgt.s32 s0, s3  }
0x2c3: {  	v10 =	vadd.f32 $-1.000000000e+00, v10;
	v9 =	vadd.f32 v62, v9;
	s3 =	smov.u32 @p3 s0  }
0x2c4: {  	v12 =	vadd.f32 $-1.000000000e+00, v12;
	v11 =	vtrunc.f32 v11;
	p3 =	sgt.s32 s3, $0x0  }
0x2c5: {  	v10 =	vtrunc.f32 v10;
	v11 =	vcvt.f32.s32 v11;
	v9 =	vadd.f32 $-1.000000000e+00, v9;
	s3 =	simm.s32 @!p3 $0x0  }
0x2c6: {  	v10 =	vcvt.f32.s32 v10;
	v12 =	vtrunc.f32 v12;
	v63 =	vmov s3  }
0x2c7: {  	v12 =	vcvt.f32.s32 v12;
	v9 =	vtrunc.f32 v9;
	[tilespmem:$0x1700] =	vst v63  }
0x2c8: {  	v9 =	vcvt.f32.s32 v9;
	[tilespmem:$0x1710] =	vst v63  }
0x2c9: {  	[tilespmem:$0x1720] =	vst v63  }
0x2ca: {  	[tilespmem:$0x1730] =	vst v63  }
0x2cb: {  	[tilespmem:v11+s21+$0x0] =	vst.idx.msk vm1, v0  }
0x2cc: {  	[tilespmem:v10+s21+$0x0] =	vst.idx.msk vm2, v6  }
0x2cd: {  	[tilespmem:v12+s21+$0x0] =	vst.idx.msk vm3, v7  }
.Ltmp5:
0x2ce: {  	[tilespmem:v9+s21+$0x0] =	vst.idx.msk vm0, v8;
	(pc) =	sbr.rel .LBB2_7-.Ltmp5, $4  }
0x2cf: {  	[hbm4b:s6+s2] =	stream.linear.scatter [tilespmem:s21], [sflag:$0x1], $0x80, $0x38;
	[tilespmem:$0x1780] =	vst v63  }
0x2d0: {  	_ =	swait.ge [sflag:s14], $0x80  }
0x2d1: {  	[sflag:s14] =	ssyncset.done $0x0  }
0x2d2: {  	[sflag:s14] =	ssyncadd.s32 $0xFFFFFF80  }
.LBB2_8:
0x2d3: {  	_ =	sfence.sel $0x180000  }
0x2d4: {  	[bflag:$0x0] =	sbarrier.arrive $0xFFFF  }
0x2d5: {  	_ =	strace $0x90000047  }
0x2d6: {  	s0 =	stileid.u32;
	[bflag:$0x2] =	sbarrier.arrive $0xFFFF  }
0x2d7: {  	p0 =	sne.s32 s0, $0x0;
	s0 =	rddreg [dreg:$0x3]  }
0x2d8: {  	s0 =	sadd.s32 @!p0 $0x100000, s0  }
0x2d9: {  	[sflag:s0] =	ssyncadd.tile.s32 @!p0 $0x1;
	_ =	shalt  }
.Lfunc_end2:
_tile_overlayer_lowered:
.L_overlay_start_2:
0x2da: {  	(tag) =	ssettag $0x2  }
0x2db: {  	s0 =	rddreg [dreg:$0x0];
	s2 =	stileid.u32  }
0x2dc: {  	s1 =	rddreg [dreg:$0x1];
	p0 =	sne.s32 s2, $0x0  }
0x2dd: {  	s3 =	rddreg [dreg:$0x2];
	[bflag:$0x3] =	sbarrier.arrive $0xFFFF;
	s2 =	simm.s32 @!p0 $0x1C01  }
0x2de: {  	[timem:s3], [sflag:s2] =	dma.local @!p0 [hbm:s0], s1  }
0x2df: {  	s0 =	simm.s32 @!p0 $0x1  }
0x2e0: {  	_ =	swait.ge @!p0 [sflag:s0], s1  }
0x2e1: {  	s1 =	ssub.s32 @!p0 $0x0, s1;
	[sflag:s0] =	ssyncset.done @!p0 $0x0  }
0x2e2: {  	[sflag:s0] =	ssyncadd.s32 @!p0 s1  }
0x2e3: {  	[bflag:$0x3] =	sbarrier.arrive $0xFFFF  }
0x2e4: {  	_ =	shalt  }

</sc_bundles>
